<compile_context>
chip_gen: v7x
topology: tpu7x:2x2x1
jax: 0.10.2.dev20260603
libtpu: 0.0.44.dev20260713+nightly
codegen_flags: <defaults>
</compile_context>

<pallas_src>
import functools

import jax
import jax.numpy as jnp
from jax import lax
from jax.experimental import pallas as pl
from jax.experimental.pallas import tpu as pltpu
from jax.experimental.pallas import tpu_sc as plsc

N = 10000
E = 320000
H = 32
EMB = 32
NC = 2
NS = 16
NTILES = NC * NS
FPT = H // NS
EPT = E // NTILES
HALF = E // NC
CH = 8000
NCHUNK = HALF // CH
CHD = 2000
BN_SCALE = 1.0 / (1.0 + 1e-5) ** 0.5



def _pack_g(g32):
    lo = lax.bitcast_convert_type(g32[:16].astype(jnp.bfloat16),
                                  jnp.uint16).astype(jnp.uint32)
    hi = lax.bitcast_convert_type(g32[16:].astype(jnp.bfloat16),
                                  jnp.uint16).astype(jnp.uint32)
    return lax.bitcast_convert_type(lo | (hi << 16), jnp.int32)


def _prologue_body(a0_ref, a1_ref, w_ref, r_ref, c_ref, x_ref, emb_ref,
                   wf_ref, bf_ref, wc_ref, bc_ref, ew_ref, rc_ref, h0t_ref):
    a0 = a0_ref[...]
    a1 = a1_ref[...]
    ew = a0 * w_ref[0, 0] + a1 * w_ref[1, 0] + w_ref[2, 0]
    mx = jnp.max(ew)
    ew_ref[...] = jnp.where(mx > 1000.0, ew / mx, ew)
    rc_ref[...] = r_ref[...] | (c_ref[...] << 16)

    xc = jnp.nan_to_num(x_ref[...], nan=0.0)
    feat = xc @ wf_ref[...] + bf_ref[...]
    wtop = wc_ref[...][:EMB]
    wbot = wc_ref[...][EMB:]
    t1 = lax.dot_general(wtop, emb_ref[...], (((0,), (1,)), ((), ())))
    t2 = lax.dot_general(wbot, feat, (((0,), (1,)), ((), ())))
    h0t_ref[...] = jax.nn.relu(t1 + t2 + bc_ref[...])


def _norm_body(part_ref, h0t_ref, dis_ref, sn_ref, g0p_ref):
    deg = 1.0 + jnp.sum(part_ref[...], axis=0, keepdims=True)
    safe = jnp.where(deg > 0, deg, 1.0)
    dis = jnp.where(deg > 0, 1.0 / jnp.sqrt(safe), 0.0)
    dis_ref[...] = dis
    sn_ref[...] = dis * dis
    g0p_ref[...] = _pack_g(h0t_ref[...] * dis)


def _unpack_p(p_ref):
    psum = p_ref[0] + p_ref[1]
    return jnp.concatenate([psum[:, 0], psum[:, 1]], axis=0)


def _layer_body(p_ref, ht_ref, dis_ref, sn_ref, w_ref, b_ref, gam_ref,
                bet_ref, hout_ref, gout_ref):
    p = _unpack_p(p_ref)
    ht = ht_ref[...]
    dis = dis_ref[...]
    agg = dis * p + sn_ref[...] * ht
    outt = lax.dot_general(w_ref[...], agg, (((0,), (0,)), ((), ())))
    outt = outt + b_ref[...]
    hn = jax.nn.relu(outt) * (BN_SCALE * gam_ref[...]) + bet_ref[...] + ht
    hout_ref[...] = hn
    gout_ref[...] = _pack_g(hn * dis)


def _layer_final_body(p_ref, ht_ref, dis_ref, sn_ref, w_ref, b_ref, gam_ref,
                      bet_ref, wl_ref, bl_ref, out_ref):
    p = _unpack_p(p_ref)
    ht = ht_ref[...]
    dis = dis_ref[...]
    agg = dis * p + sn_ref[...] * ht
    outt = lax.dot_general(w_ref[...], agg, (((0,), (0,)), ((), ())))
    outt = outt + b_ref[...]
    hn = jax.nn.relu(outt) * (BN_SCALE * gam_ref[...]) + bet_ref[...] + ht
    o = lax.dot_general(hn, wl_ref[...], (((0,), (0,)), ((), ())))
    out_ref[...] = jnp.clip(o + bl_ref[...], -10.0, 10.0)


def _tc(body, out_shape, *args):
    return pl.pallas_call(body, out_shape=out_shape)(*args)



_MESH = plsc.VectorSubcoreMesh(core_axis_name="c", subcore_axis_name="s")
_SC_PARAMS = pltpu.CompilerParams(needs_layout_passes=False)


@functools.partial(
    pl.kernel,
    out_type=jax.ShapeDtypeStruct((NTILES * N,), jnp.float32),
    mesh=_MESH,
    compiler_params=_SC_PARAMS,
    scratch_types=[
        pltpu.VMEM((CHD,), jnp.float32),
        pltpu.VMEM((CHD,), jnp.int32),
        pltpu.VMEM((N,), jnp.float32),
    ],
)
def _sc_deg(ew_hbm, col_hbm, part_hbm, ew_v, col_v, acc_v):
    cid = lax.axis_index("c")
    sid = lax.axis_index("s")
    wid = cid * NS + sid
    base = wid * EPT

    @plsc.parallel_loop(0, N // 16, unroll=4)
    def zero_body(i):
        acc_v[pl.ds(i * 16, 16)] = jnp.zeros((16,), jnp.float32)

    def chunk_body(k, _):
        off = base + k * CHD
        pltpu.sync_copy(ew_hbm.at[pl.ds(off, CHD)], ew_v)
        pltpu.sync_copy(col_hbm.at[pl.ds(off, CHD)], col_v)

        @plsc.parallel_loop(0, CHD // 16, unroll=4)
        def grp(j):
            c16 = col_v[pl.ds(j * 16, 16)]
            w16 = ew_v[pl.ds(j * 16, 16)]
            plsc.addupdate_scatter(acc_v, [c16], w16)

        return _

    lax.fori_loop(0, EPT // CHD, chunk_body, None)
    pltpu.sync_copy(acc_v, part_hbm.at[pl.ds(wid * N, N)])


@functools.partial(
    pl.kernel,
    out_type=jax.ShapeDtypeStruct((NC * H * N,), jnp.float32),
    mesh=_MESH,
    compiler_params=_SC_PARAMS,
    scratch_types=[
        pltpu.VMEM((N,), jnp.int32),
        pltpu.VMEM((FPT * N,), jnp.float32),
        pltpu.VMEM((CH,), jnp.int32),
        pltpu.VMEM((CH,), jnp.int32),
        pltpu.VMEM((CH,), jnp.float32),
        pltpu.VMEM((CH,), jnp.float32),
        pltpu.SemaphoreType.DMA,
        pltpu.SemaphoreType.DMA,
        pltpu.SemaphoreType.DMA,
        pltpu.SemaphoreType.DMA,
        pltpu.SemaphoreType.DMA,
    ],
)
def _sc_scatter(gp_hbm, rc_hbm, w_hbm, p_hbm, g_v, acc_v, rc_v0, rc_v1,
                w_v0, w_v1, rsem0, rsem1, wsem0, wsem1, gsem):
    cid = lax.axis_index("c")
    sid = lax.axis_index("s")
    rsems = (rsem0, rsem1)
    wsems = (wsem0, wsem1)
    rcbufs = (rc_v0, rc_v1)
    wbufs = (w_v0, w_v1)
    gcp = pltpu.async_copy(gp_hbm.at[pl.ds(sid * N, N)], g_v, gsem)

    @plsc.parallel_loop(0, (FPT * N) // 16, unroll=4)
    def zero_body(i):
        acc_v[pl.ds(i * 16, 16)] = jnp.zeros((16,), jnp.float32)

    gcp.wait()
    ebase = cid * HALF

    def issue(k, b):
        pltpu.async_copy(rc_hbm.at[pl.ds(ebase + k * CH, CH)],
                         rcbufs[b], rsems[b])
        pltpu.async_copy(w_hbm.at[pl.ds(ebase + k * CH, CH)],
                         wbufs[b], wsems[b])

    issue(0, 0)
    issue(1, 1)

    def outer(gi, _):
        for b in range(2):
            rcbuf = rcbufs[b]
            wbuf = wbufs[b]
            k = gi * 2 + b
            pltpu.make_async_copy(rc_hbm.at[pl.ds(ebase, CH)],
                                  rcbuf, rsems[b]).wait()
            pltpu.make_async_copy(w_hbm.at[pl.ds(ebase, CH)],
                                  wbuf, wsems[b]).wait()

            @plsc.parallel_loop(0, CH // 16, unroll=8)
            def grp(j):
                rc16 = rcbuf[pl.ds(j * 16, 16)]
                w16 = wbuf[pl.ds(j * 16, 16)]
                r16 = rc16 & 0xFFFF
                c16 = lax.shift_right_logical(rc16, 16)
                vals = plsc.load_gather(g_v, [r16])
                v0 = plsc.bitcast(lax.shift_left(vals, 16), jnp.float32)
                v1 = plsc.bitcast(vals & jnp.int32(-65536), jnp.float32)
                plsc.addupdate_scatter(acc_v, [c16], v0 * w16)
                plsc.addupdate_scatter(acc_v, [c16 + N], v1 * w16)

            @pl.when(k + 2 < NCHUNK)
            def _reissue():
                issue(k + 2, b)

        return _

    lax.fori_loop(0, NCHUNK // 2, outer, None)
    pltpu.sync_copy(acc_v, p_hbm.at[pl.ds(cid * (H * N) + sid * (FPT * N),
                                          FPT * N)])



def kernel(x, edge_index, edge_attr, emb_w, W_feat, b_feat, W_edge, b_edge,
           W_comb, b_comb, W_c0, b_c0, W_c1, b_c1, W_c2, b_c2, gamma, beta,
           W_lin, b_lin):
    f32 = jnp.float32
    row = edge_index[0]
    col = edge_index[1]
    a0 = edge_attr[:, 0].reshape(E // 128, 128)
    a1 = edge_attr[:, 1].reshape(E // 128, 128)
    wpack = jnp.concatenate([W_edge, b_edge[:, None]], axis=0)

    r2 = row.reshape(E // 128, 128)
    c2 = col.reshape(E // 128, 128)
    ew2, rc2, h0t = _tc(
        _prologue_body,
        (jax.ShapeDtypeStruct((E // 128, 128), f32),
         jax.ShapeDtypeStruct((E // 128, 128), jnp.int32),
         jax.ShapeDtypeStruct((H, N), f32)),
        a0, a1, wpack, r2, c2, x, emb_w, W_feat, b_feat.reshape(1, EMB),
        W_comb, b_comb.reshape(H, 1))
    ew = ew2.reshape(E)
    rc = rc2.reshape(E)

    part = _sc_deg(ew, col).reshape(NTILES, N)

    dis, sn, gp = _tc(
        _norm_body,
        (jax.ShapeDtypeStruct((1, N), f32),
         jax.ShapeDtypeStruct((1, N), f32),
         jax.ShapeDtypeStruct((NS, N), jnp.int32)),
        part, h0t)

    ht = h0t
    for (W, b) in ((W_c0, b_c0), (W_c1, b_c1)):
        pflat = _sc_scatter(gp.reshape(NS * N), rc, ew)
        p2 = pflat.reshape(NC, NS, FPT, N)
        ht, gp = _tc(
            _layer_body,
            (jax.ShapeDtypeStruct((H, N), f32),
             jax.ShapeDtypeStruct((NS, N), jnp.int32)),
            p2, ht, dis, sn, W, b.reshape(H, 1), gamma.reshape(H, 1),
            beta.reshape(H, 1))

    pflat = _sc_scatter(gp.reshape(NS * N), rc, ew)
    p2 = pflat.reshape(NC, NS, FPT, N)
    out = _tc(
        _layer_final_body, jax.ShapeDtypeStruct((N, 1), f32),
        p2, ht, dis, sn, W_c2, b_c2.reshape(H, 1), gamma.reshape(H, 1),
        beta.reshape(H, 1), W_lin, b_lin.reshape(1, 1))
    return out

# --- scband reference (transcript-rebuilt; emitter-appended) ---
"""Pipeline reference for scband-enhanced-gcn-31911607009486 (READ-ONLY COPY).

The authoritative reference and input builder live on the scoring server;
editing this copy changes nothing except your own understanding.
"""

import jax, jax.numpy as jnp
import numpy as np

N = 10000
E = 320000
D_IN = 128
EMB = 32
H = 32

def _glorot(k, shape, gain=0.1):
    limit = gain * np.sqrt(6.0 / (shape[0] + shape[1]))
    return jax.random.uniform(k, shape, minval=-limit, maxval=limit, dtype=jnp.float32)

def setup_inputs(seed: int = 0):
    key = jax.random.key(seed)
    ks = jax.random.split(key, 16)
    inp = {}
    inp["x"] = jax.random.normal(ks[0], (N, D_IN), dtype=jnp.float32)
    inp["edge_index"] = jax.random.randint(ks[1], (2, E), 0, N, dtype=jnp.int32)
    inp["edge_attr"] = jax.random.uniform(ks[2], (E, 2), dtype=jnp.float32)
    inp["emb_w"] = _glorot(ks[3], (N, EMB))
    inp["W_feat"] = _glorot(ks[4], (D_IN, EMB))
    inp["b_feat"] = jnp.zeros((EMB,), jnp.float32)
    inp["W_edge"] = jnp.abs(jax.random.normal(ks[5], (2, 1), dtype=jnp.float32)) * 0.1 + 0.05
    inp["b_edge"] = jnp.full((1,), 0.01, jnp.float32)
    inp["W_comb"] = _glorot(ks[6], (2 * EMB, H))
    inp["b_comb"] = jnp.zeros((H,), jnp.float32)
    inp["W_c0"] = _glorot(ks[7], (H, H))
    inp["b_c0"] = jnp.zeros((H,), jnp.float32)
    inp["W_c1"] = _glorot(ks[8], (H, H))
    inp["b_c1"] = jnp.zeros((H,), jnp.float32)
    inp["W_c2"] = _glorot(ks[9], (H, H))
    inp["b_c2"] = jnp.zeros((H,), jnp.float32)
    inp["gamma"] = jnp.ones((H,), jnp.float32)
    inp["beta"] = jnp.zeros((H,), jnp.float32)
    inp["W_lin"] = _glorot(ks[10], (H, 1))
    inp["b_lin"] = jnp.zeros((1,), jnp.float32)
    return inp

def _gcn_conv(h, W, b, row, col, ew, n):
    # PyG GCNConv: lin (no bias) -> symmetric gcn_norm with self-loops -> scatter-add -> + bias
    hw = h @ W
    loop = jnp.arange(n)
    r = jnp.concatenate([row, loop])
    c = jnp.concatenate([col, loop])
    w = jnp.concatenate([ew, jnp.ones((n,), ew.dtype)])
    deg = jnp.zeros((n,), ew.dtype).at[c].add(w)
    safe = jnp.where(deg > 0, deg, 1.0)
    dis = jnp.where(deg > 0, 1.0 / jnp.sqrt(safe), 0.0)
    norm = dis[r] * w * dis[c]
    out = jnp.zeros_like(hw).at[c].add(hw[r] * norm[:, None])
    return out + b

def reference(x, edge_index, edge_attr, emb_w, W_feat, b_feat, W_edge, b_edge, W_comb, b_comb, W_c0, b_c0, W_c1, b_c1, W_c2, b_c2, gamma, beta, W_lin, b_lin):
    x = jnp.nan_to_num(x, nan=0.0)
    ew = (edge_attr @ W_edge + b_edge)[:, 0]
    mx = jnp.max(ew)
    ew = jnp.where(mx > 1000.0, ew / mx, ew)
    feat = x @ W_feat + b_feat
    h = jax.nn.relu(jnp.concatenate([emb_w, feat], axis=1) @ W_comb + b_comb)
    row = edge_index[0]
    col = edge_index[1]
    bn_scale = 1.0 / jnp.sqrt(1.0 + 1e-5)  # eval-mode BatchNorm1d: running_mean=0, running_var=1
    for (W, b) in ((W_c0, b_c0), (W_c1, b_c1), (W_c2, b_c2)):
        hn = jax.nn.relu(_gcn_conv(h, W, b, row, col, ew, N))
        hn = hn * bn_scale * gamma + beta
        h = hn + h  # shapes match -> residual
    out = h @ W_lin + b_lin
    return jnp.clip(out, -10.0, 10.0)

if __name__ == "__main__":
    import jax
    _d = setup_inputs()
    print(jax.jit(kernel)(*tuple(_d.values())))

</pallas_src>

<mosaic_0001>
#map = affine_map<(d0, d1) -> (0)>
module attributes {stable_mosaic.version = 14 : i64} {
  func.func @_sc_deg(%arg0: i32, %arg1: i32, %arg2: memref<320000xf32, #tpu.memory_space<hbm>>, %arg3: memref<320000xi32, #tpu.memory_space<hbm>>, %arg4: memref<320000xf32, #tpu.memory_space<hbm>>, %arg5: memref<2000xf32, #tpu.memory_space<vmem>>, %arg6: memref<2000xi32, #tpu.memory_space<vmem>>, %arg7: memref<10000xf32, #tpu.memory_space<vmem>>) attributes {dimension_semantics = [#tpu.dimension_semantics<core_parallel>, #tpu.dimension_semantics<subcore_parallel>], iteration_bounds = array<i64: 2, 16>, scalar_prefetch = 0 : i64, scratch_operands = 3 : i64, tpu.core_type = #tpu.core_type<sc_vector_subcore>, window_params = [{transform_indices = #map}, {transform_indices = #map}, {transform_indices = #map}]} {
    %mul3A = arith.constant 16 : i32
    %mul3A_0 = arith.muli %arg0, %mul3A : i32
    %add3A = arith.addi %mul3A_0, %arg1 : i32
    %mul3A_1 = arith.constant 10000 : i32
    %mul3A_2 = arith.muli %add3A, %mul3A_1 : i32
    %parallel_loop3A = arith.constant 0 : i32
    %parallel_loop3A_3 = arith.constant 625 : i32
    %parallel_loop3A_4 = arith.constant 1 : i32
    scf.for %parallel_loop3A_11 = %parallel_loop3A to %parallel_loop3A_3 step %parallel_loop3A_4  : i32 {
      %parallel_loop3A_12 = arith.constant 0.000000e+00 : f32
      %parallel_loop3A_13 = vector.broadcast %parallel_loop3A_12 : f32 to vector<16xf32>
      %parallel_loop3A_14 = arith.constant 16 : i32
      %parallel_loop3A_15 = arith.muli %parallel_loop3A_11, %parallel_loop3A_14 : i32
      %parallel_loop3A_16 = arith.index_cast %parallel_loop3A_15 : i32 to index
      %parallel_loop3A_17 = tpu.vector_load %arg7[%parallel_loop3A_16] {strides = array<i32>} : memref<10000xf32, #tpu.memory_space<vmem>>, vector<16xf32>,
      tpu.vector_store %arg7[%parallel_loop3A_16], %parallel_loop3A_13 {strides = array<i32>} : memref<10000xf32, #tpu.memory_space<vmem>>, vector<16xf32>,
    } {sc.loop_unroll_factor = 4 : i64, sc.parallel_access}
    %scan3A = arith.constant 0 : i32
    %scan3A_5 = arith.constant 5 : i32
    %scan3A_6 = arith.addi %scan3A, %scan3A_5 : i32
    %scan3A_7 = arith.constant 1 : i32
    scf.for %scan3A_11 = %scan3A to %scan3A_6 step %scan3A_7  : i32 {
      %mul3A_12 = arith.constant 2000 : i32
      %mul3A_13 = arith.muli %scan3A_11, %mul3A_12 : i32
      %add3A_14 = arith.addi %mul3A_2, %mul3A_13 : i32
      "tpu.region"() ({
        %run_scoped3A = tpu.sem_alloc : memref<!tpu.dma_semaphore, #tpu.memory_space<semaphore_mem>>
        %dma_start3A = tpu.memref_slice %arg2[%add3A_14] : memref<320000xf32, #tpu.memory_space<hbm>> -> memref<2000xf32, #tpu.memory_space<hbm>>
        %dma_start3A_18 = tpu.memref_slice %arg2[%add3A_14] : memref<320000xf32, #tpu.memory_space<hbm>> -> memref<2000xf32, #tpu.memory_space<hbm>>
        tpu.enqueue_dma source(%dma_start3A_18 : memref<2000xf32, #tpu.memory_space<hbm>>) target(%arg5 : memref<2000xf32, #tpu.memory_space<vmem>>) target_semaphore(%run_scoped3A : memref<!tpu.dma_semaphore, #tpu.memory_space<semaphore_mem>>)
        %dma_wait3A = tpu.memref_slice %arg2[%add3A_14] : memref<320000xf32, #tpu.memory_space<hbm>> -> memref<2000xf32, #tpu.memory_space<hbm>>
        %dma_wait3A_19 = tpu.memref_slice %arg2[%add3A_14] : memref<320000xf32, #tpu.memory_space<hbm>> -> memref<2000xf32, #tpu.memory_space<hbm>>
        tpu.wait_dma2 semaphore(%run_scoped3A : memref<!tpu.dma_semaphore, #tpu.memory_space<semaphore_mem>>) src(%dma_wait3A_19 : memref<2000xf32, #tpu.memory_space<hbm>>) dst(%arg5 : memref<2000xf32, #tpu.memory_space<vmem>>)
        tpu.yield
      }) : () -> ()
      "tpu.region"() ({
        %run_scoped3A = tpu.sem_alloc : memref<!tpu.dma_semaphore, #tpu.memory_space<semaphore_mem>>
        %dma_start3A = tpu.memref_slice %arg3[%add3A_14] : memref<320000xi32, #tpu.memory_space<hbm>> -> memref<2000xi32, #tpu.memory_space<hbm>>
        %dma_start3A_18 = tpu.memref_slice %arg3[%add3A_14] : memref<320000xi32, #tpu.memory_space<hbm>> -> memref<2000xi32, #tpu.memory_space<hbm>>
        tpu.enqueue_dma source(%dma_start3A_18 : memref<2000xi32, #tpu.memory_space<hbm>>) target(%arg6 : memref<2000xi32, #tpu.memory_space<vmem>>) target_semaphore(%run_scoped3A : memref<!tpu.dma_semaphore, #tpu.memory_space<semaphore_mem>>)
        %dma_wait3A = tpu.memref_slice %arg3[%add3A_14] : memref<320000xi32, #tpu.memory_space<hbm>> -> memref<2000xi32, #tpu.memory_space<hbm>>
        %dma_wait3A_19 = tpu.memref_slice %arg3[%add3A_14] : memref<320000xi32, #tpu.memory_space<hbm>> -> memref<2000xi32, #tpu.memory_space<hbm>>
        tpu.wait_dma2 semaphore(%run_scoped3A : memref<!tpu.dma_semaphore, #tpu.memory_space<semaphore_mem>>) src(%dma_wait3A_19 : memref<2000xi32, #tpu.memory_space<hbm>>) dst(%arg6 : memref<2000xi32, #tpu.memory_space<vmem>>)
        tpu.yield
      }) : () -> ()
      %parallel_loop3A_15 = arith.constant 0 : i32
      %parallel_loop3A_16 = arith.constant 125 : i32
      %parallel_loop3A_17 = arith.constant 1 : i32
      scf.for %parallel_loop3A_18 = %parallel_loop3A_15 to %parallel_loop3A_16 step %parallel_loop3A_17  : i32 {
        %parallel_loop3A_19 = arith.constant 16 : i32
        %parallel_loop3A_20 = arith.muli %parallel_loop3A_18, %parallel_loop3A_19 : i32
        %parallel_loop3A_21 = arith.index_cast %parallel_loop3A_20 : i32 to index
        %parallel_loop3A_22 = tpu.vector_load %arg6[%parallel_loop3A_21] {strides = array<i32>} : memref<2000xi32, #tpu.memory_space<vmem>>, vector<16xi32>,
        %parallel_loop3A_23 = arith.constant 16 : i32
        %parallel_loop3A_24 = arith.muli %parallel_loop3A_18, %parallel_loop3A_23 : i32
        %parallel_loop3A_25 = arith.index_cast %parallel_loop3A_24 : i32 to index
        %parallel_loop3A_26 = tpu.vector_load %arg5[%parallel_loop3A_25] {strides = array<i32>} : memref<2000xf32, #tpu.memory_space<vmem>>, vector<16xf32>,
        tpu.vector_store_idx %arg7[%parallel_loop3A_22], %parallel_loop3A_26 {add = true} : memref<10000xf32, #tpu.memory_space<vmem>>[vector<16xi32>], vector<16xf32>,
      } {sc.loop_unroll_factor = 4 : i64, sc.parallel_access}
    }
    %scan3A_8 = arith.constant 5 : i32
    %mul3A_9 = arith.constant 10000 : i32
    %mul3A_10 = arith.muli %add3A, %mul3A_9 : i32
    "tpu.region"() ({
      %run_scoped3A = tpu.sem_alloc : memref<!tpu.dma_semaphore, #tpu.memory_space<semaphore_mem>>
      %dma_start3A = tpu.memref_slice %arg4[%mul3A_10] : memref<320000xf32, #tpu.memory_space<hbm>> -> memref<10000xf32, #tpu.memory_space<hbm>>
      %dma_start3A_11 = tpu.memref_slice %arg4[%mul3A_10] : memref<320000xf32, #tpu.memory_space<hbm>> -> memref<10000xf32, #tpu.memory_space<hbm>>
      tpu.enqueue_dma source(%arg7 : memref<10000xf32, #tpu.memory_space<vmem>>) target(%dma_start3A_11 : memref<10000xf32, #tpu.memory_space<hbm>>) target_semaphore(%run_scoped3A : memref<!tpu.dma_semaphore, #tpu.memory_space<semaphore_mem>>)
      %dma_wait3A = tpu.memref_slice %arg4[%mul3A_10] : memref<320000xf32, #tpu.memory_space<hbm>> -> memref<10000xf32, #tpu.memory_space<hbm>>
      %dma_wait3A_12 = tpu.memref_slice %arg4[%mul3A_10] : memref<320000xf32, #tpu.memory_space<hbm>> -> memref<10000xf32, #tpu.memory_space<hbm>>
      tpu.wait_dma2 semaphore(%run_scoped3A : memref<!tpu.dma_semaphore, #tpu.memory_space<semaphore_mem>>) src(%arg7 : memref<10000xf32, #tpu.memory_space<vmem>>) dst(%dma_wait3A_12 : memref<10000xf32, #tpu.memory_space<hbm>>)
      tpu.yield
    }) : () -> ()
    return
  }
}

#map = affine_map<(d0, d1) -> (0)>
module attributes {stable_mosaic.version = 14 : i64} {
  func.func @_sc_scatter(%arg0: i32, %arg1: i32, %arg2: memref<160000xi32, #tpu.memory_space<hbm>>, %arg3: memref<320000xi32, #tpu.memory_space<hbm>>, %arg4: memref<320000xf32, #tpu.memory_space<hbm>>, %arg5: memref<640000xf32, #tpu.memory_space<hbm>>, %arg6: memref<10000xi32, #tpu.memory_space<vmem>>, %arg7: memref<20000xf32, #tpu.memory_space<vmem>>, %arg8: memref<8000xi32, #tpu.memory_space<vmem>>, %arg9: memref<8000xi32, #tpu.memory_space<vmem>>, %arg10: memref<8000xf32, #tpu.memory_space<vmem>>, %arg11: memref<8000xf32, #tpu.memory_space<vmem>>, %arg12: memref<!tpu.dma_semaphore, #tpu.memory_space<semaphore_mem>>, %arg13: memref<!tpu.dma_semaphore, #tpu.memory_space<semaphore_mem>>, %arg14: memref<!tpu.dma_semaphore, #tpu.memory_space<semaphore_mem>>, %arg15: memref<!tpu.dma_semaphore, #tpu.memory_space<semaphore_mem>>, %arg16: memref<!tpu.dma_semaphore, #tpu.memory_space<semaphore_mem>>) attributes {dimension_semantics = [#tpu.dimension_semantics<core_parallel>, #tpu.dimension_semantics<subcore_parallel>], iteration_bounds = array<i64: 2, 16>, scalar_prefetch = 0 : i64, scratch_operands = 11 : i64, tpu.core_type = #tpu.core_type<sc_vector_subcore>, window_params = [{transform_indices = #map}, {transform_indices = #map}, {transform_indices = #map}, {transform_indices = #map}]} {
    %mul3A = arith.constant 10000 : i32
    %mul3A_0 = arith.muli %arg1, %mul3A : i32
    %dma_start3A = tpu.memref_slice %arg2[%mul3A_0] : memref<160000xi32, #tpu.memory_space<hbm>> -> memref<10000xi32, #tpu.memory_space<hbm>>
    %dma_start3A_1 = tpu.memref_slice %arg2[%mul3A_0] : memref<160000xi32, #tpu.memory_space<hbm>> -> memref<10000xi32, #tpu.memory_space<hbm>>
    tpu.enqueue_dma source(%dma_start3A_1 : memref<10000xi32, #tpu.memory_space<hbm>>) target(%arg6 : memref<10000xi32, #tpu.memory_space<vmem>>) target_semaphore(%arg16 : memref<!tpu.dma_semaphore, #tpu.memory_space<semaphore_mem>>)
    %parallel_loop3A = arith.constant 0 : i32
    %parallel_loop3A_2 = arith.constant 1250 : i32
    %parallel_loop3A_3 = arith.constant 1 : i32
    scf.for %parallel_loop3A_31 = %parallel_loop3A to %parallel_loop3A_2 step %parallel_loop3A_3  : i32 {
      %parallel_loop3A_32 = arith.constant 0.000000e+00 : f32
      %parallel_loop3A_33 = vector.broadcast %parallel_loop3A_32 : f32 to vector<16xf32>
      %parallel_loop3A_34 = arith.constant 16 : i32
      %parallel_loop3A_35 = arith.muli %parallel_loop3A_31, %parallel_loop3A_34 : i32
      %parallel_loop3A_36 = arith.index_cast %parallel_loop3A_35 : i32 to index
      %parallel_loop3A_37 = tpu.vector_load %arg7[%parallel_loop3A_36] {strides = array<i32>} : memref<20000xf32, #tpu.memory_space<vmem>>, vector<16xf32>,
      tpu.vector_store %arg7[%parallel_loop3A_36], %parallel_loop3A_33 {strides = array<i32>} : memref<20000xf32, #tpu.memory_space<vmem>>, vector<16xf32>,
    } {sc.loop_unroll_factor = 4 : i64, sc.parallel_access}
    %dma_wait3A = tpu.memref_slice %arg2[%mul3A_0] : memref<160000xi32, #tpu.memory_space<hbm>> -> memref<10000xi32, #tpu.memory_space<hbm>>
    %dma_wait3A_4 = tpu.memref_slice %arg2[%mul3A_0] : memref<160000xi32, #tpu.memory_space<hbm>> -> memref<10000xi32, #tpu.memory_space<hbm>>
    tpu.wait_dma2 semaphore(%arg16 : memref<!tpu.dma_semaphore, #tpu.memory_space<semaphore_mem>>) src(%dma_wait3A_4 : memref<10000xi32, #tpu.memory_space<hbm>>) dst(%arg6 : memref<10000xi32, #tpu.memory_space<vmem>>)
    %mul3A_5 = arith.constant 160000 : i32
    %mul3A_6 = arith.muli %arg0, %mul3A_5 : i32
    %add3A = arith.constant 0 : i32
    %add3A_7 = arith.addi %mul3A_6, %add3A : i32
    %dma_start3A_8 = tpu.memref_slice %arg3[%add3A_7] : memref<320000xi32, #tpu.memory_space<hbm>> -> memref<8000xi32, #tpu.memory_space<hbm>>
    %dma_start3A_9 = tpu.memref_slice %arg3[%add3A_7] : memref<320000xi32, #tpu.memory_space<hbm>> -> memref<8000xi32, #tpu.memory_space<hbm>>
    tpu.enqueue_dma source(%dma_start3A_9 : memref<8000xi32, #tpu.memory_space<hbm>>) target(%arg8 : memref<8000xi32, #tpu.memory_space<vmem>>) target_semaphore(%arg12 : memref<!tpu.dma_semaphore, #tpu.memory_space<semaphore_mem>>)
    %add3A_10 = arith.constant 0 : i32
    %add3A_11 = arith.addi %mul3A_6, %add3A_10 : i32
    %dma_start3A_12 = tpu.memref_slice %arg4[%add3A_11] : memref<320000xf32, #tpu.memory_space<hbm>> -> memref<8000xf32, #tpu.memory_space<hbm>>
    %dma_start3A_13 = tpu.memref_slice %arg4[%add3A_11] : memref<320000xf32, #tpu.memory_space<hbm>> -> memref<8000xf32, #tpu.memory_space<hbm>>
    tpu.enqueue_dma source(%dma_start3A_13 : memref<8000xf32, #tpu.memory_space<hbm>>) target(%arg10 : memref<8000xf32, #tpu.memory_space<vmem>>) target_semaphore(%arg14 : memref<!tpu.dma_semaphore, #tpu.memory_space<semaphore_mem>>)
    %add3A_14 = arith.constant 8000 : i32
    %add3A_15 = arith.addi %mul3A_6, %add3A_14 : i32
    %dma_start3A_16 = tpu.memref_slice %arg3[%add3A_15] : memref<320000xi32, #tpu.memory_space<hbm>> -> memref<8000xi32, #tpu.memory_space<hbm>>
    %dma_start3A_17 = tpu.memref_slice %arg3[%add3A_15] : memref<320000xi32, #tpu.memory_space<hbm>> -> memref<8000xi32, #tpu.memory_space<hbm>>
    tpu.enqueue_dma source(%dma_start3A_17 : memref<8000xi32, #tpu.memory_space<hbm>>) target(%arg9 : memref<8000xi32, #tpu.memory_space<vmem>>) target_semaphore(%arg13 : memref<!tpu.dma_semaphore, #tpu.memory_space<semaphore_mem>>)
    %add3A_18 = arith.constant 8000 : i32
    %add3A_19 = arith.addi %mul3A_6, %add3A_18 : i32
    %dma_start3A_20 = tpu.memref_slice %arg4[%add3A_19] : memref<320000xf32, #tpu.memory_space<hbm>> -> memref<8000xf32, #tpu.memory_space<hbm>>
    %dma_start3A_21 = tpu.memref_slice %arg4[%add3A_19] : memref<320000xf32, #tpu.memory_space<hbm>> -> memref<8000xf32, #tpu.memory_space<hbm>>
    tpu.enqueue_dma source(%dma_start3A_21 : memref<8000xf32, #tpu.memory_space<hbm>>) target(%arg11 : memref<8000xf32, #tpu.memory_space<vmem>>) target_semaphore(%arg15 : memref<!tpu.dma_semaphore, #tpu.memory_space<semaphore_mem>>)
    %scan3A = arith.constant 0 : i32
    %scan3A_22 = arith.constant 10 : i32
    %scan3A_23 = arith.addi %scan3A, %scan3A_22 : i32
    %scan3A_24 = arith.constant 1 : i32
    scf.for %scan3A_31 = %scan3A to %scan3A_23 step %scan3A_24  : i32 {
      %mul3A_32 = arith.constant 2 : i32
      %mul3A_33 = arith.muli %scan3A_31, %mul3A_32 : i32
      %add3A_34 = arith.constant 0 : i32
      %add3A_35 = arith.addi %mul3A_33, %add3A_34 : i32
      %dma_wait3A_36 = tpu.memref_slice %arg3[%mul3A_6] : memref<320000xi32, #tpu.memory_space<hbm>> -> memref<8000xi32, #tpu.memory_space<hbm>>
      %dma_wait3A_37 = tpu.memref_slice %arg3[%mul3A_6] : memref<320000xi32, #tpu.memory_space<hbm>> -> memref<8000xi32, #tpu.memory_space<hbm>>
      tpu.wait_dma2 semaphore(%arg12 : memref<!tpu.dma_semaphore, #tpu.memory_space<semaphore_mem>>) src(%dma_wait3A_37 : memref<8000xi32, #tpu.memory_space<hbm>>) dst(%arg8 : memref<8000xi32, #tpu.memory_space<vmem>>)
      %dma_wait3A_38 = tpu.memref_slice %arg4[%mul3A_6] : memref<320000xf32, #tpu.memory_space<hbm>> -> memref<8000xf32, #tpu.memory_space<hbm>>
      %dma_wait3A_39 = tpu.memref_slice %arg4[%mul3A_6] : memref<320000xf32, #tpu.memory_space<hbm>> -> memref<8000xf32, #tpu.memory_space<hbm>>
      tpu.wait_dma2 semaphore(%arg14 : memref<!tpu.dma_semaphore, #tpu.memory_space<semaphore_mem>>) src(%dma_wait3A_39 : memref<8000xf32, #tpu.memory_space<hbm>>) dst(%arg10 : memref<8000xf32, #tpu.memory_space<vmem>>)
      %parallel_loop3A_40 = arith.constant 0 : i32
      %parallel_loop3A_41 = arith.constant 500 : i32
      %parallel_loop3A_42 = arith.constant 1 : i32
      scf.for %parallel_loop3A_65 = %parallel_loop3A_40 to %parallel_loop3A_41 step %parallel_loop3A_42  : i32 {
        %parallel_loop3A_66 = arith.constant 16 : i32
        %parallel_loop3A_67 = arith.muli %parallel_loop3A_65, %parallel_loop3A_66 : i32
        %parallel_loop3A_68 = arith.index_cast %parallel_loop3A_67 : i32 to index
        %parallel_loop3A_69 = tpu.vector_load %arg8[%parallel_loop3A_68] {strides = array<i32>} : memref<8000xi32, #tpu.memory_space<vmem>>, vector<16xi32>,
        %parallel_loop3A_70 = arith.constant 16 : i32
        %parallel_loop3A_71 = arith.muli %parallel_loop3A_65, %parallel_loop3A_70 : i32
        %parallel_loop3A_72 = arith.index_cast %parallel_loop3A_71 : i32 to index
        %parallel_loop3A_73 = tpu.vector_load %arg10[%parallel_loop3A_72] {strides = array<i32>} : memref<8000xf32, #tpu.memory_space<vmem>>, vector<16xf32>,
        %parallel_loop3A_74 = arith.constant 65535 : i32
        %parallel_loop3A_75 = vector.broadcast %parallel_loop3A_74 : i32 to vector<16xi32>
        %parallel_loop3A_76 = arith.andi %parallel_loop3A_69, %parallel_loop3A_75 : vector<16xi32>
        %parallel_loop3A_77 = arith.constant 16 : i32
        %parallel_loop3A_78 = vector.broadcast %parallel_loop3A_77 : i32 to vector<16xi32>
        %parallel_loop3A_79 = arith.shrui %parallel_loop3A_69, %parallel_loop3A_78 : vector<16xi32>
        %parallel_loop3A_80 = tpu.vector_load_idx %arg6[%parallel_loop3A_76] : memref<10000xi32, #tpu.memory_space<vmem>>[vector<16xi32>], vector<16xi32>,
        %parallel_loop3A_81 = arith.constant 16 : i32
        %parallel_loop3A_82 = vector.broadcast %parallel_loop3A_81 : i32 to vector<16xi32>
        %parallel_loop3A_83 = arith.shli %parallel_loop3A_80, %parallel_loop3A_82 : vector<16xi32>
        %parallel_loop3A_84 = vector.bitcast %parallel_loop3A_83 : vector<16xi32> to vector<16xf32>
        %parallel_loop3A_85 = arith.constant -65536 : i32
        %parallel_loop3A_86 = vector.broadcast %parallel_loop3A_85 : i32 to vector<16xi32>
        %parallel_loop3A_87 = arith.andi %parallel_loop3A_80, %parallel_loop3A_86 : vector<16xi32>
        %parallel_loop3A_88 = vector.bitcast %parallel_loop3A_87 : vector<16xi32> to vector<16xf32>
        %parallel_loop3A_89 = arith.mulf %parallel_loop3A_84, %parallel_loop3A_73 : vector<16xf32>
        tpu.vector_store_idx %arg7[%parallel_loop3A_79], %parallel_loop3A_89 {add = true} : memref<20000xf32, #tpu.memory_space<vmem>>[vector<16xi32>], vector<16xf32>,
        %parallel_loop3A_90 = arith.constant 10000 : i32
        %parallel_loop3A_91 = vector.broadcast %parallel_loop3A_90 : i32 to vector<16xi32>
        %parallel_loop3A_92 = arith.addi %parallel_loop3A_79, %parallel_loop3A_91 : vector<16xi32>
        %parallel_loop3A_93 = arith.mulf %parallel_loop3A_88, %parallel_loop3A_73 : vector<16xf32>
        tpu.vector_store_idx %arg7[%parallel_loop3A_92], %parallel_loop3A_93 {add = true} : memref<20000xf32, #tpu.memory_space<vmem>>[vector<16xi32>], vector<16xf32>,
      } {sc.loop_unroll_factor = 8 : i64, sc.parallel_access}
      %add3A_43 = arith.constant 2 : i32
      %add3A_44 = arith.addi %add3A_35, %add3A_43 : i32
      %lt3A = arith.constant 20 : i32
      %lt3A_45 = arith.cmpi slt, %add3A_44, %lt3A : i32
      %convert_element_type3A = arith.extui %lt3A_45 : i1 to i32
      %cond3A = arith.constant 0 : i32
      %cond3A_46 = arith.cmpi ne, %convert_element_type3A, %cond3A : i32
      scf.if %cond3A_46 {
        %add3A_65 = arith.constant 2 : i32
        %add3A_66 = arith.addi %add3A_35, %add3A_65 : i32
        %mul3A_67 = arith.constant 8000 : i32
        %mul3A_68 = arith.muli %add3A_66, %mul3A_67 : i32
        %add3A_69 = arith.addi %mul3A_6, %mul3A_68 : i32
        %dma_start3A_70 = tpu.memref_slice %arg3[%add3A_69] : memref<320000xi32, #tpu.memory_space<hbm>> -> memref<8000xi32, #tpu.memory_space<hbm>>
        %dma_start3A_71 = tpu.memref_slice %arg3[%add3A_69] : memref<320000xi32, #tpu.memory_space<hbm>> -> memref<8000xi32, #tpu.memory_space<hbm>>
        tpu.enqueue_dma source(%dma_start3A_71 : memref<8000xi32, #tpu.memory_space<hbm>>) target(%arg8 : memref<8000xi32, #tpu.memory_space<vmem>>) target_semaphore(%arg12 : memref<!tpu.dma_semaphore, #tpu.memory_space<semaphore_mem>>)
        %mul3A_72 = arith.constant 8000 : i32
        %mul3A_73 = arith.muli %add3A_66, %mul3A_72 : i32
        %add3A_74 = arith.addi %mul3A_6, %mul3A_73 : i32
        %dma_start3A_75 = tpu.memref_slice %arg4[%add3A_74] : memref<320000xf32, #tpu.memory_space<hbm>> -> memref<8000xf32, #tpu.memory_space<hbm>>
        %dma_start3A_76 = tpu.memref_slice %arg4[%add3A_74] : memref<320000xf32, #tpu.memory_space<hbm>> -> memref<8000xf32, #tpu.memory_space<hbm>>
        tpu.enqueue_dma source(%dma_start3A_76 : memref<8000xf32, #tpu.memory_space<hbm>>) target(%arg10 : memref<8000xf32, #tpu.memory_space<vmem>>) target_semaphore(%arg14 : memref<!tpu.dma_semaphore, #tpu.memory_space<semaphore_mem>>)
      } else {
      }
      %mul3A_47 = arith.constant 2 : i32
      %mul3A_48 = arith.muli %scan3A_31, %mul3A_47 : i32
      %add3A_49 = arith.constant 1 : i32
      %add3A_50 = arith.addi %mul3A_48, %add3A_49 : i32
      %dma_wait3A_51 = tpu.memref_slice %arg3[%mul3A_6] : memref<320000xi32, #tpu.memory_space<hbm>> -> memref<8000xi32, #tpu.memory_space<hbm>>
      %dma_wait3A_52 = tpu.memref_slice %arg3[%mul3A_6] : memref<320000xi32, #tpu.memory_space<hbm>> -> memref<8000xi32, #tpu.memory_space<hbm>>
      tpu.wait_dma2 semaphore(%arg13 : memref<!tpu.dma_semaphore, #tpu.memory_space<semaphore_mem>>) src(%dma_wait3A_52 : memref<8000xi32, #tpu.memory_space<hbm>>) dst(%arg9 : memref<8000xi32, #tpu.memory_space<vmem>>)
      %dma_wait3A_53 = tpu.memref_slice %arg4[%mul3A_6] : memref<320000xf32, #tpu.memory_space<hbm>> -> memref<8000xf32, #tpu.memory_space<hbm>>
      %dma_wait3A_54 = tpu.memref_slice %arg4[%mul3A_6] : memref<320000xf32, #tpu.memory_space<hbm>> -> memref<8000xf32, #tpu.memory_space<hbm>>
      tpu.wait_dma2 semaphore(%arg15 : memref<!tpu.dma_semaphore, #tpu.memory_space<semaphore_mem>>) src(%dma_wait3A_54 : memref<8000xf32, #tpu.memory_space<hbm>>) dst(%arg11 : memref<8000xf32, #tpu.memory_space<vmem>>)
      %parallel_loop3A_55 = arith.constant 0 : i32
      %parallel_loop3A_56 = arith.constant 500 : i32
      %parallel_loop3A_57 = arith.constant 1 : i32
      scf.for %parallel_loop3A_65 = %parallel_loop3A_55 to %parallel_loop3A_56 step %parallel_loop3A_57  : i32 {
        %parallel_loop3A_66 = arith.constant 16 : i32
        %parallel_loop3A_67 = arith.muli %parallel_loop3A_65, %parallel_loop3A_66 : i32
        %parallel_loop3A_68 = arith.index_cast %parallel_loop3A_67 : i32 to index
        %parallel_loop3A_69 = tpu.vector_load %arg9[%parallel_loop3A_68] {strides = array<i32>} : memref<8000xi32, #tpu.memory_space<vmem>>, vector<16xi32>,
        %parallel_loop3A_70 = arith.constant 16 : i32
        %parallel_loop3A_71 = arith.muli %parallel_loop3A_65, %parallel_loop3A_70 : i32
        %parallel_loop3A_72 = arith.index_cast %parallel_loop3A_71 : i32 to index
        %parallel_loop3A_73 = tpu.vector_load %arg11[%parallel_loop3A_72] {strides = array<i32>} : memref<8000xf32, #tpu.memory_space<vmem>>, vector<16xf32>,
        %parallel_loop3A_74 = arith.constant 65535 : i32
        %parallel_loop3A_75 = vector.broadcast %parallel_loop3A_74 : i32 to vector<16xi32>
        %parallel_loop3A_76 = arith.andi %parallel_loop3A_69, %parallel_loop3A_75 : vector<16xi32>
        %parallel_loop3A_77 = arith.constant 16 : i32
        %parallel_loop3A_78 = vector.broadcast %parallel_loop3A_77 : i32 to vector<16xi32>
        %parallel_loop3A_79 = arith.shrui %parallel_loop3A_69, %parallel_loop3A_78 : vector<16xi32>
        %parallel_loop3A_80 = tpu.vector_load_idx %arg6[%parallel_loop3A_76] : memref<10000xi32, #tpu.memory_space<vmem>>[vector<16xi32>], vector<16xi32>,
        %parallel_loop3A_81 = arith.constant 16 : i32
        %parallel_loop3A_82 = vector.broadcast %parallel_loop3A_81 : i32 to vector<16xi32>
        %parallel_loop3A_83 = arith.shli %parallel_loop3A_80, %parallel_loop3A_82 : vector<16xi32>
        %parallel_loop3A_84 = vector.bitcast %parallel_loop3A_83 : vector<16xi32> to vector<16xf32>
        %parallel_loop3A_85 = arith.constant -65536 : i32
        %parallel_loop3A_86 = vector.broadcast %parallel_loop3A_85 : i32 to vector<16xi32>
        %parallel_loop3A_87 = arith.andi %parallel_loop3A_80, %parallel_loop3A_86 : vector<16xi32>
        %parallel_loop3A_88 = vector.bitcast %parallel_loop3A_87 : vector<16xi32> to vector<16xf32>
        %parallel_loop3A_89 = arith.mulf %parallel_loop3A_84, %parallel_loop3A_73 : vector<16xf32>
        tpu.vector_store_idx %arg7[%parallel_loop3A_79], %parallel_loop3A_89 {add = true} : memref<20000xf32, #tpu.memory_space<vmem>>[vector<16xi32>], vector<16xf32>,
        %parallel_loop3A_90 = arith.constant 10000 : i32
        %parallel_loop3A_91 = vector.broadcast %parallel_loop3A_90 : i32 to vector<16xi32>
        %parallel_loop3A_92 = arith.addi %parallel_loop3A_79, %parallel_loop3A_91 : vector<16xi32>
        %parallel_loop3A_93 = arith.mulf %parallel_loop3A_88, %parallel_loop3A_73 : vector<16xf32>
        tpu.vector_store_idx %arg7[%parallel_loop3A_92], %parallel_loop3A_93 {add = true} : memref<20000xf32, #tpu.memory_space<vmem>>[vector<16xi32>], vector<16xf32>,
      } {sc.loop_unroll_factor = 8 : i64, sc.parallel_access}
      %add3A_58 = arith.constant 2 : i32
      %add3A_59 = arith.addi %add3A_50, %add3A_58 : i32
      %lt3A_60 = arith.constant 20 : i32
      %lt3A_61 = arith.cmpi slt, %add3A_59, %lt3A_60 : i32
      %convert_element_type3A_62 = arith.extui %lt3A_61 : i1 to i32
      %cond3A_63 = arith.constant 0 : i32
      %cond3A_64 = arith.cmpi ne, %convert_element_type3A_62, %cond3A_63 : i32
      scf.if %cond3A_64 {
        %add3A_65 = arith.constant 2 : i32
        %add3A_66 = arith.addi %add3A_50, %add3A_65 : i32
        %mul3A_67 = arith.constant 8000 : i32
        %mul3A_68 = arith.muli %add3A_66, %mul3A_67 : i32
        %add3A_69 = arith.addi %mul3A_6, %mul3A_68 : i32
        %dma_start3A_70 = tpu.memref_slice %arg3[%add3A_69] : memref<320000xi32, #tpu.memory_space<hbm>> -> memref<8000xi32, #tpu.memory_space<hbm>>
        %dma_start3A_71 = tpu.memref_slice %arg3[%add3A_69] : memref<320000xi32, #tpu.memory_space<hbm>> -> memref<8000xi32, #tpu.memory_space<hbm>>
        tpu.enqueue_dma source(%dma_start3A_71 : memref<8000xi32, #tpu.memory_space<hbm>>) target(%arg9 : memref<8000xi32, #tpu.memory_space<vmem>>) target_semaphore(%arg13 : memref<!tpu.dma_semaphore, #tpu.memory_space<semaphore_mem>>)
        %mul3A_72 = arith.constant 8000 : i32
        %mul3A_73 = arith.muli %add3A_66, %mul3A_72 : i32
        %add3A_74 = arith.addi %mul3A_6, %mul3A_73 : i32
        %dma_start3A_75 = tpu.memref_slice %arg4[%add3A_74] : memref<320000xf32, #tpu.memory_space<hbm>> -> memref<8000xf32, #tpu.memory_space<hbm>>
        %dma_start3A_76 = tpu.memref_slice %arg4[%add3A_74] : memref<320000xf32, #tpu.memory_space<hbm>> -> memref<8000xf32, #tpu.memory_space<hbm>>
        tpu.enqueue_dma source(%dma_start3A_76 : memref<8000xf32, #tpu.memory_space<hbm>>) target(%arg11 : memref<8000xf32, #tpu.memory_space<vmem>>) target_semaphore(%arg15 : memref<!tpu.dma_semaphore, #tpu.memory_space<semaphore_mem>>)
      } else {
      }
    }
    %scan3A_25 = arith.constant 10 : i32
    %mul3A_26 = arith.constant 320000 : i32
    %mul3A_27 = arith.muli %arg0, %mul3A_26 : i32
    %mul3A_28 = arith.constant 20000 : i32
    %mul3A_29 = arith.muli %arg1, %mul3A_28 : i32
    %add3A_30 = arith.addi %mul3A_27, %mul3A_29 : i32
    "tpu.region"() ({
      %run_scoped3A = tpu.sem_alloc : memref<!tpu.dma_semaphore, #tpu.memory_space<semaphore_mem>>
      %dma_start3A_31 = tpu.memref_slice %arg5[%add3A_30] : memref<640000xf32, #tpu.memory_space<hbm>> -> memref<20000xf32, #tpu.memory_space<hbm>>
      %dma_start3A_32 = tpu.memref_slice %arg5[%add3A_30] : memref<640000xf32, #tpu.memory_space<hbm>> -> memref<20000xf32, #tpu.memory_space<hbm>>
      tpu.enqueue_dma source(%arg7 : memref<20000xf32, #tpu.memory_space<vmem>>) target(%dma_start3A_32 : memref<20000xf32, #tpu.memory_space<hbm>>) target_semaphore(%run_scoped3A : memref<!tpu.dma_semaphore, #tpu.memory_space<semaphore_mem>>)
      %dma_wait3A_33 = tpu.memref_slice %arg5[%add3A_30] : memref<640000xf32, #tpu.memory_space<hbm>> -> memref<20000xf32, #tpu.memory_space<hbm>>
      %dma_wait3A_34 = tpu.memref_slice %arg5[%add3A_30] : memref<640000xf32, #tpu.memory_space<hbm>> -> memref<20000xf32, #tpu.memory_space<hbm>>
      tpu.wait_dma2 semaphore(%run_scoped3A : memref<!tpu.dma_semaphore, #tpu.memory_space<semaphore_mem>>) src(%arg7 : memref<20000xf32, #tpu.memory_space<vmem>>) dst(%dma_wait3A_34 : memref<20000xf32, #tpu.memory_space<hbm>>)
      tpu.yield
    }) : () -> ()
    return
  }
}

#map = affine_map<(d0, d1) -> (0)>
module attributes {stable_mosaic.version = 14 : i64} {
  func.func @_sc_scatter(%arg0: i32, %arg1: i32, %arg2: memref<160000xi32, #tpu.memory_space<hbm>>, %arg3: memref<320000xi32, #tpu.memory_space<hbm>>, %arg4: memref<320000xf32, #tpu.memory_space<hbm>>, %arg5: memref<640000xf32, #tpu.memory_space<hbm>>, %arg6: memref<10000xi32, #tpu.memory_space<vmem>>, %arg7: memref<20000xf32, #tpu.memory_space<vmem>>, %arg8: memref<8000xi32, #tpu.memory_space<vmem>>, %arg9: memref<8000xi32, #tpu.memory_space<vmem>>, %arg10: memref<8000xf32, #tpu.memory_space<vmem>>, %arg11: memref<8000xf32, #tpu.memory_space<vmem>>, %arg12: memref<!tpu.dma_semaphore, #tpu.memory_space<semaphore_mem>>, %arg13: memref<!tpu.dma_semaphore, #tpu.memory_space<semaphore_mem>>, %arg14: memref<!tpu.dma_semaphore, #tpu.memory_space<semaphore_mem>>, %arg15: memref<!tpu.dma_semaphore, #tpu.memory_space<semaphore_mem>>, %arg16: memref<!tpu.dma_semaphore, #tpu.memory_space<semaphore_mem>>) attributes {dimension_semantics = [#tpu.dimension_semantics<core_parallel>, #tpu.dimension_semantics<subcore_parallel>], iteration_bounds = array<i64: 2, 16>, scalar_prefetch = 0 : i64, scratch_operands = 11 : i64, tpu.core_type = #tpu.core_type<sc_vector_subcore>, window_params = [{transform_indices = #map}, {transform_indices = #map}, {transform_indices = #map}, {transform_indices = #map}]} {
    %mul3A = arith.constant 10000 : i32
    %mul3A_0 = arith.muli %arg1, %mul3A : i32
    %dma_start3A = tpu.memref_slice %arg2[%mul3A_0] : memref<160000xi32, #tpu.memory_space<hbm>> -> memref<10000xi32, #tpu.memory_space<hbm>>
    %dma_start3A_1 = tpu.memref_slice %arg2[%mul3A_0] : memref<160000xi32, #tpu.memory_space<hbm>> -> memref<10000xi32, #tpu.memory_space<hbm>>
    tpu.enqueue_dma source(%dma_start3A_1 : memref<10000xi32, #tpu.memory_space<hbm>>) target(%arg6 : memref<10000xi32, #tpu.memory_space<vmem>>) target_semaphore(%arg16 : memref<!tpu.dma_semaphore, #tpu.memory_space<semaphore_mem>>)
    %parallel_loop3A = arith.constant 0 : i32
    %parallel_loop3A_2 = arith.constant 1250 : i32
    %parallel_loop3A_3 = arith.constant 1 : i32
    scf.for %parallel_loop3A_31 = %parallel_loop3A to %parallel_loop3A_2 step %parallel_loop3A_3  : i32 {
      %parallel_loop3A_32 = arith.constant 0.000000e+00 : f32
      %parallel_loop3A_33 = vector.broadcast %parallel_loop3A_32 : f32 to vector<16xf32>
      %parallel_loop3A_34 = arith.constant 16 : i32
      %parallel_loop3A_35 = arith.muli %parallel_loop3A_31, %parallel_loop3A_34 : i32
      %parallel_loop3A_36 = arith.index_cast %parallel_loop3A_35 : i32 to index
      %parallel_loop3A_37 = tpu.vector_load %arg7[%parallel_loop3A_36] {strides = array<i32>} : memref<20000xf32, #tpu.memory_space<vmem>>, vector<16xf32>,
      tpu.vector_store %arg7[%parallel_loop3A_36], %parallel_loop3A_33 {strides = array<i32>} : memref<20000xf32, #tpu.memory_space<vmem>>, vector<16xf32>,
    } {sc.loop_unroll_factor = 4 : i64, sc.parallel_access}
    %dma_wait3A = tpu.memref_slice %arg2[%mul3A_0] : memref<160000xi32, #tpu.memory_space<hbm>> -> memref<10000xi32, #tpu.memory_space<hbm>>
    %dma_wait3A_4 = tpu.memref_slice %arg2[%mul3A_0] : memref<160000xi32, #tpu.memory_space<hbm>> -> memref<10000xi32, #tpu.memory_space<hbm>>
    tpu.wait_dma2 semaphore(%arg16 : memref<!tpu.dma_semaphore, #tpu.memory_space<semaphore_mem>>) src(%dma_wait3A_4 : memref<10000xi32, #tpu.memory_space<hbm>>) dst(%arg6 : memref<10000xi32, #tpu.memory_space<vmem>>)
    %mul3A_5 = arith.constant 160000 : i32
    %mul3A_6 = arith.muli %arg0, %mul3A_5 : i32
    %add3A = arith.constant 0 : i32
    %add3A_7 = arith.addi %mul3A_6, %add3A : i32
    %dma_start3A_8 = tpu.memref_slice %arg3[%add3A_7] : memref<320000xi32, #tpu.memory_space<hbm>> -> memref<8000xi32, #tpu.memory_space<hbm>>
    %dma_start3A_9 = tpu.memref_slice %arg3[%add3A_7] : memref<320000xi32, #tpu.memory_space<hbm>> -> memref<8000xi32, #tpu.memory_space<hbm>>
    tpu.enqueue_dma source(%dma_start3A_9 : memref<8000xi32, #tpu.memory_space<hbm>>) target(%arg8 : memref<8000xi32, #tpu.memory_space<vmem>>) target_semaphore(%arg12 : memref<!tpu.dma_semaphore, #tpu.memory_space<semaphore_mem>>)
    %add3A_10 = arith.constant 0 : i32
    %add3A_11 = arith.addi %mul3A_6, %add3A_10 : i32
    %dma_start3A_12 = tpu.memref_slice %arg4[%add3A_11] : memref<320000xf32, #tpu.memory_space<hbm>> -> memref<8000xf32, #tpu.memory_space<hbm>>
    %dma_start3A_13 = tpu.memref_slice %arg4[%add3A_11] : memref<320000xf32, #tpu.memory_space<hbm>> -> memref<8000xf32, #tpu.memory_space<hbm>>
    tpu.enqueue_dma source(%dma_start3A_13 : memref<8000xf32, #tpu.memory_space<hbm>>) target(%arg10 : memref<8000xf32, #tpu.memory_space<vmem>>) target_semaphore(%arg14 : memref<!tpu.dma_semaphore, #tpu.memory_space<semaphore_mem>>)
    %add3A_14 = arith.constant 8000 : i32
    %add3A_15 = arith.addi %mul3A_6, %add3A_14 : i32
    %dma_start3A_16 = tpu.memref_slice %arg3[%add3A_15] : memref<320000xi32, #tpu.memory_space<hbm>> -> memref<8000xi32, #tpu.memory_space<hbm>>
    %dma_start3A_17 = tpu.memref_slice %arg3[%add3A_15] : memref<320000xi32, #tpu.memory_space<hbm>> -> memref<8000xi32, #tpu.memory_space<hbm>>
    tpu.enqueue_dma source(%dma_start3A_17 : memref<8000xi32, #tpu.memory_space<hbm>>) target(%arg9 : memref<8000xi32, #tpu.memory_space<vmem>>) target_semaphore(%arg13 : memref<!tpu.dma_semaphore, #tpu.memory_space<semaphore_mem>>)
    %add3A_18 = arith.constant 8000 : i32
    %add3A_19 = arith.addi %mul3A_6, %add3A_18 : i32
    %dma_start3A_20 = tpu.memref_slice %arg4[%add3A_19] : memref<320000xf32, #tpu.memory_space<hbm>> -> memref<8000xf32, #tpu.memory_space<hbm>>
    %dma_start3A_21 = tpu.memref_slice %arg4[%add3A_19] : memref<320000xf32, #tpu.memory_space<hbm>> -> memref<8000xf32, #tpu.memory_space<hbm>>
    tpu.enqueue_dma source(%dma_start3A_21 : memref<8000xf32, #tpu.memory_space<hbm>>) target(%arg11 : memref<8000xf32, #tpu.memory_space<vmem>>) target_semaphore(%arg15 : memref<!tpu.dma_semaphore, #tpu.memory_space<semaphore_mem>>)
    %scan3A = arith.constant 0 : i32
    %scan3A_22 = arith.constant 10 : i32
    %scan3A_23 = arith.addi %scan3A, %scan3A_22 : i32
    %scan3A_24 = arith.constant 1 : i32
    scf.for %scan3A_31 = %scan3A to %scan3A_23 step %scan3A_24  : i32 {
      %mul3A_32 = arith.constant 2 : i32
      %mul3A_33 = arith.muli %scan3A_31, %mul3A_32 : i32
      %add3A_34 = arith.constant 0 : i32
      %add3A_35 = arith.addi %mul3A_33, %add3A_34 : i32
      %dma_wait3A_36 = tpu.memref_slice %arg3[%mul3A_6] : memref<320000xi32, #tpu.memory_space<hbm>> -> memref<8000xi32, #tpu.memory_space<hbm>>
      %dma_wait3A_37 = tpu.memref_slice %arg3[%mul3A_6] : memref<320000xi32, #tpu.memory_space<hbm>> -> memref<8000xi32, #tpu.memory_space<hbm>>
      tpu.wait_dma2 semaphore(%arg12 : memref<!tpu.dma_semaphore, #tpu.memory_space<semaphore_mem>>) src(%dma_wait3A_37 : memref<8000xi32, #tpu.memory_space<hbm>>) dst(%arg8 : memref<8000xi32, #tpu.memory_space<vmem>>)
      %dma_wait3A_38 = tpu.memref_slice %arg4[%mul3A_6] : memref<320000xf32, #tpu.memory_space<hbm>> -> memref<8000xf32, #tpu.memory_space<hbm>>
      %dma_wait3A_39 = tpu.memref_slice %arg4[%mul3A_6] : memref<320000xf32, #tpu.memory_space<hbm>> -> memref<8000xf32, #tpu.memory_space<hbm>>
      tpu.wait_dma2 semaphore(%arg14 : memref<!tpu.dma_semaphore, #tpu.memory_space<semaphore_mem>>) src(%dma_wait3A_39 : memref<8000xf32, #tpu.memory_space<hbm>>) dst(%arg10 : memref<8000xf32, #tpu.memory_space<vmem>>)
      %parallel_loop3A_40 = arith.constant 0 : i32
      %parallel_loop3A_41 = arith.constant 500 : i32
      %parallel_loop3A_42 = arith.constant 1 : i32
      scf.for %parallel_loop3A_65 = %parallel_loop3A_40 to %parallel_loop3A_41 step %parallel_loop3A_42  : i32 {
        %parallel_loop3A_66 = arith.constant 16 : i32
        %parallel_loop3A_67 = arith.muli %parallel_loop3A_65, %parallel_loop3A_66 : i32
        %parallel_loop3A_68 = arith.index_cast %parallel_loop3A_67 : i32 to index
        %parallel_loop3A_69 = tpu.vector_load %arg8[%parallel_loop3A_68] {strides = array<i32>} : memref<8000xi32, #tpu.memory_space<vmem>>, vector<16xi32>,
        %parallel_loop3A_70 = arith.constant 16 : i32
        %parallel_loop3A_71 = arith.muli %parallel_loop3A_65, %parallel_loop3A_70 : i32
        %parallel_loop3A_72 = arith.index_cast %parallel_loop3A_71 : i32 to index
        %parallel_loop3A_73 = tpu.vector_load %arg10[%parallel_loop3A_72] {strides = array<i32>} : memref<8000xf32, #tpu.memory_space<vmem>>, vector<16xf32>,
        %parallel_loop3A_74 = arith.constant 65535 : i32
        %parallel_loop3A_75 = vector.broadcast %parallel_loop3A_74 : i32 to vector<16xi32>
        %parallel_loop3A_76 = arith.andi %parallel_loop3A_69, %parallel_loop3A_75 : vector<16xi32>
        %parallel_loop3A_77 = arith.constant 16 : i32
        %parallel_loop3A_78 = vector.broadcast %parallel_loop3A_77 : i32 to vector<16xi32>
        %parallel_loop3A_79 = arith.shrui %parallel_loop3A_69, %parallel_loop3A_78 : vector<16xi32>
        %parallel_loop3A_80 = tpu.vector_load_idx %arg6[%parallel_loop3A_76] : memref<10000xi32, #tpu.memory_space<vmem>>[vector<16xi32>], vector<16xi32>,
        %parallel_loop3A_81 = arith.constant 16 : i32
        %parallel_loop3A_82 = vector.broadcast %parallel_loop3A_81 : i32 to vector<16xi32>
        %parallel_loop3A_83 = arith.shli %parallel_loop3A_80, %parallel_loop3A_82 : vector<16xi32>
        %parallel_loop3A_84 = vector.bitcast %parallel_loop3A_83 : vector<16xi32> to vector<16xf32>
        %parallel_loop3A_85 = arith.constant -65536 : i32
        %parallel_loop3A_86 = vector.broadcast %parallel_loop3A_85 : i32 to vector<16xi32>
        %parallel_loop3A_87 = arith.andi %parallel_loop3A_80, %parallel_loop3A_86 : vector<16xi32>
        %parallel_loop3A_88 = vector.bitcast %parallel_loop3A_87 : vector<16xi32> to vector<16xf32>
        %parallel_loop3A_89 = arith.mulf %parallel_loop3A_84, %parallel_loop3A_73 : vector<16xf32>
        tpu.vector_store_idx %arg7[%parallel_loop3A_79], %parallel_loop3A_89 {add = true} : memref<20000xf32, #tpu.memory_space<vmem>>[vector<16xi32>], vector<16xf32>,
        %parallel_loop3A_90 = arith.constant 10000 : i32
        %parallel_loop3A_91 = vector.broadcast %parallel_loop3A_90 : i32 to vector<16xi32>
        %parallel_loop3A_92 = arith.addi %parallel_loop3A_79, %parallel_loop3A_91 : vector<16xi32>
        %parallel_loop3A_93 = arith.mulf %parallel_loop3A_88, %parallel_loop3A_73 : vector<16xf32>
        tpu.vector_store_idx %arg7[%parallel_loop3A_92], %parallel_loop3A_93 {add = true} : memref<20000xf32, #tpu.memory_space<vmem>>[vector<16xi32>], vector<16xf32>,
      } {sc.loop_unroll_factor = 8 : i64, sc.parallel_access}
      %add3A_43 = arith.constant 2 : i32
      %add3A_44 = arith.addi %add3A_35, %add3A_43 : i32
      %lt3A = arith.constant 20 : i32
      %lt3A_45 = arith.cmpi slt, %add3A_44, %lt3A : i32
      %convert_element_type3A = arith.extui %lt3A_45 : i1 to i32
      %cond3A = arith.constant 0 : i32
      %cond3A_46 = arith.cmpi ne, %convert_element_type3A, %cond3A : i32
      scf.if %cond3A_46 {
        %add3A_65 = arith.constant 2 : i32
        %add3A_66 = arith.addi %add3A_35, %add3A_65 : i32
        %mul3A_67 = arith.constant 8000 : i32
        %mul3A_68 = arith.muli %add3A_66, %mul3A_67 : i32
        %add3A_69 = arith.addi %mul3A_6, %mul3A_68 : i32
        %dma_start3A_70 = tpu.memref_slice %arg3[%add3A_69] : memref<320000xi32, #tpu.memory_space<hbm>> -> memref<8000xi32, #tpu.memory_space<hbm>>
        %dma_start3A_71 = tpu.memref_slice %arg3[%add3A_69] : memref<320000xi32, #tpu.memory_space<hbm>> -> memref<8000xi32, #tpu.memory_space<hbm>>
        tpu.enqueue_dma source(%dma_start3A_71 : memref<8000xi32, #tpu.memory_space<hbm>>) target(%arg8 : memref<8000xi32, #tpu.memory_space<vmem>>) target_semaphore(%arg12 : memref<!tpu.dma_semaphore, #tpu.memory_space<semaphore_mem>>)
        %mul3A_72 = arith.constant 8000 : i32
        %mul3A_73 = arith.muli %add3A_66, %mul3A_72 : i32
        %add3A_74 = arith.addi %mul3A_6, %mul3A_73 : i32
        %dma_start3A_75 = tpu.memref_slice %arg4[%add3A_74] : memref<320000xf32, #tpu.memory_space<hbm>> -> memref<8000xf32, #tpu.memory_space<hbm>>
        %dma_start3A_76 = tpu.memref_slice %arg4[%add3A_74] : memref<320000xf32, #tpu.memory_space<hbm>> -> memref<8000xf32, #tpu.memory_space<hbm>>
        tpu.enqueue_dma source(%dma_start3A_76 : memref<8000xf32, #tpu.memory_space<hbm>>) target(%arg10 : memref<8000xf32, #tpu.memory_space<vmem>>) target_semaphore(%arg14 : memref<!tpu.dma_semaphore, #tpu.memory_space<semaphore_mem>>)
      } else {
      }
      %mul3A_47 = arith.constant 2 : i32
      %mul3A_48 = arith.muli %scan3A_31, %mul3A_47 : i32
      %add3A_49 = arith.constant 1 : i32
      %add3A_50 = arith.addi %mul3A_48, %add3A_49 : i32
      %dma_wait3A_51 = tpu.memref_slice %arg3[%mul3A_6] : memref<320000xi32, #tpu.memory_space<hbm>> -> memref<8000xi32, #tpu.memory_space<hbm>>
      %dma_wait3A_52 = tpu.memref_slice %arg3[%mul3A_6] : memref<320000xi32, #tpu.memory_space<hbm>> -> memref<8000xi32, #tpu.memory_space<hbm>>
      tpu.wait_dma2 semaphore(%arg13 : memref<!tpu.dma_semaphore, #tpu.memory_space<semaphore_mem>>) src(%dma_wait3A_52 : memref<8000xi32, #tpu.memory_space<hbm>>) dst(%arg9 : memref<8000xi32, #tpu.memory_space<vmem>>)
      %dma_wait3A_53 = tpu.memref_slice %arg4[%mul3A_6] : memref<320000xf32, #tpu.memory_space<hbm>> -> memref<8000xf32, #tpu.memory_space<hbm>>
      %dma_wait3A_54 = tpu.memref_slice %arg4[%mul3A_6] : memref<320000xf32, #tpu.memory_space<hbm>> -> memref<8000xf32, #tpu.memory_space<hbm>>
      tpu.wait_dma2 semaphore(%arg15 : memref<!tpu.dma_semaphore, #tpu.memory_space<semaphore_mem>>) src(%dma_wait3A_54 : memref<8000xf32, #tpu.memory_space<hbm>>) dst(%arg11 : memref<8000xf32, #tpu.memory_space<vmem>>)
      %parallel_loop3A_55 = arith.constant 0 : i32
      %parallel_loop3A_56 = arith.constant 500 : i32
      %parallel_loop3A_57 = arith.constant 1 : i32
      scf.for %parallel_loop3A_65 = %parallel_loop3A_55 to %parallel_loop3A_56 step %parallel_loop3A_57  : i32 {
        %parallel_loop3A_66 = arith.constant 16 : i32
        %parallel_loop3A_67 = arith.muli %parallel_loop3A_65, %parallel_loop3A_66 : i32
        %parallel_loop3A_68 = arith.index_cast %parallel_loop3A_67 : i32 to index
        %parallel_loop3A_69 = tpu.vector_load %arg9[%parallel_loop3A_68] {strides = array<i32>} : memref<8000xi32, #tpu.memory_space<vmem>>, vector<16xi32>,
        %parallel_loop3A_70 = arith.constant 16 : i32
        %parallel_loop3A_71 = arith.muli %parallel_loop3A_65, %parallel_loop3A_70 : i32
        %parallel_loop3A_72 = arith.index_cast %parallel_loop3A_71 : i32 to index
        %parallel_loop3A_73 = tpu.vector_load %arg11[%parallel_loop3A_72] {strides = array<i32>} : memref<8000xf32, #tpu.memory_space<vmem>>, vector<16xf32>,
        %parallel_loop3A_74 = arith.constant 65535 : i32
        %parallel_loop3A_75 = vector.broadcast %parallel_loop3A_74 : i32 to vector<16xi32>
        %parallel_loop3A_76 = arith.andi %parallel_loop3A_69, %parallel_loop3A_75 : vector<16xi32>
        %parallel_loop3A_77 = arith.constant 16 : i32
        %parallel_loop3A_78 = vector.broadcast %parallel_loop3A_77 : i32 to vector<16xi32>
        %parallel_loop3A_79 = arith.shrui %parallel_loop3A_69, %parallel_loop3A_78 : vector<16xi32>
        %parallel_loop3A_80 = tpu.vector_load_idx %arg6[%parallel_loop3A_76] : memref<10000xi32, #tpu.memory_space<vmem>>[vector<16xi32>], vector<16xi32>,
        %parallel_loop3A_81 = arith.constant 16 : i32
        %parallel_loop3A_82 = vector.broadcast %parallel_loop3A_81 : i32 to vector<16xi32>
        %parallel_loop3A_83 = arith.shli %parallel_loop3A_80, %parallel_loop3A_82 : vector<16xi32>
        %parallel_loop3A_84 = vector.bitcast %parallel_loop3A_83 : vector<16xi32> to vector<16xf32>
        %parallel_loop3A_85 = arith.constant -65536 : i32
        %parallel_loop3A_86 = vector.broadcast %parallel_loop3A_85 : i32 to vector<16xi32>
        %parallel_loop3A_87 = arith.andi %parallel_loop3A_80, %parallel_loop3A_86 : vector<16xi32>
        %parallel_loop3A_88 = vector.bitcast %parallel_loop3A_87 : vector<16xi32> to vector<16xf32>
        %parallel_loop3A_89 = arith.mulf %parallel_loop3A_84, %parallel_loop3A_73 : vector<16xf32>
        tpu.vector_store_idx %arg7[%parallel_loop3A_79], %parallel_loop3A_89 {add = true} : memref<20000xf32, #tpu.memory_space<vmem>>[vector<16xi32>], vector<16xf32>,
        %parallel_loop3A_90 = arith.constant 10000 : i32
        %parallel_loop3A_91 = vector.broadcast %parallel_loop3A_90 : i32 to vector<16xi32>
        %parallel_loop3A_92 = arith.addi %parallel_loop3A_79, %parallel_loop3A_91 : vector<16xi32>
        %parallel_loop3A_93 = arith.mulf %parallel_loop3A_88, %parallel_loop3A_73 : vector<16xf32>
        tpu.vector_store_idx %arg7[%parallel_loop3A_92], %parallel_loop3A_93 {add = true} : memref<20000xf32, #tpu.memory_space<vmem>>[vector<16xi32>], vector<16xf32>,
      } {sc.loop_unroll_factor = 8 : i64, sc.parallel_access}
      %add3A_58 = arith.constant 2 : i32
      %add3A_59 = arith.addi %add3A_50, %add3A_58 : i32
      %lt3A_60 = arith.constant 20 : i32
      %lt3A_61 = arith.cmpi slt, %add3A_59, %lt3A_60 : i32
      %convert_element_type3A_62 = arith.extui %lt3A_61 : i1 to i32
      %cond3A_63 = arith.constant 0 : i32
      %cond3A_64 = arith.cmpi ne, %convert_element_type3A_62, %cond3A_63 : i32
      scf.if %cond3A_64 {
        %add3A_65 = arith.constant 2 : i32
        %add3A_66 = arith.addi %add3A_50, %add3A_65 : i32
        %mul3A_67 = arith.constant 8000 : i32
        %mul3A_68 = arith.muli %add3A_66, %mul3A_67 : i32
        %add3A_69 = arith.addi %mul3A_6, %mul3A_68 : i32
        %dma_start3A_70 = tpu.memref_slice %arg3[%add3A_69] : memref<320000xi32, #tpu.memory_space<hbm>> -> memref<8000xi32, #tpu.memory_space<hbm>>
        %dma_start3A_71 = tpu.memref_slice %arg3[%add3A_69] : memref<320000xi32, #tpu.memory_space<hbm>> -> memref<8000xi32, #tpu.memory_space<hbm>>
        tpu.enqueue_dma source(%dma_start3A_71 : memref<8000xi32, #tpu.memory_space<hbm>>) target(%arg9 : memref<8000xi32, #tpu.memory_space<vmem>>) target_semaphore(%arg13 : memref<!tpu.dma_semaphore, #tpu.memory_space<semaphore_mem>>)
        %mul3A_72 = arith.constant 8000 : i32
        %mul3A_73 = arith.muli %add3A_66, %mul3A_72 : i32
        %add3A_74 = arith.addi %mul3A_6, %mul3A_73 : i32
        %dma_start3A_75 = tpu.memref_slice %arg4[%add3A_74] : memref<320000xf32, #tpu.memory_space<hbm>> -> memref<8000xf32, #tpu.memory_space<hbm>>
        %dma_start3A_76 = tpu.memref_slice %arg4[%add3A_74] : memref<320000xf32, #tpu.memory_space<hbm>> -> memref<8000xf32, #tpu.memory_space<hbm>>
        tpu.enqueue_dma source(%dma_start3A_76 : memref<8000xf32, #tpu.memory_space<hbm>>) target(%arg11 : memref<8000xf32, #tpu.memory_space<vmem>>) target_semaphore(%arg15 : memref<!tpu.dma_semaphore, #tpu.memory_space<semaphore_mem>>)
      } else {
      }
    }
    %scan3A_25 = arith.constant 10 : i32
    %mul3A_26 = arith.constant 320000 : i32
    %mul3A_27 = arith.muli %arg0, %mul3A_26 : i32
    %mul3A_28 = arith.constant 20000 : i32
    %mul3A_29 = arith.muli %arg1, %mul3A_28 : i32
    %add3A_30 = arith.addi %mul3A_27, %mul3A_29 : i32
    "tpu.region"() ({
      %run_scoped3A = tpu.sem_alloc : memref<!tpu.dma_semaphore, #tpu.memory_space<semaphore_mem>>
      %dma_start3A_31 = tpu.memref_slice %arg5[%add3A_30] : memref<640000xf32, #tpu.memory_space<hbm>> -> memref<20000xf32, #tpu.memory_space<hbm>>
      %dma_start3A_32 = tpu.memref_slice %arg5[%add3A_30] : memref<640000xf32, #tpu.memory_space<hbm>> -> memref<20000xf32, #tpu.memory_space<hbm>>
      tpu.enqueue_dma source(%arg7 : memref<20000xf32, #tpu.memory_space<vmem>>) target(%dma_start3A_32 : memref<20000xf32, #tpu.memory_space<hbm>>) target_semaphore(%run_scoped3A : memref<!tpu.dma_semaphore, #tpu.memory_space<semaphore_mem>>)
      %dma_wait3A_33 = tpu.memref_slice %arg5[%add3A_30] : memref<640000xf32, #tpu.memory_space<hbm>> -> memref<20000xf32, #tpu.memory_space<hbm>>
      %dma_wait3A_34 = tpu.memref_slice %arg5[%add3A_30] : memref<640000xf32, #tpu.memory_space<hbm>> -> memref<20000xf32, #tpu.memory_space<hbm>>
      tpu.wait_dma2 semaphore(%run_scoped3A : memref<!tpu.dma_semaphore, #tpu.memory_space<semaphore_mem>>) src(%arg7 : memref<20000xf32, #tpu.memory_space<vmem>>) dst(%dma_wait3A_34 : memref<20000xf32, #tpu.memory_space<hbm>>)
      tpu.yield
    }) : () -> ()
    return
  }
}

#map = affine_map<(d0, d1) -> (0)>
module attributes {stable_mosaic.version = 14 : i64} {
  func.func @_sc_scatter(%arg0: i32, %arg1: i32, %arg2: memref<160000xi32, #tpu.memory_space<hbm>>, %arg3: memref<320000xi32, #tpu.memory_space<hbm>>, %arg4: memref<320000xf32, #tpu.memory_space<hbm>>, %arg5: memref<640000xf32, #tpu.memory_space<hbm>>, %arg6: memref<10000xi32, #tpu.memory_space<vmem>>, %arg7: memref<20000xf32, #tpu.memory_space<vmem>>, %arg8: memref<8000xi32, #tpu.memory_space<vmem>>, %arg9: memref<8000xi32, #tpu.memory_space<vmem>>, %arg10: memref<8000xf32, #tpu.memory_space<vmem>>, %arg11: memref<8000xf32, #tpu.memory_space<vmem>>, %arg12: memref<!tpu.dma_semaphore, #tpu.memory_space<semaphore_mem>>, %arg13: memref<!tpu.dma_semaphore, #tpu.memory_space<semaphore_mem>>, %arg14: memref<!tpu.dma_semaphore, #tpu.memory_space<semaphore_mem>>, %arg15: memref<!tpu.dma_semaphore, #tpu.memory_space<semaphore_mem>>, %arg16: memref<!tpu.dma_semaphore, #tpu.memory_space<semaphore_mem>>) attributes {dimension_semantics = [#tpu.dimension_semantics<core_parallel>, #tpu.dimension_semantics<subcore_parallel>], iteration_bounds = array<i64: 2, 16>, scalar_prefetch = 0 : i64, scratch_operands = 11 : i64, tpu.core_type = #tpu.core_type<sc_vector_subcore>, window_params = [{transform_indices = #map}, {transform_indices = #map}, {transform_indices = #map}, {transform_indices = #map}]} {
    %mul3A = arith.constant 10000 : i32
    %mul3A_0 = arith.muli %arg1, %mul3A : i32
    %dma_start3A = tpu.memref_slice %arg2[%mul3A_0] : memref<160000xi32, #tpu.memory_space<hbm>> -> memref<10000xi32, #tpu.memory_space<hbm>>
    %dma_start3A_1 = tpu.memref_slice %arg2[%mul3A_0] : memref<160000xi32, #tpu.memory_space<hbm>> -> memref<10000xi32, #tpu.memory_space<hbm>>
    tpu.enqueue_dma source(%dma_start3A_1 : memref<10000xi32, #tpu.memory_space<hbm>>) target(%arg6 : memref<10000xi32, #tpu.memory_space<vmem>>) target_semaphore(%arg16 : memref<!tpu.dma_semaphore, #tpu.memory_space<semaphore_mem>>)
    %parallel_loop3A = arith.constant 0 : i32
    %parallel_loop3A_2 = arith.constant 1250 : i32
    %parallel_loop3A_3 = arith.constant 1 : i32
    scf.for %parallel_loop3A_31 = %parallel_loop3A to %parallel_loop3A_2 step %parallel_loop3A_3  : i32 {
      %parallel_loop3A_32 = arith.constant 0.000000e+00 : f32
      %parallel_loop3A_33 = vector.broadcast %parallel_loop3A_32 : f32 to vector<16xf32>
      %parallel_loop3A_34 = arith.constant 16 : i32
      %parallel_loop3A_35 = arith.muli %parallel_loop3A_31, %parallel_loop3A_34 : i32
      %parallel_loop3A_36 = arith.index_cast %parallel_loop3A_35 : i32 to index
      %parallel_loop3A_37 = tpu.vector_load %arg7[%parallel_loop3A_36] {strides = array<i32>} : memref<20000xf32, #tpu.memory_space<vmem>>, vector<16xf32>,
      tpu.vector_store %arg7[%parallel_loop3A_36], %parallel_loop3A_33 {strides = array<i32>} : memref<20000xf32, #tpu.memory_space<vmem>>, vector<16xf32>,
    } {sc.loop_unroll_factor = 4 : i64, sc.parallel_access}
    %dma_wait3A = tpu.memref_slice %arg2[%mul3A_0] : memref<160000xi32, #tpu.memory_space<hbm>> -> memref<10000xi32, #tpu.memory_space<hbm>>
    %dma_wait3A_4 = tpu.memref_slice %arg2[%mul3A_0] : memref<160000xi32, #tpu.memory_space<hbm>> -> memref<10000xi32, #tpu.memory_space<hbm>>
    tpu.wait_dma2 semaphore(%arg16 : memref<!tpu.dma_semaphore, #tpu.memory_space<semaphore_mem>>) src(%dma_wait3A_4 : memref<10000xi32, #tpu.memory_space<hbm>>) dst(%arg6 : memref<10000xi32, #tpu.memory_space<vmem>>)
    %mul3A_5 = arith.constant 160000 : i32
    %mul3A_6 = arith.muli %arg0, %mul3A_5 : i32
    %add3A = arith.constant 0 : i32
    %add3A_7 = arith.addi %mul3A_6, %add3A : i32
    %dma_start3A_8 = tpu.memref_slice %arg3[%add3A_7] : memref<320000xi32, #tpu.memory_space<hbm>> -> memref<8000xi32, #tpu.memory_space<hbm>>
    %dma_start3A_9 = tpu.memref_slice %arg3[%add3A_7] : memref<320000xi32, #tpu.memory_space<hbm>> -> memref<8000xi32, #tpu.memory_space<hbm>>
    tpu.enqueue_dma source(%dma_start3A_9 : memref<8000xi32, #tpu.memory_space<hbm>>) target(%arg8 : memref<8000xi32, #tpu.memory_space<vmem>>) target_semaphore(%arg12 : memref<!tpu.dma_semaphore, #tpu.memory_space<semaphore_mem>>)
    %add3A_10 = arith.constant 0 : i32
    %add3A_11 = arith.addi %mul3A_6, %add3A_10 : i32
    %dma_start3A_12 = tpu.memref_slice %arg4[%add3A_11] : memref<320000xf32, #tpu.memory_space<hbm>> -> memref<8000xf32, #tpu.memory_space<hbm>>
    %dma_start3A_13 = tpu.memref_slice %arg4[%add3A_11] : memref<320000xf32, #tpu.memory_space<hbm>> -> memref<8000xf32, #tpu.memory_space<hbm>>
    tpu.enqueue_dma source(%dma_start3A_13 : memref<8000xf32, #tpu.memory_space<hbm>>) target(%arg10 : memref<8000xf32, #tpu.memory_space<vmem>>) target_semaphore(%arg14 : memref<!tpu.dma_semaphore, #tpu.memory_space<semaphore_mem>>)
    %add3A_14 = arith.constant 8000 : i32
    %add3A_15 = arith.addi %mul3A_6, %add3A_14 : i32
    %dma_start3A_16 = tpu.memref_slice %arg3[%add3A_15] : memref<320000xi32, #tpu.memory_space<hbm>> -> memref<8000xi32, #tpu.memory_space<hbm>>
    %dma_start3A_17 = tpu.memref_slice %arg3[%add3A_15] : memref<320000xi32, #tpu.memory_space<hbm>> -> memref<8000xi32, #tpu.memory_space<hbm>>
    tpu.enqueue_dma source(%dma_start3A_17 : memref<8000xi32, #tpu.memory_space<hbm>>) target(%arg9 : memref<8000xi32, #tpu.memory_space<vmem>>) target_semaphore(%arg13 : memref<!tpu.dma_semaphore, #tpu.memory_space<semaphore_mem>>)
    %add3A_18 = arith.constant 8000 : i32
    %add3A_19 = arith.addi %mul3A_6, %add3A_18 : i32
    %dma_start3A_20 = tpu.memref_slice %arg4[%add3A_19] : memref<320000xf32, #tpu.memory_space<hbm>> -> memref<8000xf32, #tpu.memory_space<hbm>>
    %dma_start3A_21 = tpu.memref_slice %arg4[%add3A_19] : memref<320000xf32, #tpu.memory_space<hbm>> -> memref<8000xf32, #tpu.memory_space<hbm>>
    tpu.enqueue_dma source(%dma_start3A_21 : memref<8000xf32, #tpu.memory_space<hbm>>) target(%arg11 : memref<8000xf32, #tpu.memory_space<vmem>>) target_semaphore(%arg15 : memref<!tpu.dma_semaphore, #tpu.memory_space<semaphore_mem>>)
    %scan3A = arith.constant 0 : i32
    %scan3A_22 = arith.constant 10 : i32
    %scan3A_23 = arith.addi %scan3A, %scan3A_22 : i32
    %scan3A_24 = arith.constant 1 : i32
    scf.for %scan3A_31 = %scan3A to %scan3A_23 step %scan3A_24  : i32 {
      %mul3A_32 = arith.constant 2 : i32
      %mul3A_33 = arith.muli %scan3A_31, %mul3A_32 : i32
      %add3A_34 = arith.constant 0 : i32
      %add3A_35 = arith.addi %mul3A_33, %add3A_34 : i32
      %dma_wait3A_36 = tpu.memref_slice %arg3[%mul3A_6] : memref<320000xi32, #tpu.memory_space<hbm>> -> memref<8000xi32, #tpu.memory_space<hbm>>
      %dma_wait3A_37 = tpu.memref_slice %arg3[%mul3A_6] : memref<320000xi32, #tpu.memory_space<hbm>> -> memref<8000xi32, #tpu.memory_space<hbm>>
      tpu.wait_dma2 semaphore(%arg12 : memref<!tpu.dma_semaphore, #tpu.memory_space<semaphore_mem>>) src(%dma_wait3A_37 : memref<8000xi32, #tpu.memory_space<hbm>>) dst(%arg8 : memref<8000xi32, #tpu.memory_space<vmem>>)
      %dma_wait3A_38 = tpu.memref_slice %arg4[%mul3A_6] : memref<320000xf32, #tpu.memory_space<hbm>> -> memref<8000xf32, #tpu.memory_space<hbm>>
      %dma_wait3A_39 = tpu.memref_slice %arg4[%mul3A_6] : memref<320000xf32, #tpu.memory_space<hbm>> -> memref<8000xf32, #tpu.memory_space<hbm>>
      tpu.wait_dma2 semaphore(%arg14 : memref<!tpu.dma_semaphore, #tpu.memory_space<semaphore_mem>>) src(%dma_wait3A_39 : memref<8000xf32, #tpu.memory_space<hbm>>) dst(%arg10 : memref<8000xf32, #tpu.memory_space<vmem>>)
      %parallel_loop3A_40 = arith.constant 0 : i32
      %parallel_loop3A_41 = arith.constant 500 : i32
      %parallel_loop3A_42 = arith.constant 1 : i32
      scf.for %parallel_loop3A_65 = %parallel_loop3A_40 to %parallel_loop3A_41 step %parallel_loop3A_42  : i32 {
        %parallel_loop3A_66 = arith.constant 16 : i32
        %parallel_loop3A_67 = arith.muli %parallel_loop3A_65, %parallel_loop3A_66 : i32
        %parallel_loop3A_68 = arith.index_cast %parallel_loop3A_67 : i32 to index
        %parallel_loop3A_69 = tpu.vector_load %arg8[%parallel_loop3A_68] {strides = array<i32>} : memref<8000xi32, #tpu.memory_space<vmem>>, vector<16xi32>,
        %parallel_loop3A_70 = arith.constant 16 : i32
        %parallel_loop3A_71 = arith.muli %parallel_loop3A_65, %parallel_loop3A_70 : i32
        %parallel_loop3A_72 = arith.index_cast %parallel_loop3A_71 : i32 to index
        %parallel_loop3A_73 = tpu.vector_load %arg10[%parallel_loop3A_72] {strides = array<i32>} : memref<8000xf32, #tpu.memory_space<vmem>>, vector<16xf32>,
        %parallel_loop3A_74 = arith.constant 65535 : i32
        %parallel_loop3A_75 = vector.broadcast %parallel_loop3A_74 : i32 to vector<16xi32>
        %parallel_loop3A_76 = arith.andi %parallel_loop3A_69, %parallel_loop3A_75 : vector<16xi32>
        %parallel_loop3A_77 = arith.constant 16 : i32
        %parallel_loop3A_78 = vector.broadcast %parallel_loop3A_77 : i32 to vector<16xi32>
        %parallel_loop3A_79 = arith.shrui %parallel_loop3A_69, %parallel_loop3A_78 : vector<16xi32>
        %parallel_loop3A_80 = tpu.vector_load_idx %arg6[%parallel_loop3A_76] : memref<10000xi32, #tpu.memory_space<vmem>>[vector<16xi32>], vector<16xi32>,
        %parallel_loop3A_81 = arith.constant 16 : i32
        %parallel_loop3A_82 = vector.broadcast %parallel_loop3A_81 : i32 to vector<16xi32>
        %parallel_loop3A_83 = arith.shli %parallel_loop3A_80, %parallel_loop3A_82 : vector<16xi32>
        %parallel_loop3A_84 = vector.bitcast %parallel_loop3A_83 : vector<16xi32> to vector<16xf32>
        %parallel_loop3A_85 = arith.constant -65536 : i32
        %parallel_loop3A_86 = vector.broadcast %parallel_loop3A_85 : i32 to vector<16xi32>
        %parallel_loop3A_87 = arith.andi %parallel_loop3A_80, %parallel_loop3A_86 : vector<16xi32>
        %parallel_loop3A_88 = vector.bitcast %parallel_loop3A_87 : vector<16xi32> to vector<16xf32>
        %parallel_loop3A_89 = arith.mulf %parallel_loop3A_84, %parallel_loop3A_73 : vector<16xf32>
        tpu.vector_store_idx %arg7[%parallel_loop3A_79], %parallel_loop3A_89 {add = true} : memref<20000xf32, #tpu.memory_space<vmem>>[vector<16xi32>], vector<16xf32>,
        %parallel_loop3A_90 = arith.constant 10000 : i32
        %parallel_loop3A_91 = vector.broadcast %parallel_loop3A_90 : i32 to vector<16xi32>
        %parallel_loop3A_92 = arith.addi %parallel_loop3A_79, %parallel_loop3A_91 : vector<16xi32>
        %parallel_loop3A_93 = arith.mulf %parallel_loop3A_88, %parallel_loop3A_73 : vector<16xf32>
        tpu.vector_store_idx %arg7[%parallel_loop3A_92], %parallel_loop3A_93 {add = true} : memref<20000xf32, #tpu.memory_space<vmem>>[vector<16xi32>], vector<16xf32>,
      } {sc.loop_unroll_factor = 8 : i64, sc.parallel_access}
      %add3A_43 = arith.constant 2 : i32
      %add3A_44 = arith.addi %add3A_35, %add3A_43 : i32
      %lt3A = arith.constant 20 : i32
      %lt3A_45 = arith.cmpi slt, %add3A_44, %lt3A : i32
      %convert_element_type3A = arith.extui %lt3A_45 : i1 to i32
      %cond3A = arith.constant 0 : i32
      %cond3A_46 = arith.cmpi ne, %convert_element_type3A, %cond3A : i32
      scf.if %cond3A_46 {
        %add3A_65 = arith.constant 2 : i32
        %add3A_66 = arith.addi %add3A_35, %add3A_65 : i32
        %mul3A_67 = arith.constant 8000 : i32
        %mul3A_68 = arith.muli %add3A_66, %mul3A_67 : i32
        %add3A_69 = arith.addi %mul3A_6, %mul3A_68 : i32
        %dma_start3A_70 = tpu.memref_slice %arg3[%add3A_69] : memref<320000xi32, #tpu.memory_space<hbm>> -> memref<8000xi32, #tpu.memory_space<hbm>>
        %dma_start3A_71 = tpu.memref_slice %arg3[%add3A_69] : memref<320000xi32, #tpu.memory_space<hbm>> -> memref<8000xi32, #tpu.memory_space<hbm>>
        tpu.enqueue_dma source(%dma_start3A_71 : memref<8000xi32, #tpu.memory_space<hbm>>) target(%arg8 : memref<8000xi32, #tpu.memory_space<vmem>>) target_semaphore(%arg12 : memref<!tpu.dma_semaphore, #tpu.memory_space<semaphore_mem>>)
        %mul3A_72 = arith.constant 8000 : i32
        %mul3A_73 = arith.muli %add3A_66, %mul3A_72 : i32
        %add3A_74 = arith.addi %mul3A_6, %mul3A_73 : i32
        %dma_start3A_75 = tpu.memref_slice %arg4[%add3A_74] : memref<320000xf32, #tpu.memory_space<hbm>> -> memref<8000xf32, #tpu.memory_space<hbm>>
        %dma_start3A_76 = tpu.memref_slice %arg4[%add3A_74] : memref<320000xf32, #tpu.memory_space<hbm>> -> memref<8000xf32, #tpu.memory_space<hbm>>
        tpu.enqueue_dma source(%dma_start3A_76 : memref<8000xf32, #tpu.memory_space<hbm>>) target(%arg10 : memref<8000xf32, #tpu.memory_space<vmem>>) target_semaphore(%arg14 : memref<!tpu.dma_semaphore, #tpu.memory_space<semaphore_mem>>)
      } else {
      }
      %mul3A_47 = arith.constant 2 : i32
      %mul3A_48 = arith.muli %scan3A_31, %mul3A_47 : i32
      %add3A_49 = arith.constant 1 : i32
      %add3A_50 = arith.addi %mul3A_48, %add3A_49 : i32
      %dma_wait3A_51 = tpu.memref_slice %arg3[%mul3A_6] : memref<320000xi32, #tpu.memory_space<hbm>> -> memref<8000xi32, #tpu.memory_space<hbm>>
      %dma_wait3A_52 = tpu.memref_slice %arg3[%mul3A_6] : memref<320000xi32, #tpu.memory_space<hbm>> -> memref<8000xi32, #tpu.memory_space<hbm>>
      tpu.wait_dma2 semaphore(%arg13 : memref<!tpu.dma_semaphore, #tpu.memory_space<semaphore_mem>>) src(%dma_wait3A_52 : memref<8000xi32, #tpu.memory_space<hbm>>) dst(%arg9 : memref<8000xi32, #tpu.memory_space<vmem>>)
      %dma_wait3A_53 = tpu.memref_slice %arg4[%mul3A_6] : memref<320000xf32, #tpu.memory_space<hbm>> -> memref<8000xf32, #tpu.memory_space<hbm>>
      %dma_wait3A_54 = tpu.memref_slice %arg4[%mul3A_6] : memref<320000xf32, #tpu.memory_space<hbm>> -> memref<8000xf32, #tpu.memory_space<hbm>>
      tpu.wait_dma2 semaphore(%arg15 : memref<!tpu.dma_semaphore, #tpu.memory_space<semaphore_mem>>) src(%dma_wait3A_54 : memref<8000xf32, #tpu.memory_space<hbm>>) dst(%arg11 : memref<8000xf32, #tpu.memory_space<vmem>>)
      %parallel_loop3A_55 = arith.constant 0 : i32
      %parallel_loop3A_56 = arith.constant 500 : i32
      %parallel_loop3A_57 = arith.constant 1 : i32
      scf.for %parallel_loop3A_65 = %parallel_loop3A_55 to %parallel_loop3A_56 step %parallel_loop3A_57  : i32 {
        %parallel_loop3A_66 = arith.constant 16 : i32
        %parallel_loop3A_67 = arith.muli %parallel_loop3A_65, %parallel_loop3A_66 : i32
        %parallel_loop3A_68 = arith.index_cast %parallel_loop3A_67 : i32 to index
        %parallel_loop3A_69 = tpu.vector_load %arg9[%parallel_loop3A_68] {strides = array<i32>} : memref<8000xi32, #tpu.memory_space<vmem>>, vector<16xi32>,
        %parallel_loop3A_70 = arith.constant 16 : i32
        %parallel_loop3A_71 = arith.muli %parallel_loop3A_65, %parallel_loop3A_70 : i32
        %parallel_loop3A_72 = arith.index_cast %parallel_loop3A_71 : i32 to index
        %parallel_loop3A_73 = tpu.vector_load %arg11[%parallel_loop3A_72] {strides = array<i32>} : memref<8000xf32, #tpu.memory_space<vmem>>, vector<16xf32>,
        %parallel_loop3A_74 = arith.constant 65535 : i32
        %parallel_loop3A_75 = vector.broadcast %parallel_loop3A_74 : i32 to vector<16xi32>
        %parallel_loop3A_76 = arith.andi %parallel_loop3A_69, %parallel_loop3A_75 : vector<16xi32>
        %parallel_loop3A_77 = arith.constant 16 : i32
        %parallel_loop3A_78 = vector.broadcast %parallel_loop3A_77 : i32 to vector<16xi32>
        %parallel_loop3A_79 = arith.shrui %parallel_loop3A_69, %parallel_loop3A_78 : vector<16xi32>
        %parallel_loop3A_80 = tpu.vector_load_idx %arg6[%parallel_loop3A_76] : memref<10000xi32, #tpu.memory_space<vmem>>[vector<16xi32>], vector<16xi32>,
        %parallel_loop3A_81 = arith.constant 16 : i32
        %parallel_loop3A_82 = vector.broadcast %parallel_loop3A_81 : i32 to vector<16xi32>
        %parallel_loop3A_83 = arith.shli %parallel_loop3A_80, %parallel_loop3A_82 : vector<16xi32>
        %parallel_loop3A_84 = vector.bitcast %parallel_loop3A_83 : vector<16xi32> to vector<16xf32>
        %parallel_loop3A_85 = arith.constant -65536 : i32
        %parallel_loop3A_86 = vector.broadcast %parallel_loop3A_85 : i32 to vector<16xi32>
        %parallel_loop3A_87 = arith.andi %parallel_loop3A_80, %parallel_loop3A_86 : vector<16xi32>
        %parallel_loop3A_88 = vector.bitcast %parallel_loop3A_87 : vector<16xi32> to vector<16xf32>
        %parallel_loop3A_89 = arith.mulf %parallel_loop3A_84, %parallel_loop3A_73 : vector<16xf32>
        tpu.vector_store_idx %arg7[%parallel_loop3A_79], %parallel_loop3A_89 {add = true} : memref<20000xf32, #tpu.memory_space<vmem>>[vector<16xi32>], vector<16xf32>,
        %parallel_loop3A_90 = arith.constant 10000 : i32
        %parallel_loop3A_91 = vector.broadcast %parallel_loop3A_90 : i32 to vector<16xi32>
        %parallel_loop3A_92 = arith.addi %parallel_loop3A_79, %parallel_loop3A_91 : vector<16xi32>
        %parallel_loop3A_93 = arith.mulf %parallel_loop3A_88, %parallel_loop3A_73 : vector<16xf32>
        tpu.vector_store_idx %arg7[%parallel_loop3A_92], %parallel_loop3A_93 {add = true} : memref<20000xf32, #tpu.memory_space<vmem>>[vector<16xi32>], vector<16xf32>,
      } {sc.loop_unroll_factor = 8 : i64, sc.parallel_access}
      %add3A_58 = arith.constant 2 : i32
      %add3A_59 = arith.addi %add3A_50, %add3A_58 : i32
      %lt3A_60 = arith.constant 20 : i32
      %lt3A_61 = arith.cmpi slt, %add3A_59, %lt3A_60 : i32
      %convert_element_type3A_62 = arith.extui %lt3A_61 : i1 to i32
      %cond3A_63 = arith.constant 0 : i32
      %cond3A_64 = arith.cmpi ne, %convert_element_type3A_62, %cond3A_63 : i32
      scf.if %cond3A_64 {
        %add3A_65 = arith.constant 2 : i32
        %add3A_66 = arith.addi %add3A_50, %add3A_65 : i32
        %mul3A_67 = arith.constant 8000 : i32
        %mul3A_68 = arith.muli %add3A_66, %mul3A_67 : i32
        %add3A_69 = arith.addi %mul3A_6, %mul3A_68 : i32
        %dma_start3A_70 = tpu.memref_slice %arg3[%add3A_69] : memref<320000xi32, #tpu.memory_space<hbm>> -> memref<8000xi32, #tpu.memory_space<hbm>>
        %dma_start3A_71 = tpu.memref_slice %arg3[%add3A_69] : memref<320000xi32, #tpu.memory_space<hbm>> -> memref<8000xi32, #tpu.memory_space<hbm>>
        tpu.enqueue_dma source(%dma_start3A_71 : memref<8000xi32, #tpu.memory_space<hbm>>) target(%arg9 : memref<8000xi32, #tpu.memory_space<vmem>>) target_semaphore(%arg13 : memref<!tpu.dma_semaphore, #tpu.memory_space<semaphore_mem>>)
        %mul3A_72 = arith.constant 8000 : i32
        %mul3A_73 = arith.muli %add3A_66, %mul3A_72 : i32
        %add3A_74 = arith.addi %mul3A_6, %mul3A_73 : i32
        %dma_start3A_75 = tpu.memref_slice %arg4[%add3A_74] : memref<320000xf32, #tpu.memory_space<hbm>> -> memref<8000xf32, #tpu.memory_space<hbm>>
        %dma_start3A_76 = tpu.memref_slice %arg4[%add3A_74] : memref<320000xf32, #tpu.memory_space<hbm>> -> memref<8000xf32, #tpu.memory_space<hbm>>
        tpu.enqueue_dma source(%dma_start3A_76 : memref<8000xf32, #tpu.memory_space<hbm>>) target(%arg11 : memref<8000xf32, #tpu.memory_space<vmem>>) target_semaphore(%arg15 : memref<!tpu.dma_semaphore, #tpu.memory_space<semaphore_mem>>)
      } else {
      }
    }
    %scan3A_25 = arith.constant 10 : i32
    %mul3A_26 = arith.constant 320000 : i32
    %mul3A_27 = arith.muli %arg0, %mul3A_26 : i32
    %mul3A_28 = arith.constant 20000 : i32
    %mul3A_29 = arith.muli %arg1, %mul3A_28 : i32
    %add3A_30 = arith.addi %mul3A_27, %mul3A_29 : i32
    "tpu.region"() ({
      %run_scoped3A = tpu.sem_alloc : memref<!tpu.dma_semaphore, #tpu.memory_space<semaphore_mem>>
      %dma_start3A_31 = tpu.memref_slice %arg5[%add3A_30] : memref<640000xf32, #tpu.memory_space<hbm>> -> memref<20000xf32, #tpu.memory_space<hbm>>
      %dma_start3A_32 = tpu.memref_slice %arg5[%add3A_30] : memref<640000xf32, #tpu.memory_space<hbm>> -> memref<20000xf32, #tpu.memory_space<hbm>>
      tpu.enqueue_dma source(%arg7 : memref<20000xf32, #tpu.memory_space<vmem>>) target(%dma_start3A_32 : memref<20000xf32, #tpu.memory_space<hbm>>) target_semaphore(%run_scoped3A : memref<!tpu.dma_semaphore, #tpu.memory_space<semaphore_mem>>)
      %dma_wait3A_33 = tpu.memref_slice %arg5[%add3A_30] : memref<640000xf32, #tpu.memory_space<hbm>> -> memref<20000xf32, #tpu.memory_space<hbm>>
      %dma_wait3A_34 = tpu.memref_slice %arg5[%add3A_30] : memref<640000xf32, #tpu.memory_space<hbm>> -> memref<20000xf32, #tpu.memory_space<hbm>>
      tpu.wait_dma2 semaphore(%run_scoped3A : memref<!tpu.dma_semaphore, #tpu.memory_space<semaphore_mem>>) src(%arg7 : memref<20000xf32, #tpu.memory_space<vmem>>) dst(%dma_wait3A_34 : memref<20000xf32, #tpu.memory_space<hbm>>)
      tpu.yield
    }) : () -> ()
    return
  }
}

module attributes {stable_mosaic.version = 14 : i64} {
  func.func @_prologue_body(%arg0: memref<2500x128xf32, #tpu.memory_space<vmem>>, %arg1: memref<2500x128xf32, #tpu.memory_space<vmem>>, %arg2: memref<3x1xf32, #tpu.memory_space<vmem>>, %arg3: memref<2500x128xi32, #tpu.memory_space<vmem>>, %arg4: memref<2500x128xi32, #tpu.memory_space<vmem>>, %arg5: memref<10000x128xf32, #tpu.memory_space<vmem>>, %arg6: memref<10000x32xf32, #tpu.memory_space<vmem>>, %arg7: memref<128x32xf32, #tpu.memory_space<vmem>>, %arg8: memref<1x32xf32, #tpu.memory_space<vmem>>, %arg9: memref<64x32xf32, #tpu.memory_space<vmem>>, %arg10: memref<32x1xf32, #tpu.memory_space<vmem>>, %arg11: memref<2500x128xf32, #tpu.memory_space<vmem>>, %arg12: memref<2500x128xi32, #tpu.memory_space<vmem>>, %arg13: memref<32x10000xf32, #tpu.memory_space<vmem>>) attributes {dimension_semantics = [], scalar_prefetch = 0 : i64, scratch_operands = 0 : i64, tpu.core_type = #tpu.core_type<tc>} {
    %get3A = arith.constant 0 : index
    %get3A_0 = arith.constant 0 : index
    %get3A_1 = vector.load %arg0[%get3A, %get3A_0] : memref<2500x128xf32, #tpu.memory_space<vmem>>, vector<2500x128xf32>
    %get3A_2 = arith.constant 0 : index
    %get3A_3 = arith.constant 0 : index
    %get3A_4 = vector.load %arg1[%get3A_2, %get3A_3] : memref<2500x128xf32, #tpu.memory_space<vmem>>, vector<2500x128xf32>
    %get3A_5 = arith.constant 0 : index
    %get3A_6 = arith.constant 0 : index
    %get3A_7 = vector.load %arg2[%get3A_5, %get3A_6] : memref<3x1xf32, #tpu.memory_space<vmem>>, vector<1x1xf32>
    %get3A_8 = vector.extract %get3A_7[0, 0] : f32 from vector<1x1xf32>
    %mul3A = vector.broadcast %get3A_8 : f32 to vector<2500x128xf32>
    %mul3A_9 = arith.mulf %get3A_1, %mul3A : vector<2500x128xf32>
    %get3A_10 = arith.constant 1 : index
    %get3A_11 = arith.constant 0 : index
    %get3A_12 = vector.load %arg2[%get3A_10, %get3A_11] : memref<3x1xf32, #tpu.memory_space<vmem>>, vector<1x1xf32>
    %get3A_13 = vector.extract %get3A_12[0, 0] : f32 from vector<1x1xf32>
    %mul3A_14 = vector.broadcast %get3A_13 : f32 to vector<2500x128xf32>
    %mul3A_15 = arith.mulf %get3A_4, %mul3A_14 : vector<2500x128xf32>
    %add3A = arith.addf %mul3A_9, %mul3A_15 : vector<2500x128xf32>
    %get3A_16 = arith.constant 2 : index
    %get3A_17 = arith.constant 0 : index
    %get3A_18 = vector.load %arg2[%get3A_16, %get3A_17] : memref<3x1xf32, #tpu.memory_space<vmem>>, vector<1x1xf32>
    %get3A_19 = vector.extract %get3A_18[0, 0] : f32 from vector<1x1xf32>
    %add3A_20 = vector.broadcast %get3A_19 : f32 to vector<2500x128xf32>
    %add3A_21 = arith.addf %add3A, %add3A_20 : vector<2500x128xf32>
    %reduce_max3A = vector.shape_cast %add3A_21 : vector<2500x128xf32> to vector<1x2500x128xf32>
    %reduce_max3A_22 = arith.constant dense<0xFF800000> : vector<1xf32>
    %reduce_max3A_23 = vector.multi_reduction <maximumf>, %reduce_max3A, %reduce_max3A_22 [1, 2] : vector<1x2500x128xf32> to vector<1xf32>
    %reduce_max3A_24 = vector.shape_cast %reduce_max3A_23 : vector<1xf32> to vector<1x1x1xf32>
    %reduce_max3A_25 = vector.extract %reduce_max3A_24[0, 0, 0] : f32 from vector<1x1x1xf32>
    %gt3A = arith.constant 1.000000e+03 : f32
    %gt3A_26 = arith.cmpf ogt, %reduce_max3A_25, %gt3A : f32
    %div3A = vector.broadcast %reduce_max3A_25 : f32 to vector<2500x128xf32>
    %div3A_27 = arith.divf %add3A_21, %div3A : vector<2500x128xf32>
    %select_n3A = arith.select %gt3A_26, %div3A_27, %add3A_21 : vector<2500x128xf32>
    %swap3A = arith.constant 0 : index
    %swap3A_28 = arith.constant 0 : index
    %swap3A_29 = vector.load %arg11[%swap3A, %swap3A_28] : memref<2500x128xf32, #tpu.memory_space<vmem>>, vector<2500x128xf32>
    tpu.vector_store %arg11[%swap3A, %swap3A_28], %select_n3A {strides = array<i32>} : memref<2500x128xf32, #tpu.memory_space<vmem>>, vector<2500x128xf32>,
    %get3A_30 = arith.constant 0 : index
    %get3A_31 = arith.constant 0 : index
    %get3A_32 = vector.load %arg3[%get3A_30, %get3A_31] : memref<2500x128xi32, #tpu.memory_space<vmem>>, vector<2500x128xi32>
    %get3A_33 = arith.constant 0 : index
    %get3A_34 = arith.constant 0 : index
    %get3A_35 = vector.load %arg4[%get3A_33, %get3A_34] : memref<2500x128xi32, #tpu.memory_space<vmem>>, vector<2500x128xi32>
    %shift_left3A = arith.constant 16 : i32
    %shift_left3A_36 = vector.broadcast %shift_left3A : i32 to vector<2500x128xi32>
    %shift_left3A_37 = arith.shli %get3A_35, %shift_left3A_36 : vector<2500x128xi32>
    %or3A = arith.ori %get3A_32, %shift_left3A_37 : vector<2500x128xi32>
    %swap3A_38 = arith.constant 0 : index
    %swap3A_39 = arith.constant 0 : index
    %swap3A_40 = vector.load %arg12[%swap3A_38, %swap3A_39] : memref<2500x128xi32, #tpu.memory_space<vmem>>, vector<2500x128xi32>
    tpu.vector_store %arg12[%swap3A_38, %swap3A_39], %or3A {strides = array<i32>} : memref<2500x128xi32, #tpu.memory_space<vmem>>, vector<2500x128xi32>,
    %get3A_41 = arith.constant 0 : index
    %get3A_42 = arith.constant 0 : index
    %get3A_43 = vector.load %arg5[%get3A_41, %get3A_42] : memref<10000x128xf32, #tpu.memory_space<vmem>>, vector<10000x128xf32>
    %jit3A = arith.constant 0.000000e+00 : f32
    %ne3A = arith.cmpf one, %get3A_43, %get3A_43 : vector<10000x128xf32>
    %broadcast_in_dim3A = vector.broadcast %jit3A : f32 to vector<10000x128xf32>
    %select_n3A_44 = arith.select %ne3A, %broadcast_in_dim3A, %get3A_43 : vector<10000x128xi1>, vector<10000x128xf32>
    %eq3A = arith.constant 0x7F800000 : f32
    %eq3A_45 = vector.broadcast %eq3A : f32 to vector<10000x128xf32>
    %eq3A_46 = arith.cmpf oeq, %select_n3A_44, %eq3A_45 : vector<10000x128xf32>
    %jit3A_47 = arith.constant 3.40282347E+38 : f32
    %broadcast_in_dim3A_48 = vector.broadcast %jit3A_47 : f32 to vector<10000x128xf32>
    %select_n3A_49 = arith.select %eq3A_46, %broadcast_in_dim3A_48, %select_n3A_44 : vector<10000x128xi1>, vector<10000x128xf32>
    %eq3A_50 = arith.constant 0xFF800000 : f32
    %eq3A_51 = vector.broadcast %eq3A_50 : f32 to vector<10000x128xf32>
    %eq3A_52 = arith.cmpf oeq, %select_n3A_49, %eq3A_51 : vector<10000x128xf32>
    %jit3A_53 = arith.constant -3.40282347E+38 : f32
    %broadcast_in_dim3A_54 = vector.broadcast %jit3A_53 : f32 to vector<10000x128xf32>
    %select_n3A_55 = arith.select %eq3A_52, %broadcast_in_dim3A_54, %select_n3A_49 : vector<10000x128xi1>, vector<10000x128xf32>
    %get3A_56 = arith.constant 0 : index
    %get3A_57 = arith.constant 0 : index
    %get3A_58 = vector.load %arg7[%get3A_56, %get3A_57] : memref<128x32xf32, #tpu.memory_space<vmem>>, vector<128x32xf32>
    %dot_general3A = arith.constant dense<0.000000e+00> : vector<10000x32xf32>
    %dot_general3A_59 = tpu.matmul %select_n3A_55, %get3A_58, %dot_general3A {dimension_numbers = #tpu.dot_dimension_numbers<[1], [0], [0], [1], [0, 0, 1, 1], [], []>, transpose_lhs_hint = false} : vector<10000x128xf32>, vector<128x32xf32>, vector<10000x32xf32> -> vector<10000x32xf32>
    %get3A_60 = arith.constant 0 : index
    %get3A_61 = arith.constant 0 : index
    %get3A_62 = vector.load %arg8[%get3A_60, %get3A_61] : memref<1x32xf32, #tpu.memory_space<vmem>>, vector<1x32xf32>
    %add3A_63 = vector.broadcast %get3A_62 : vector<1x32xf32> to vector<10000x32xf32>
    %add3A_64 = arith.addf %dot_general3A_59, %add3A_63 : vector<10000x32xf32>
    %get3A_65 = arith.constant 0 : index
    %get3A_66 = arith.constant 0 : index
    %get3A_67 = vector.load %arg9[%get3A_65, %get3A_66] : memref<64x32xf32, #tpu.memory_space<vmem>>, vector<64x32xf32>
    %slice3A = vector.extract_strided_slice %get3A_67 {offsets = [0, 0], sizes = [32, 32], strides = [1, 1]} : vector<64x32xf32> to vector<32x32xf32>
    %get3A_68 = arith.constant 0 : index
    %get3A_69 = arith.constant 0 : index
    %get3A_70 = vector.load %arg9[%get3A_68, %get3A_69] : memref<64x32xf32, #tpu.memory_space<vmem>>, vector<64x32xf32>
    %slice3A_71 = vector.extract_strided_slice %get3A_70 {offsets = [32, 0], sizes = [32, 32], strides = [1, 1]} : vector<64x32xf32> to vector<32x32xf32>
    %get3A_72 = arith.constant 0 : index
    %get3A_73 = arith.constant 0 : index
    %get3A_74 = vector.load %arg6[%get3A_72, %get3A_73] : memref<10000x32xf32, #tpu.memory_space<vmem>>, vector<10000x32xf32>
    %dot_general3A_75 = arith.constant dense<0.000000e+00> : vector<32x10000xf32>
    %dot_general3A_76 = tpu.matmul %slice3A, %get3A_74, %dot_general3A_75 {dimension_numbers = #tpu.dot_dimension_numbers<[0], [1], [1], [0], [0, 1, 1, 0], [], []>, transpose_lhs_hint = false} : vector<32x32xf32>, vector<10000x32xf32>, vector<32x10000xf32> -> vector<32x10000xf32>
    %dot_general3A_77 = arith.constant dense<0.000000e+00> : vector<32x10000xf32>
    %dot_general3A_78 = tpu.matmul %slice3A_71, %add3A_64, %dot_general3A_77 {dimension_numbers = #tpu.dot_dimension_numbers<[0], [1], [1], [0], [0, 1, 1, 0], [], []>, transpose_lhs_hint = false} : vector<32x32xf32>, vector<10000x32xf32>, vector<32x10000xf32> -> vector<32x10000xf32>
    %add3A_79 = arith.addf %dot_general3A_76, %dot_general3A_78 : vector<32x10000xf32>
    %get3A_80 = arith.constant 0 : index
    %get3A_81 = arith.constant 0 : index
    %get3A_82 = vector.load %arg10[%get3A_80, %get3A_81] : memref<32x1xf32, #tpu.memory_space<vmem>>, vector<32x1xf32>
    %add3A_83 = vector.broadcast %get3A_82 : vector<32x1xf32> to vector<32x10000xf32>
    %add3A_84 = arith.addf %add3A_79, %add3A_83 : vector<32x10000xf32>
    %max3A = arith.constant 0.000000e+00 : f32
    %max3A_85 = vector.broadcast %max3A : f32 to vector<32x10000xf32>
    %max3A_86 = arith.maximumf %add3A_84, %max3A_85 : vector<32x10000xf32>
    %swap3A_87 = arith.constant 0 : index
    %swap3A_88 = arith.constant 0 : index
    %swap3A_89 = vector.load %arg13[%swap3A_87, %swap3A_88] : memref<32x10000xf32, #tpu.memory_space<vmem>>, vector<32x10000xf32>
    tpu.vector_store %arg13[%swap3A_87, %swap3A_88], %max3A_86 {strides = array<i32>} : memref<32x10000xf32, #tpu.memory_space<vmem>>, vector<32x10000xf32>,
    return
  }
}

module attributes {stable_mosaic.version = 14 : i64} {
  func.func @_norm_body(%arg0: memref<32x10000xf32, #tpu.memory_space<vmem>>, %arg1: memref<32x10000xf32, #tpu.memory_space<vmem>>, %arg2: memref<1x10000xf32, #tpu.memory_space<vmem>>, %arg3: memref<1x10000xf32, #tpu.memory_space<vmem>>, %arg4: memref<16x10000xi32, #tpu.memory_space<vmem>>) attributes {dimension_semantics = [], scalar_prefetch = 0 : i64, scratch_operands = 0 : i64, tpu.core_type = #tpu.core_type<tc>} {
    %get3A = arith.constant 0 : index
    %get3A_0 = arith.constant 0 : index
    %get3A_1 = vector.load %arg0[%get3A, %get3A_0] : memref<32x10000xf32, #tpu.memory_space<vmem>>, vector<32x10000xf32>
    %reduce_sum3A = arith.constant dense<0.000000e+00> : vector<10000xf32>
    %reduce_sum3A_2 = vector.multi_reduction <add>, %get3A_1, %reduce_sum3A [0] : vector<32x10000xf32> to vector<10000xf32>
    %broadcast_in_dim3A = vector.shape_cast %reduce_sum3A_2 : vector<10000xf32> to vector<1x10000xf32>
    %add3A = arith.constant 1.000000e+00 : f32
    %add3A_3 = vector.broadcast %add3A : f32 to vector<1x10000xf32>
    %add3A_4 = arith.addf %add3A_3, %broadcast_in_dim3A : vector<1x10000xf32>
    %gt3A = arith.constant 0.000000e+00 : f32
    %gt3A_5 = vector.broadcast %gt3A : f32 to vector<1x10000xf32>
    %gt3A_6 = arith.cmpf ogt, %add3A_4, %gt3A_5 : vector<1x10000xf32>
    %jit3A = arith.constant 1.000000e+00 : f32
    %broadcast_in_dim3A_7 = vector.broadcast %jit3A : f32 to vector<1x10000xf32>
    %select_n3A = arith.select %gt3A_6, %add3A_4, %broadcast_in_dim3A_7 : vector<1x10000xi1>, vector<1x10000xf32>
    %gt3A_8 = arith.constant 0.000000e+00 : f32
    %gt3A_9 = vector.broadcast %gt3A_8 : f32 to vector<1x10000xf32>
    %gt3A_10 = arith.cmpf ogt, %add3A_4, %gt3A_9 : vector<1x10000xf32>
    %sqrt3A = math.sqrt %select_n3A : vector<1x10000xf32>
    %div3A = arith.constant 1.000000e+00 : f32
    %div3A_11 = vector.broadcast %div3A : f32 to vector<1x10000xf32>
    %div3A_12 = arith.divf %div3A_11, %sqrt3A : vector<1x10000xf32>
    %jit3A_13 = arith.constant 0.000000e+00 : f32
    %broadcast_in_dim3A_14 = vector.broadcast %jit3A_13 : f32 to vector<1x10000xf32>
    %select_n3A_15 = arith.select %gt3A_10, %div3A_12, %broadcast_in_dim3A_14 : vector<1x10000xi1>, vector<1x10000xf32>
    %swap3A = arith.constant 0 : index
    %swap3A_16 = arith.constant 0 : index
    %swap3A_17 = vector.load %arg2[%swap3A, %swap3A_16] : memref<1x10000xf32, #tpu.memory_space<vmem>>, vector<1x10000xf32>
    tpu.vector_store %arg2[%swap3A, %swap3A_16], %select_n3A_15 {strides = array<i32>} : memref<1x10000xf32, #tpu.memory_space<vmem>>, vector<1x10000xf32>,
    %mul3A = arith.mulf %select_n3A_15, %select_n3A_15 : vector<1x10000xf32>
    %swap3A_18 = arith.constant 0 : index
    %swap3A_19 = arith.constant 0 : index
    %swap3A_20 = vector.load %arg3[%swap3A_18, %swap3A_19] : memref<1x10000xf32, #tpu.memory_space<vmem>>, vector<1x10000xf32>
    tpu.vector_store %arg3[%swap3A_18, %swap3A_19], %mul3A {strides = array<i32>} : memref<1x10000xf32, #tpu.memory_space<vmem>>, vector<1x10000xf32>,
    %get3A_21 = arith.constant 0 : index
    %get3A_22 = arith.constant 0 : index
    %get3A_23 = vector.load %arg1[%get3A_21, %get3A_22] : memref<32x10000xf32, #tpu.memory_space<vmem>>, vector<32x10000xf32>
    %mul3A_24 = vector.broadcast %select_n3A_15 : vector<1x10000xf32> to vector<32x10000xf32>
    %mul3A_25 = arith.mulf %get3A_23, %mul3A_24 : vector<32x10000xf32>
    %slice3A = vector.extract_strided_slice %mul3A_25 {offsets = [0, 0], sizes = [16, 10000], strides = [1, 1]} : vector<32x10000xf32> to vector<16x10000xf32>
    %convert_element_type3A = arith.truncf %slice3A : vector<16x10000xf32> to vector<16x10000xbf16>
    %bitcast_convert_type3A = tpu.bitcast %convert_element_type3A : vector<16x10000xbf16> -> vector<16x10000xi16>
    %convert_element_type3A_26 = arith.extui %bitcast_convert_type3A : vector<16x10000xi16> to vector<16x10000xi32>
    %slice3A_27 = vector.extract_strided_slice %mul3A_25 {offsets = [16, 0], sizes = [16, 10000], strides = [1, 1]} : vector<32x10000xf32> to vector<16x10000xf32>
    %convert_element_type3A_28 = arith.truncf %slice3A_27 : vector<16x10000xf32> to vector<16x10000xbf16>
    %bitcast_convert_type3A_29 = tpu.bitcast %convert_element_type3A_28 : vector<16x10000xbf16> -> vector<16x10000xi16>
    %convert_element_type3A_30 = arith.extui %bitcast_convert_type3A_29 : vector<16x10000xi16> to vector<16x10000xi32>
    %shift_left3A = arith.constant 16 : i32
    %shift_left3A_31 = vector.broadcast %shift_left3A : i32 to vector<16x10000xi32>
    %shift_left3A_32 = arith.shli %convert_element_type3A_30, %shift_left3A_31 : vector<16x10000xi32>
    %or3A = arith.ori %convert_element_type3A_26, %shift_left3A_32 : vector<16x10000xi32>
    %bitcast_convert_type3A_33 = tpu.bitcast %or3A : vector<16x10000xi32> -> vector<16x10000xi32>
    %swap3A_34 = arith.constant 0 : index
    %swap3A_35 = arith.constant 0 : index
    %swap3A_36 = vector.load %arg4[%swap3A_34, %swap3A_35] : memref<16x10000xi32, #tpu.memory_space<vmem>>, vector<16x10000xi32>
    tpu.vector_store %arg4[%swap3A_34, %swap3A_35], %bitcast_convert_type3A_33 {strides = array<i32>} : memref<16x10000xi32, #tpu.memory_space<vmem>>, vector<16x10000xi32>,
    return
  }
}

module attributes {stable_mosaic.version = 14 : i64} {
  func.func @_layer_body(%arg0: memref<2x16x2x10000xf32, #tpu.memory_space<vmem>>, %arg1: memref<32x10000xf32, #tpu.memory_space<vmem>>, %arg2: memref<1x10000xf32, #tpu.memory_space<vmem>>, %arg3: memref<1x10000xf32, #tpu.memory_space<vmem>>, %arg4: memref<32x32xf32, #tpu.memory_space<vmem>>, %arg5: memref<32x1xf32, #tpu.memory_space<vmem>>, %arg6: memref<32x1xf32, #tpu.memory_space<vmem>>, %arg7: memref<32x1xf32, #tpu.memory_space<vmem>>, %arg8: memref<32x10000xf32, #tpu.memory_space<vmem>>, %arg9: memref<16x10000xi32, #tpu.memory_space<vmem>>) attributes {dimension_semantics = [], scalar_prefetch = 0 : i64, scratch_operands = 0 : i64, tpu.core_type = #tpu.core_type<tc>} {
    %get3A = arith.constant 0 : index
    %get3A_0 = arith.constant 0 : index
    %get3A_1 = arith.constant 0 : index
    %get3A_2 = arith.constant 0 : index
    %get3A_3 = vector.load %arg0[%get3A, %get3A_0, %get3A_1, %get3A_2] : memref<2x16x2x10000xf32, #tpu.memory_space<vmem>>, vector<1x16x2x10000xf32>
    %get3A_4 = vector.shape_cast %get3A_3 : vector<1x16x2x10000xf32> to vector<16x2x10000xf32>
    %get3A_5 = arith.constant 1 : index
    %get3A_6 = arith.constant 0 : index
    %get3A_7 = arith.constant 0 : index
    %get3A_8 = arith.constant 0 : index
    %get3A_9 = vector.load %arg0[%get3A_5, %get3A_6, %get3A_7, %get3A_8] : memref<2x16x2x10000xf32, #tpu.memory_space<vmem>>, vector<1x16x2x10000xf32>
    %get3A_10 = vector.shape_cast %get3A_9 : vector<1x16x2x10000xf32> to vector<16x2x10000xf32>
    %add3A = arith.addf %get3A_4, %get3A_10 : vector<16x2x10000xf32>
    %slice3A = vector.extract_strided_slice %add3A {offsets = [0, 0, 0], sizes = [16, 1, 10000], strides = [1, 1, 1]} : vector<16x2x10000xf32> to vector<16x1x10000xf32>
    %squeeze3A = vector.shape_cast %slice3A : vector<16x1x10000xf32> to vector<16x10000xf32>
    %slice3A_11 = vector.extract_strided_slice %add3A {offsets = [0, 1, 0], sizes = [16, 1, 10000], strides = [1, 1, 1]} : vector<16x2x10000xf32> to vector<16x1x10000xf32>
    %squeeze3A_12 = vector.shape_cast %slice3A_11 : vector<16x1x10000xf32> to vector<16x10000xf32>
    %concatenate3A = tpu.concatenate %squeeze3A, %squeeze3A_12 in 0 : vector<16x10000xf32>, vector<16x10000xf32> -> vector<32x10000xf32>
    %get3A_13 = arith.constant 0 : index
    %get3A_14 = arith.constant 0 : index
    %get3A_15 = vector.load %arg1[%get3A_13, %get3A_14] : memref<32x10000xf32, #tpu.memory_space<vmem>>, vector<32x10000xf32>
    %get3A_16 = arith.constant 0 : index
    %get3A_17 = arith.constant 0 : index
    %get3A_18 = vector.load %arg2[%get3A_16, %get3A_17] : memref<1x10000xf32, #tpu.memory_space<vmem>>, vector<1x10000xf32>
    %mul3A = vector.broadcast %get3A_18 : vector<1x10000xf32> to vector<32x10000xf32>
    %mul3A_19 = arith.mulf %mul3A, %concatenate3A : vector<32x10000xf32>
    %get3A_20 = arith.constant 0 : index
    %get3A_21 = arith.constant 0 : index
    %get3A_22 = vector.load %arg3[%get3A_20, %get3A_21] : memref<1x10000xf32, #tpu.memory_space<vmem>>, vector<1x10000xf32>
    %mul3A_23 = vector.broadcast %get3A_22 : vector<1x10000xf32> to vector<32x10000xf32>
    %mul3A_24 = arith.mulf %mul3A_23, %get3A_15 : vector<32x10000xf32>
    %add3A_25 = arith.addf %mul3A_19, %mul3A_24 : vector<32x10000xf32>
    %get3A_26 = arith.constant 0 : index
    %get3A_27 = arith.constant 0 : index
    %get3A_28 = vector.load %arg4[%get3A_26, %get3A_27] : memref<32x32xf32, #tpu.memory_space<vmem>>, vector<32x32xf32>
    %dot_general3A = arith.constant dense<0.000000e+00> : vector<32x10000xf32>
    %dot_general3A_29 = tpu.matmul %get3A_28, %add3A_25, %dot_general3A {dimension_numbers = #tpu.dot_dimension_numbers<[0], [0], [1], [1], [0, 1, 1, 1], [], []>, transpose_lhs_hint = false} : vector<32x32xf32>, vector<32x10000xf32>, vector<32x10000xf32> -> vector<32x10000xf32>
    %get3A_30 = arith.constant 0 : index
    %get3A_31 = arith.constant 0 : index
    %get3A_32 = vector.load %arg5[%get3A_30, %get3A_31] : memref<32x1xf32, #tpu.memory_space<vmem>>, vector<32x1xf32>
    %add3A_33 = vector.broadcast %get3A_32 : vector<32x1xf32> to vector<32x10000xf32>
    %add3A_34 = arith.addf %dot_general3A_29, %add3A_33 : vector<32x10000xf32>
    %max3A = arith.constant 0.000000e+00 : f32
    %max3A_35 = vector.broadcast %max3A : f32 to vector<32x10000xf32>
    %max3A_36 = arith.maximumf %add3A_34, %max3A_35 : vector<32x10000xf32>
    %get3A_37 = arith.constant 0 : index
    %get3A_38 = arith.constant 0 : index
    %get3A_39 = vector.load %arg6[%get3A_37, %get3A_38] : memref<32x1xf32, #tpu.memory_space<vmem>>, vector<32x1xf32>
    %mul3A_40 = arith.constant 0.999994993 : f32
    %mul3A_41 = vector.broadcast %mul3A_40 : f32 to vector<32x1xf32>
    %mul3A_42 = arith.mulf %mul3A_41, %get3A_39 : vector<32x1xf32>
    %mul3A_43 = vector.broadcast %mul3A_42 : vector<32x1xf32> to vector<32x10000xf32>
    %mul3A_44 = arith.mulf %max3A_36, %mul3A_43 : vector<32x10000xf32>
    %get3A_45 = arith.constant 0 : index
    %get3A_46 = arith.constant 0 : index
    %get3A_47 = vector.load %arg7[%get3A_45, %get3A_46] : memref<32x1xf32, #tpu.memory_space<vmem>>, vector<32x1xf32>
    %add3A_48 = vector.broadcast %get3A_47 : vector<32x1xf32> to vector<32x10000xf32>
    %add3A_49 = arith.addf %mul3A_44, %add3A_48 : vector<32x10000xf32>
    %add3A_50 = arith.addf %add3A_49, %get3A_15 : vector<32x10000xf32>
    %swap3A = arith.constant 0 : index
    %swap3A_51 = arith.constant 0 : index
    %swap3A_52 = vector.load %arg8[%swap3A, %swap3A_51] : memref<32x10000xf32, #tpu.memory_space<vmem>>, vector<32x10000xf32>
    tpu.vector_store %arg8[%swap3A, %swap3A_51], %add3A_50 {strides = array<i32>} : memref<32x10000xf32, #tpu.memory_space<vmem>>, vector<32x10000xf32>,
    %mul3A_53 = vector.broadcast %get3A_18 : vector<1x10000xf32> to vector<32x10000xf32>
    %mul3A_54 = arith.mulf %add3A_50, %mul3A_53 : vector<32x10000xf32>
    %slice3A_55 = vector.extract_strided_slice %mul3A_54 {offsets = [0, 0], sizes = [16, 10000], strides = [1, 1]} : vector<32x10000xf32> to vector<16x10000xf32>
    %convert_element_type3A = arith.truncf %slice3A_55 : vector<16x10000xf32> to vector<16x10000xbf16>
    %bitcast_convert_type3A = tpu.bitcast %convert_element_type3A : vector<16x10000xbf16> -> vector<16x10000xi16>
    %convert_element_type3A_56 = arith.extui %bitcast_convert_type3A : vector<16x10000xi16> to vector<16x10000xi32>
    %slice3A_57 = vector.extract_strided_slice %mul3A_54 {offsets = [16, 0], sizes = [16, 10000], strides = [1, 1]} : vector<32x10000xf32> to vector<16x10000xf32>
    %convert_element_type3A_58 = arith.truncf %slice3A_57 : vector<16x10000xf32> to vector<16x10000xbf16>
    %bitcast_convert_type3A_59 = tpu.bitcast %convert_element_type3A_58 : vector<16x10000xbf16> -> vector<16x10000xi16>
    %convert_element_type3A_60 = arith.extui %bitcast_convert_type3A_59 : vector<16x10000xi16> to vector<16x10000xi32>
    %shift_left3A = arith.constant 16 : i32
    %shift_left3A_61 = vector.broadcast %shift_left3A : i32 to vector<16x10000xi32>
    %shift_left3A_62 = arith.shli %convert_element_type3A_60, %shift_left3A_61 : vector<16x10000xi32>
    %or3A = arith.ori %convert_element_type3A_56, %shift_left3A_62 : vector<16x10000xi32>
    %bitcast_convert_type3A_63 = tpu.bitcast %or3A : vector<16x10000xi32> -> vector<16x10000xi32>
    %swap3A_64 = arith.constant 0 : index
    %swap3A_65 = arith.constant 0 : index
    %swap3A_66 = vector.load %arg9[%swap3A_64, %swap3A_65] : memref<16x10000xi32, #tpu.memory_space<vmem>>, vector<16x10000xi32>
    tpu.vector_store %arg9[%swap3A_64, %swap3A_65], %bitcast_convert_type3A_63 {strides = array<i32>} : memref<16x10000xi32, #tpu.memory_space<vmem>>, vector<16x10000xi32>,
    return
  }
}

module attributes {stable_mosaic.version = 14 : i64} {
  func.func @_layer_final_body(%arg0: memref<2x16x2x10000xf32, #tpu.memory_space<vmem>>, %arg1: memref<32x10000xf32, #tpu.memory_space<vmem>>, %arg2: memref<1x10000xf32, #tpu.memory_space<vmem>>, %arg3: memref<1x10000xf32, #tpu.memory_space<vmem>>, %arg4: memref<32x32xf32, #tpu.memory_space<vmem>>, %arg5: memref<32x1xf32, #tpu.memory_space<vmem>>, %arg6: memref<32x1xf32, #tpu.memory_space<vmem>>, %arg7: memref<32x1xf32, #tpu.memory_space<vmem>>, %arg8: memref<32x1xf32, #tpu.memory_space<vmem>>, %arg9: memref<1x1xf32, #tpu.memory_space<vmem>>, %arg10: memref<10000x1xf32, #tpu.memory_space<vmem>>) attributes {dimension_semantics = [], scalar_prefetch = 0 : i64, scratch_operands = 0 : i64, tpu.core_type = #tpu.core_type<tc>} {
    %get3A = arith.constant 0 : index
    %get3A_0 = arith.constant 0 : index
    %get3A_1 = arith.constant 0 : index
    %get3A_2 = arith.constant 0 : index
    %get3A_3 = vector.load %arg0[%get3A, %get3A_0, %get3A_1, %get3A_2] : memref<2x16x2x10000xf32, #tpu.memory_space<vmem>>, vector<1x16x2x10000xf32>
    %get3A_4 = vector.shape_cast %get3A_3 : vector<1x16x2x10000xf32> to vector<16x2x10000xf32>
    %get3A_5 = arith.constant 1 : index
    %get3A_6 = arith.constant 0 : index
    %get3A_7 = arith.constant 0 : index
    %get3A_8 = arith.constant 0 : index
    %get3A_9 = vector.load %arg0[%get3A_5, %get3A_6, %get3A_7, %get3A_8] : memref<2x16x2x10000xf32, #tpu.memory_space<vmem>>, vector<1x16x2x10000xf32>
    %get3A_10 = vector.shape_cast %get3A_9 : vector<1x16x2x10000xf32> to vector<16x2x10000xf32>
    %add3A = arith.addf %get3A_4, %get3A_10 : vector<16x2x10000xf32>
    %slice3A = vector.extract_strided_slice %add3A {offsets = [0, 0, 0], sizes = [16, 1, 10000], strides = [1, 1, 1]} : vector<16x2x10000xf32> to vector<16x1x10000xf32>
    %squeeze3A = vector.shape_cast %slice3A : vector<16x1x10000xf32> to vector<16x10000xf32>
    %slice3A_11 = vector.extract_strided_slice %add3A {offsets = [0, 1, 0], sizes = [16, 1, 10000], strides = [1, 1, 1]} : vector<16x2x10000xf32> to vector<16x1x10000xf32>
    %squeeze3A_12 = vector.shape_cast %slice3A_11 : vector<16x1x10000xf32> to vector<16x10000xf32>
    %concatenate3A = tpu.concatenate %squeeze3A, %squeeze3A_12 in 0 : vector<16x10000xf32>, vector<16x10000xf32> -> vector<32x10000xf32>
    %get3A_13 = arith.constant 0 : index
    %get3A_14 = arith.constant 0 : index
    %get3A_15 = vector.load %arg1[%get3A_13, %get3A_14] : memref<32x10000xf32, #tpu.memory_space<vmem>>, vector<32x10000xf32>
    %get3A_16 = arith.constant 0 : index
    %get3A_17 = arith.constant 0 : index
    %get3A_18 = vector.load %arg2[%get3A_16, %get3A_17] : memref<1x10000xf32, #tpu.memory_space<vmem>>, vector<1x10000xf32>
    %mul3A = vector.broadcast %get3A_18 : vector<1x10000xf32> to vector<32x10000xf32>
    %mul3A_19 = arith.mulf %mul3A, %concatenate3A : vector<32x10000xf32>
    %get3A_20 = arith.constant 0 : index
    %get3A_21 = arith.constant 0 : index
    %get3A_22 = vector.load %arg3[%get3A_20, %get3A_21] : memref<1x10000xf32, #tpu.memory_space<vmem>>, vector<1x10000xf32>
    %mul3A_23 = vector.broadcast %get3A_22 : vector<1x10000xf32> to vector<32x10000xf32>
    %mul3A_24 = arith.mulf %mul3A_23, %get3A_15 : vector<32x10000xf32>
    %add3A_25 = arith.addf %mul3A_19, %mul3A_24 : vector<32x10000xf32>
    %get3A_26 = arith.constant 0 : index
    %get3A_27 = arith.constant 0 : index
    %get3A_28 = vector.load %arg4[%get3A_26, %get3A_27] : memref<32x32xf32, #tpu.memory_space<vmem>>, vector<32x32xf32>
    %dot_general3A = arith.constant dense<0.000000e+00> : vector<32x10000xf32>
    %dot_general3A_29 = tpu.matmul %get3A_28, %add3A_25, %dot_general3A {dimension_numbers = #tpu.dot_dimension_numbers<[0], [0], [1], [1], [0, 1, 1, 1], [], []>, transpose_lhs_hint = false} : vector<32x32xf32>, vector<32x10000xf32>, vector<32x10000xf32> -> vector<32x10000xf32>
    %get3A_30 = arith.constant 0 : index
    %get3A_31 = arith.constant 0 : index
    %get3A_32 = vector.load %arg5[%get3A_30, %get3A_31] : memref<32x1xf32, #tpu.memory_space<vmem>>, vector<32x1xf32>
    %add3A_33 = vector.broadcast %get3A_32 : vector<32x1xf32> to vector<32x10000xf32>
    %add3A_34 = arith.addf %dot_general3A_29, %add3A_33 : vector<32x10000xf32>
    %max3A = arith.constant 0.000000e+00 : f32
    %max3A_35 = vector.broadcast %max3A : f32 to vector<32x10000xf32>
    %max3A_36 = arith.maximumf %add3A_34, %max3A_35 : vector<32x10000xf32>
    %get3A_37 = arith.constant 0 : index
    %get3A_38 = arith.constant 0 : index
    %get3A_39 = vector.load %arg6[%get3A_37, %get3A_38] : memref<32x1xf32, #tpu.memory_space<vmem>>, vector<32x1xf32>
    %mul3A_40 = arith.constant 0.999994993 : f32
    %mul3A_41 = vector.broadcast %mul3A_40 : f32 to vector<32x1xf32>
    %mul3A_42 = arith.mulf %mul3A_41, %get3A_39 : vector<32x1xf32>
    %mul3A_43 = vector.broadcast %mul3A_42 : vector<32x1xf32> to vector<32x10000xf32>
    %mul3A_44 = arith.mulf %max3A_36, %mul3A_43 : vector<32x10000xf32>
    %get3A_45 = arith.constant 0 : index
    %get3A_46 = arith.constant 0 : index
    %get3A_47 = vector.load %arg7[%get3A_45, %get3A_46] : memref<32x1xf32, #tpu.memory_space<vmem>>, vector<32x1xf32>
    %add3A_48 = vector.broadcast %get3A_47 : vector<32x1xf32> to vector<32x10000xf32>
    %add3A_49 = arith.addf %mul3A_44, %add3A_48 : vector<32x10000xf32>
    %add3A_50 = arith.addf %add3A_49, %get3A_15 : vector<32x10000xf32>
    %get3A_51 = arith.constant 0 : index
    %get3A_52 = arith.constant 0 : index
    %get3A_53 = vector.load %arg8[%get3A_51, %get3A_52] : memref<32x1xf32, #tpu.memory_space<vmem>>, vector<32x1xf32>
    %dot_general3A_54 = arith.constant dense<0.000000e+00> : vector<10000x1xf32>
    %dot_general3A_55 = tpu.matmul %add3A_50, %get3A_53, %dot_general3A_54 {dimension_numbers = #tpu.dot_dimension_numbers<[0], [0], [1], [1], [0, 1, 1, 1], [], []>, transpose_lhs_hint = false} : vector<32x10000xf32>, vector<32x1xf32>, vector<10000x1xf32> -> vector<10000x1xf32>
    %get3A_56 = arith.constant 0 : index
    %get3A_57 = arith.constant 0 : index
    %get3A_58 = vector.load %arg9[%get3A_56, %get3A_57] : memref<1x1xf32, #tpu.memory_space<vmem>>, vector<1x1xf32>
    %add3A_59 = vector.broadcast %get3A_58 : vector<1x1xf32> to vector<10000x1xf32>
    %add3A_60 = arith.addf %dot_general3A_55, %add3A_59 : vector<10000x1xf32>
    %jit3A = arith.constant -1.000000e+01 : f32
    %jit3A_61 = arith.constant 1.000000e+01 : f32
    %max3A_62 = vector.broadcast %jit3A : f32 to vector<10000x1xf32>
    %max3A_63 = arith.maximumf %max3A_62, %add3A_60 : vector<10000x1xf32>
    %min3A = vector.broadcast %jit3A_61 : f32 to vector<10000x1xf32>
    %min3A_64 = arith.minimumf %min3A, %max3A_63 : vector<10000x1xf32>
    %swap3A = arith.constant 0 : index
    %swap3A_65 = arith.constant 0 : index
    %swap3A_66 = vector.load %arg10[%swap3A, %swap3A_65] : memref<10000x1xf32, #tpu.memory_space<vmem>>, vector<10000x1xf32>
    tpu.vector_store %arg10[%swap3A, %swap3A_65], %min3A_64 {strides = array<i32>} : memref<10000x1xf32, #tpu.memory_space<vmem>>, vector<10000x1xf32>,
    return
  }
}

</mosaic_0001>

<sc_bundles>
// kernel: kernel.11.cloned.1.call-start
scs
__scs_entry_jumppad:
0x0: {  	(pc) =	sbr.rel $0x88, $3  }
0x1: {  	(tag) =	ssettag $0x0;
	lr =	simm.s32 $0x1  }
0x2: {  	[smem:$0x3F8D] =	sst lr;
	_ =	strace $0xD0000000  }
0x3: {  	_ = 	snop  }
0x4: {  	_ = 	snop  }
0x5: {  	_ = 	snop  }
0x6: {  	_ = 	snop  }
0x7: {  	_ = 	snop  }
__scs_overlays_trampoline_lowered:
0x8: {  	[smem:$0x3F9C] =	sst s0  }
0x9: {  	[smem:$0x3F9D] =	sst s1  }
0xa: {  	[smem:$0x3F9E] =	sst s2  }
0xb: {  	[smem:$0x3F9F] =	sst s3  }
0xc: {  	[smem:$0x3FA0] =	sst s4  }
0xd: {  	[smem:$0x3FA1] =	sst s5  }
0xe: {  	[smem:$0x3FA2] =	sst s6  }
0xf: {  	[smem:$0x3FA3] =	sst s7  }
0x10: {  	[smem:$0x3FA4] =	sst s8  }
0x11: {  	[smem:$0x3FA5] =	sst s9;
	s0 =	simm.s32 @!p0 $0x0  }
0x12: {  	s1 =	sld [smem:$0x3F8B];
	s0 =	simm.s32 @p0 $0x1  }
0x13: {  	[smem:$0x3FA6] =	sst s0;
	s0 =	simm.s32 @!p1 $0x0  }
0x14: {  	s2 =	sld [smem:$0x3F8A];
	s0 =	simm.s32 @p1 $0x1  }
0x15: {  	[smem:$0x3FA7] =	sst s0;
	s0 =	simm.s32 @!p2 $0x0  }
0x16: {  	s3 =	sld [smem:$0x3FDB];
	s0 =	simm.s32 @p2 $0x1  }
0x17: {  	s4 =	simm.s32 $0x1BF5;
	[smem:$0x3FA9] =	sst s0  }
0x18: {  	s0 =	sld [smem:$0x3F8C];
	_ =	swait.ge [sflag:s4], $0x0  }
0x19: {  	s7 =	sld [smem:$0x3F8D]  }
0x1a: {  	s8 =	sadd.s32 $0xFFFFE003, lr  }
0x1b: {  	s9 =	sadd.s32 $0xFFFFFEF7, lr;
	s5 =	simm.s32 $0xFFFFFFFF;
	p2 =	slt.u32 s8, $0xFFFFF086  }
0x1c: {  	p1 =	slt.u32 s9, $0xF7A;
	s5 =	simm.s32 @!p2 $0x0  }
0x1d: {  	s5 =	simm.s32 @p1 $0x1;
	p0 =	seq.s32 s7, s2  }
0x1e: {  	s7 =	smul.u32 @!p0 $0xF7A, s2;
	p2 =	seq.s32 @!p0 s5, $0x0  }
0x1f: {  	s9 =	smul.u32 $0xF7A, s1;
	s8 =	simm.s32 @!p0 $0x1BF5;
	p2 =	por !p2, p0  }
0x20: {  	[sflag:s8] =	ssyncset.s32 @!p0 $0xFFFFF086;
	s6 =	sadd.s32 @!p0 s3, s7;
	s7 =	simm.s32 @!p0 $0x108  }
0x21: {  	s3 =	sadd.s32 s3, s9;
	s6 =	sadd.s32 @!p0 $0x88, s6;
	s7 =	simm.s32 @p2 $0x1082  }
0x22: {  	[simem:s7], [sflag:s8] =	dma.local @!p0 [hbm:s6], $0xF7A  }
0x23: {  	s9 =	sor.u32 $0xD0000000, s2;
	s6 =	simm.s32 $0x108;
	_ =	swait.ge @!p0 [sflag:s8], $0x0  }
0x24: {  	s3 =	sadd.s32 $0x88, s3;
	s6 =	simm.s32 @!p1 $0x1082;
	[sflag:s4] =	ssyncset.s32 $0xFFFFF086  }
0x25: {  	[simem:s6], [sflag:s4] =	dma.local [hbm:s3], $0xF7A  }
0x26: {  	[smem:$0x3F8D] =	sst s1;
	(tag) =	ssettag s2;
	_ =	strace s9  }
0x27: {  	s1 =	sld [smem:$0x3F9D]  }
0x28: {  	s2 =	sld [smem:$0x3F9E]  }
0x29: {  	s4 =	sld [smem:$0x3FA0]  }
0x2a: {  	p0 =	seq.s32 s5, $0x0;
	s5 =	sld [smem:$0x3FA1]  }
0x2b: {  	s6 =	sld [smem:$0x3FA2]  }
0x2c: {  	s7 =	sld [smem:$0x3FA3]  }
0x2d: {  	s3 =	simm.s32 $0x108;
	s8 =	sld [smem:$0x3FA4]  }
0x2e: {  	s3 =	simm.s32 @!p0 $0x1082;
	s9 =	sld [smem:$0x3FA5]  }
0x2f: {  	lr =	sadd.s32 s0, s3;
	s0 =	sld [smem:$0x3F9C]  }
0x30: {  	s3 =	sld [smem:$0x3F9F]  }
0x31: {  	[smem:$0x3FA8] =	sst s10  }
0x32: {  	s10 =	sld [smem:$0x3FA6];
	_ =	sdelay $0x3  }
0x33: {  	p0 =	seq.s32 s10, $0x1;
	s10 =	sld [smem:$0x3FA8];
	_ =	sdelay $0x3  }
0x34: {  	[smem:$0x3FA8] =	sst s10  }
0x35: {  	s10 =	sld [smem:$0x3FA7];
	_ =	sdelay $0x3  }
0x36: {  	p1 =	seq.s32 s10, $0x1;
	s10 =	sld [smem:$0x3FA8];
	_ =	sdelay $0x3  }
0x37: {  	[smem:$0x3FA8] =	sst s10  }
0x38: {  	s10 =	sld [smem:$0x3FA9]  }
0x39: {  	_ = 	snop;
	(pc) =	sbr.ind lr, $3  }
0x3a: {  	_ = 	snop  }
0x3b: {  	_ = 	snop  }
0x3c: {  	p2 =	seq.s32 s10, $0x1;
	s10 =	sld [smem:$0x3FA8]  }
0x3d: {  	_ =	shalt  }
0x3e: {  	_ =	shalt  }
0x3f: {  	_ =	shalt  }
0x40: {  	_ =	shalt  }
0x41: {  	_ =	shalt  }
0x42: {  	_ =	shalt  }
0x43: {  	_ =	shalt  }
0x44: {  	_ =	shalt  }
0x45: {  	_ =	shalt  }
0x46: {  	_ =	shalt  }
0x47: {  	_ =	shalt  }
0x48: {  	_ =	shalt  }
0x49: {  	_ =	shalt  }
0x4a: {  	_ =	shalt  }
0x4b: {  	_ =	shalt  }
0x4c: {  	_ =	shalt  }
0x4d: {  	_ =	shalt  }
0x4e: {  	_ =	shalt  }
0x4f: {  	_ =	shalt  }
0x50: {  	_ =	shalt  }
0x51: {  	_ =	shalt  }
0x52: {  	_ =	shalt  }
0x53: {  	_ =	shalt  }
0x54: {  	_ =	shalt  }
0x55: {  	_ =	shalt  }
0x56: {  	_ =	shalt  }
0x57: {  	_ =	shalt  }
0x58: {  	_ =	shalt  }
0x59: {  	_ =	shalt  }
0x5a: {  	_ =	shalt  }
0x5b: {  	_ =	shalt  }
0x5c: {  	_ =	shalt  }
0x5d: {  	_ =	shalt  }
0x5e: {  	_ =	shalt  }
0x5f: {  	_ =	shalt  }
0x60: {  	_ =	shalt  }
0x61: {  	_ =	shalt  }
0x62: {  	_ =	shalt  }
0x63: {  	_ =	shalt  }
0x64: {  	_ =	shalt  }
0x65: {  	_ =	shalt  }
0x66: {  	_ =	shalt  }
0x67: {  	_ =	shalt  }
0x68: {  	_ =	shalt  }
0x69: {  	_ =	shalt  }
0x6a: {  	_ =	shalt  }
0x6b: {  	_ =	shalt  }
0x6c: {  	_ =	shalt  }
0x6d: {  	_ =	shalt  }
0x6e: {  	_ =	shalt  }
0x6f: {  	_ =	shalt  }
0x70: {  	_ =	shalt  }
0x71: {  	_ =	shalt  }
0x72: {  	_ =	shalt  }
0x73: {  	_ =	shalt  }
0x74: {  	_ =	shalt  }
0x75: {  	_ =	shalt  }
0x76: {  	_ =	shalt  }
0x77: {  	_ =	shalt  }
0x78: {  	_ =	shalt  }
0x79: {  	_ =	shalt  }
0x7a: {  	_ =	shalt  }
0x7b: {  	_ =	shalt  }
0x7c: {  	_ =	shalt  }
0x7d: {  	_ =	shalt  }
0x7e: {  	_ =	shalt  }
0x7f: {  	_ =	shalt  }
0x80: {  	_ =	shalt  }
0x81: {  	_ =	shalt  }
0x82: {  	_ =	shalt  }
0x83: {  	_ =	shalt  }
0x84: {  	_ =	shalt  }
0x85: {  	_ =	shalt  }
0x86: {  	_ =	shalt  }
0x87: {  	_ =	shalt  }
.Lfunc_end0:
.L_simem_size_0:
called_computation_lowered:
.L_overlay_start_0:
0x88: {  	s2 =	sld [smem:$0x3FD9]  }
0x89: {  	s3 =	sld [smem:$0x3FFE];
	_ =	sdelay $0x1  }
0x8a: {  	s1 =	srdreg.scid  }
0x8b: {  	s0 =	sand.u32 $0x1, s1  }
0x8c: {  	s16 =	sshll.u32 s0, $0xA;
	s2 =	sadd.s32 s3, s2  }
0x8d: {  	s2 =	sadd.s32 s2, s16  }
0x8e: {  	[smem:$0x3FB4] =	sst s2  }
0x8f: {  	_ = 	snop  }
0x90: {  	(tm) =	ssettm $0x1  }
0x91: {  	s17 =	sld [smem:$0x3FFB];
	_ =	sdelay $0x3  }
0x92: {  	_ =	strace s17  }
0x93: {  	s2 =	sld [smem:$0x3FFC];
	_ =	sdelay $0x3  }
0x94: {  	_ =	strace s2  }
0x95: {  	s2 =	sld [smem:$0x3FFD];
	_ =	sdelay $0x3  }
0x96: {  	_ =	strace s2  }
0x97: {  	_ =	strace $0x8FFFFFFF  }
0x98: {  	s18 =	sld [smem:$0x3FDB];
	_ =	sdelay $0x1  }
0x99: {  	s19 =	simm.s32 $_scs_section_size  }
0x9a: {  	s4 =	simm.s32 $_size__tile_overlayer_lowered;
	s5 =	simm.s32 $_tile_overlayer_lowered  }
0x9b: {  	s22 =	simm.s32 $0x1BFF;
	s21 =	sshll.u32 s5, $0x1;
	s2 =	sadd.s32 s19, s18  }
0x9c: {  	s6 =	simm.s32 $0x0;
	s20 =	sshll.u32 s4, $0x1;
	s4 =	sadd.s32 s21, s2  }
0x9d: {  	[timem:s6], [sflag:s22] =	dma.local [hbm:s4], s20  }
0x9e: {  	_ =	swait.ge [sflag:s22], s20  }
0x9f: {  	s3 =	ssub.s32 $0x0, s20;
	[sflag:s22] =	ssyncset.done $0x0  }
0xa0: {  	[sflag:s22] =	ssyncadd.s32 s3;
	_ =	sdelay $0x1  }
0xa1: {  	s23 =	simm.s32 $0x1B8B  }
0xa2: {  	_ =	swait.ge [sflag:s23], $0x1  }
0xa3: {  	[sflag:s23] =	ssyncset.done $0x0  }
0xa4: {  	s25 =	simm.s32 $0x1B8E;
	s24 =	sld [smem:$0x3FFE];
	[sflag:s23] =	ssyncadd.s32 $0xFFFFFFFF  }
0xa5: {  	s26 =	simm.s32 $execute0_lowered;
	[smem:$0x3FD2] =	sst s25  }
0xa6: {  	s4 =	sshll.u32 s26, $0x1;
	_ =	strace $0x80000046;
	[dreg:$0x1] =	wrdreg $0xFFFFFFFF  }
0xa7: {  	s28 =	simm.s32 $_size_execute0_lowered;
	s2 =	sadd.s32 s2, s4;
	[dreg:$0x0] =	wrdreg $0x0  }
0xa8: {  	s4 =	sshll.u32 s28, $0x1;
	[dreg:$0x2] =	wrdreg s2  }
0xa9: {  	[dreg:$0x3] =	wrdreg s4  }
0xaa: {  	[dreg:$0x4] =	wrdreg $0xC0  }
0xab: {  	_ =	task [dreg:s6], $0x5FFFF  }
0xac: {  	[dreg:$0x1] =	wrdreg $0xFFFFFFFF  }
0xad: {  	[dreg:$0x0] =	wrdreg $0x60  }
0xae: {  	[dreg:$0x2] =	wrdreg s24  }
0xaf: {  	[dreg:$0x3] =	wrdreg $0x9  }
0xb0: {  	_ =	task.clear_ibuf [dreg:s6], $0x4FFFF;
	_ =	strace $0x90000046  }
0xb1: {  	s29 =	simm.s32 $0x9;
	_ =	strace $0x80000048  }
0xb2: {  	_ =	swait.ge [sflag:s29], $0x1  }
0xb3: {  	[sflag:s29] =	ssyncadd.s32 $0xFFFFFFFF  }
0xb4: {  	_ =	strace $0x90000048  }
0xb5: {  	_ =	sfence  }
0xb6: {  	s30 =	sld [smem:$0x0];
	_ =	sdelay $0x2  }
0xb7: {  	s31 =	sshll.u32 s1, $0xD;
	s1 =	sshrl.u32 s1, $0x2  }
0xb8: {  	s3 =	sand.u32 $0x4000, s31;
	s1 =	sadd.s32 s1, s30  }
0xb9: {  	s0 =	sor.u32 s3, s0;
	s1 =	sshll.u32 s1, $0x11  }
0xba: {  	s0 =	sor.u32 s1, s0  }
0xbb: {  	s0 =	sadd.s32 $0x8F2B, s0  }
0xbc: {  	[sflag:s0] =	ssyncadd.remote.s32 $0x1  }
0xbd: {  	_ =	sfence.sel $0xFFFF  }
0xbe: {  	[dreg:$0x0] =	wrdreg $0xFFFFFFFF;
	(pc) =	sbr.abs _section_cstart, $3  }
0xbf: {  	[dreg:$0x1] =	wrdreg $0xFFFFFFFF  }
0xc0: {  	_ =	task.clear_ibuf [dreg:s6], $0x2FFFF;
	_ =	strace $0x9FFFFFFF  }
0xc1: {  	(tm) =	ssettm $0x7FFFFFFF  }
tec
execute0_lowered:
.L_overlay_start_1:
0x0: {  	(tag) =	ssettag $0x1  }
0x1: {  	s0 =	srdreg.scid  }
0x2: {  	s6 =	rddreg [dreg:$0x0];
	s4 =	sand.u32 $0x1, s0  }
0x3: {  	s1 =	stileid.u32;
	s2 =	simm.s32 $0x0;
	s3 =	sshll.u32 s4, $0x4  }
0x4: {  	s10 =	simm.s32 $0x1000;
	s0 =	rddreg [dreg:$0x1];
	s3 =	sor.u32 s1, s3  }
0x5: {  	s11 =	simm.s32 $0x0;
	[smem:$0x7FF] =	sst s2;
	s3 =	smul.u32 $0x2710, s3  }
0x6: {  	s5 =	sadd.s32 $0x3400, s6;
	_ =	strace $0x80000047;
	s7 =	ssub.s32 $0x2, s4  }
0x7: {  	s4 =	sadd.s32 $0xD200, s6;
	s9 =	sshrl.u32 s7, $0x1;
	s8 =	sshrl.u32 s3, $0x3  }
0x8: {  	s7 =	ssub.s32 s7, s9;
	s9 =	simm.s32 $0x800;
	s6 =	sadd.s32 s8, s6  }
0x9: {  	v0 =	vimm.f32 $0.0e+00;
	s7 =	smax.u32 s7, $0x1;
	s8 =	simm.s32 $0x1;
	s6 =	sadd.s32 $0x20E00, s6  }
.LBB2_1:
0xa: {  	s12 =	simm.s32 $0x1020  }
0xb: {  	[tilespmem:s12+$0xFFFFFFE0] =	vst v0  }
0xc: {  	[tilespmem:s12+$0x10] =	vst v0  }
0xd: {  	s13 =	simm.s32 $0x0;
	[tilespmem:s12+$0x0] =	vst v0  }
.LBB2_2:
0xe: {  	s13 =	sadd.s32 $0x4, s13  }
0xf: {  	[tilespmem:s12+$0xFFFFFFF0] =	vst v0;
	s12 =	sadd.s32 $0x40, s12;
	p0 =	slt.u32 s13, $0x26C  }
.Ltmp0:
0x10: {  	[tilespmem:s12+$0xFFFFFFE0] =	vst v0;
	(pc) =	sbr.rel @p0 .LBB2_2-.Ltmp0, $3  }
0x11: {  	_ =	sdelay $0x1  }
0x12: {  	[tilespmem:s12+$0x10] =	vst v0  }
0x13: {  	[tilespmem:s12+$0x0] =	vst v0  }
0x14: {  	[tilespmem:s12+$0xFFFFFFF0] =	vst v0  }
0x15: {  	s12 =	simm.s32 $0x0;
	[tilespmem:$0x3700] =	vst v0  }
.LBB2_4:
0x16: {  	s13 =	smul.u32 $0x7D0, s12;
	_ =	sdelay $0x1  }
0x17: {  	s13 =	sadd.s32 s3, s13  }
0x18: {  	s13 =	sshrl.u32 s13, $0x3  }
0x19: {  	s14 =	sadd.s32 s4, s13  }
0x1a: {  	[tilespmem:s2], [sflag:$0x1] =	stream.linear.gather [hbm4b:s14+s2], $0x7D0, $0x38;
	[tilespmem:$0x3780] =	vst v63  }
0x1b: {  	_ =	swait.ge [sflag:s8], $0x7D0  }
0x1c: {  	[sflag:s8] =	ssyncset.done $0x0  }
0x1d: {  	s13 =	sadd.s32 s5, s13;
	[sflag:s8] =	ssyncadd.s32 $0xFFFFF830  }
0x1e: {  	[tilespmem:s9], [sflag:$0x1] =	stream.linear.gather [hbm4b:s13+s2], $0x7D0, $0x38;
	[tilespmem:$0x3780] =	vst v63  }
0x1f: {  	_ =	swait.ge [sflag:s8], $0x7D0  }
0x20: {  	[sflag:s8] =	ssyncset.done $0x0  }
0x21: {  	s31 =	simm.s32 $0x820;
	[sflag:s8] =	ssyncadd.s32 $0xFFFFF830  }
0x22: {  	v5 =	vld [tilespmem:s31+$0x10]  }
0x23: {  	v6 =	vld [tilespmem:s31+$0xFFFFFFF0]  }
0x24: {  	s13 =	simm.s32 $0x20;
	v1 =	vld [tilespmem:s31+$0x0]  }
0x25: {  	v7 =	vld [tilespmem:s13+$0x10]  }
0x26: {  	v8 =	vld [tilespmem:s13+$0xFFFFFFF0]  }
0x27: {  	v4 =	vld [tilespmem:s13+$0x0]  }
0x28: {  	v2 =	vld [tilespmem:s31+$0xFFFFFFE0]  }
0x29: {  	v3 =	vld [tilespmem:s13+$0xFFFFFFE0]  }
0x2a: {  	[tilespmem:v5+s10+$0x0] =	vst.idx.add.f32.msk $0xffff, v7  }
0x2b: {  	s15 =	simm.s32 $0x860;
	s14 =	simm.s32 $0x0;
	[tilespmem:v6+s10+$0x0] =	vst.idx.add.f32.msk $0xffff, v8  }
.LBB2_5:
0x2c: {  	v5 =	vld [tilespmem:s15+$0x10];
	s14 =	sadd.s32 $0x4, s14;
	v6 =	vmov v4  }
0x2d: {  	v7 =	vld [tilespmem:s15+$0xFFFFFFF0];
	p0 =	slt.u32 s14, $0x78  }
0x2e: {  	s13 =	sadd.s32 $0x40, s13;
	v8 =	vld [tilespmem:s15+$0x0]  }
0x2f: {  	v9 =	vld [tilespmem:s13+$0x10]  }
0x30: {  	v10 =	vld [tilespmem:s15+$0xFFFFFFE0]  }
0x31: {  	v11 =	vld [tilespmem:s13+$0xFFFFFFE0]  }
0x32: {  	v12 =	vld [tilespmem:s13+$0xFFFFFFF0]  }
.Ltmp1:
0x33: {  	v4 =	vld [tilespmem:s13+$0x0];
	(pc) =	sbr.rel @p0 .LBB2_5-.Ltmp1, $4  }
0x34: {  	[tilespmem:v5+s10+$0x0] =	vst.idx.add.f32.msk $0xffff, v9  }
0x35: {  	[tilespmem:v2+s10+$0x0] =	vst.idx.add.f32.msk $0xffff, v3;
	v2 =	vmov v10  }
0x36: {  	[tilespmem:v1+s10+$0x0] =	vst.idx.add.f32.msk $0xffff, v6;
	v1 =	vmov v8;
	v3 =	vmov v11  }
0x37: {  	s15 =	sadd.s32 $0x40, s15;
	[tilespmem:v7+s10+$0x0] =	vst.idx.add.f32.msk $0xffff, v12  }
0x38: {  	_ =	sdelay $0x3  }
0x39: {  	[tilespmem:v2+s10+$0x0] =	vst.idx.add.f32.msk $0xffff, v3  }
0x3a: {  	[tilespmem:v1+s10+$0x0] =	vst.idx.add.f32.msk $0xffff, v4  }
0x3b: {  	v1 =	vld [tilespmem:$0xFC0];
	_ =	sdelay $0x1  }
0x3c: {  	s12 =	sadd.s32 $0x1, s12  }
0x3d: {  	v2 =	vld [tilespmem:$0x7C0];
	p0 =	sne.s32 s12, $0x5  }
.Ltmp2:
0x3e: {  	_ = 	snop;
	(pc) =	sbr.rel @p0 .LBB2_4-.Ltmp2, $2  }
0x3f: {  	_ =	sdelay $0x2  }
0x40: {  	[tilespmem:v1+s10+$0x0] =	vst.idx.add.f32.msk $0xffff, v2  }
0x41: {  	s11 =	sadd.s32 $0x1, s11  }
0x42: {  	p0 =	sne.s32 s11, s7  }
.Ltmp3:
0x43: {  	_ = 	snop;
	(pc) =	sbr.rel @p0 .LBB2_1-.Ltmp3, $4  }
0x44: {  	[hbm4b:s6+s2] =	stream.linear.scatter [tilespmem:s10], [sflag:$0x1], $0x2710, $0x38;
	[tilespmem:$0x3780] =	vst v63  }
0x45: {  	_ =	swait.ge [sflag:s8], $0x2710  }
0x46: {  	[sflag:s8] =	ssyncset.done $0x0  }
0x47: {  	[sflag:s8] =	ssyncadd.s32 $0xFFFFD8F0  }
0x48: {  	_ =	sfence.sel $0x180000  }
0x49: {  	[bflag:$0x0] =	sbarrier.arrive $0xFFFF  }
0x4a: {  	p0 =	sne.s32 s1, $0x0;
	_ =	strace $0x90000047  }
0x4b: {  	s0 =	sadd.s32 @!p0 $0x100000, s0;
	[bflag:$0x2] =	sbarrier.arrive $0xFFFF  }
0x4c: {  	[sflag:s0] =	ssyncadd.tile.s32 @!p0 $0x1;
	_ =	shalt  }
.Lfunc_end2:
_tile_overlayer_lowered:
.L_overlay_start_2:
0x4d: {  	(tag) =	ssettag $0x2  }
0x4e: {  	s0 =	rddreg [dreg:$0x0];
	s2 =	stileid.u32  }
0x4f: {  	s1 =	rddreg [dreg:$0x1];
	p0 =	sne.s32 s2, $0x0  }
0x50: {  	s3 =	rddreg [dreg:$0x2];
	[bflag:$0x3] =	sbarrier.arrive $0xFFFF;
	s2 =	simm.s32 @!p0 $0x1C01  }
0x51: {  	[timem:s3], [sflag:s2] =	dma.local @!p0 [hbm:s0], s1  }
0x52: {  	s0 =	simm.s32 @!p0 $0x1  }
0x53: {  	_ =	swait.ge @!p0 [sflag:s0], s1  }
0x54: {  	s1 =	ssub.s32 @!p0 $0x0, s1;
	[sflag:s0] =	ssyncset.done @!p0 $0x0  }
0x55: {  	[sflag:s0] =	ssyncadd.s32 @!p0 s1  }
0x56: {  	[bflag:$0x3] =	sbarrier.arrive $0xFFFF  }
0x57: {  	_ =	shalt  }

// kernel: kernel.14.cloned.1.call-start
scs
__scs_entry_jumppad:
0x0: {  	(pc) =	sbr.rel $0x88, $3  }
0x1: {  	(tag) =	ssettag $0x0;
	lr =	simm.s32 $0x1  }
0x2: {  	[smem:$0x3F8D] =	sst lr;
	_ =	strace $0xD0000000  }
0x3: {  	_ = 	snop  }
0x4: {  	_ = 	snop  }
0x5: {  	_ = 	snop  }
0x6: {  	_ = 	snop  }
0x7: {  	_ = 	snop  }
__scs_overlays_trampoline_lowered:
0x8: {  	[smem:$0x3F9C] =	sst s0  }
0x9: {  	[smem:$0x3F9D] =	sst s1  }
0xa: {  	[smem:$0x3F9E] =	sst s2  }
0xb: {  	[smem:$0x3F9F] =	sst s3  }
0xc: {  	[smem:$0x3FA0] =	sst s4  }
0xd: {  	[smem:$0x3FA1] =	sst s5  }
0xe: {  	[smem:$0x3FA2] =	sst s6  }
0xf: {  	[smem:$0x3FA3] =	sst s7  }
0x10: {  	[smem:$0x3FA4] =	sst s8  }
0x11: {  	[smem:$0x3FA5] =	sst s9;
	s0 =	simm.s32 @!p0 $0x0  }
0x12: {  	s1 =	sld [smem:$0x3F8B];
	s0 =	simm.s32 @p0 $0x1  }
0x13: {  	[smem:$0x3FA6] =	sst s0;
	s0 =	simm.s32 @!p1 $0x0  }
0x14: {  	s2 =	sld [smem:$0x3F8A];
	s0 =	simm.s32 @p1 $0x1  }
0x15: {  	[smem:$0x3FA7] =	sst s0;
	s0 =	simm.s32 @!p2 $0x0  }
0x16: {  	s3 =	sld [smem:$0x3FDB];
	s0 =	simm.s32 @p2 $0x1  }
0x17: {  	s4 =	simm.s32 $0x1BF5;
	[smem:$0x3FA9] =	sst s0  }
0x18: {  	s0 =	sld [smem:$0x3F8C];
	_ =	swait.ge [sflag:s4], $0x0  }
0x19: {  	s7 =	sld [smem:$0x3F8D]  }
0x1a: {  	s8 =	sadd.s32 $0xFFFFE003, lr  }
0x1b: {  	s9 =	sadd.s32 $0xFFFFFEF7, lr;
	s5 =	simm.s32 $0xFFFFFFFF;
	p2 =	slt.u32 s8, $0xFFFFF086  }
0x1c: {  	p1 =	slt.u32 s9, $0xF7A;
	s5 =	simm.s32 @!p2 $0x0  }
0x1d: {  	s5 =	simm.s32 @p1 $0x1;
	p0 =	seq.s32 s7, s2  }
0x1e: {  	s7 =	smul.u32 @!p0 $0xF7A, s2;
	p2 =	seq.s32 @!p0 s5, $0x0  }
0x1f: {  	s9 =	smul.u32 $0xF7A, s1;
	s8 =	simm.s32 @!p0 $0x1BF5;
	p2 =	por !p2, p0  }
0x20: {  	[sflag:s8] =	ssyncset.s32 @!p0 $0xFFFFF086;
	s6 =	sadd.s32 @!p0 s3, s7;
	s7 =	simm.s32 @!p0 $0x108  }
0x21: {  	s3 =	sadd.s32 s3, s9;
	s6 =	sadd.s32 @!p0 $0x88, s6;
	s7 =	simm.s32 @p2 $0x1082  }
0x22: {  	[simem:s7], [sflag:s8] =	dma.local @!p0 [hbm:s6], $0xF7A  }
0x23: {  	s9 =	sor.u32 $0xD0000000, s2;
	s6 =	simm.s32 $0x108;
	_ =	swait.ge @!p0 [sflag:s8], $0x0  }
0x24: {  	s3 =	sadd.s32 $0x88, s3;
	s6 =	simm.s32 @!p1 $0x1082;
	[sflag:s4] =	ssyncset.s32 $0xFFFFF086  }
0x25: {  	[simem:s6], [sflag:s4] =	dma.local [hbm:s3], $0xF7A  }
0x26: {  	[smem:$0x3F8D] =	sst s1;
	(tag) =	ssettag s2;
	_ =	strace s9  }
0x27: {  	s1 =	sld [smem:$0x3F9D]  }
0x28: {  	s2 =	sld [smem:$0x3F9E]  }
0x29: {  	s4 =	sld [smem:$0x3FA0]  }
0x2a: {  	p0 =	seq.s32 s5, $0x0;
	s5 =	sld [smem:$0x3FA1]  }
0x2b: {  	s6 =	sld [smem:$0x3FA2]  }
0x2c: {  	s7 =	sld [smem:$0x3FA3]  }
0x2d: {  	s3 =	simm.s32 $0x108;
	s8 =	sld [smem:$0x3FA4]  }
0x2e: {  	s3 =	simm.s32 @!p0 $0x1082;
	s9 =	sld [smem:$0x3FA5]  }
0x2f: {  	lr =	sadd.s32 s0, s3;
	s0 =	sld [smem:$0x3F9C]  }
0x30: {  	s3 =	sld [smem:$0x3F9F]  }
0x31: {  	[smem:$0x3FA8] =	sst s10  }
0x32: {  	s10 =	sld [smem:$0x3FA6];
	_ =	sdelay $0x3  }
0x33: {  	p0 =	seq.s32 s10, $0x1;
	s10 =	sld [smem:$0x3FA8];
	_ =	sdelay $0x3  }
0x34: {  	[smem:$0x3FA8] =	sst s10  }
0x35: {  	s10 =	sld [smem:$0x3FA7];
	_ =	sdelay $0x3  }
0x36: {  	p1 =	seq.s32 s10, $0x1;
	s10 =	sld [smem:$0x3FA8];
	_ =	sdelay $0x3  }
0x37: {  	[smem:$0x3FA8] =	sst s10  }
0x38: {  	s10 =	sld [smem:$0x3FA9]  }
0x39: {  	_ = 	snop;
	(pc) =	sbr.ind lr, $3  }
0x3a: {  	_ = 	snop  }
0x3b: {  	_ = 	snop  }
0x3c: {  	p2 =	seq.s32 s10, $0x1;
	s10 =	sld [smem:$0x3FA8]  }
0x3d: {  	_ =	shalt  }
0x3e: {  	_ =	shalt  }
0x3f: {  	_ =	shalt  }
0x40: {  	_ =	shalt  }
0x41: {  	_ =	shalt  }
0x42: {  	_ =	shalt  }
0x43: {  	_ =	shalt  }
0x44: {  	_ =	shalt  }
0x45: {  	_ =	shalt  }
0x46: {  	_ =	shalt  }
0x47: {  	_ =	shalt  }
0x48: {  	_ =	shalt  }
0x49: {  	_ =	shalt  }
0x4a: {  	_ =	shalt  }
0x4b: {  	_ =	shalt  }
0x4c: {  	_ =	shalt  }
0x4d: {  	_ =	shalt  }
0x4e: {  	_ =	shalt  }
0x4f: {  	_ =	shalt  }
0x50: {  	_ =	shalt  }
0x51: {  	_ =	shalt  }
0x52: {  	_ =	shalt  }
0x53: {  	_ =	shalt  }
0x54: {  	_ =	shalt  }
0x55: {  	_ =	shalt  }
0x56: {  	_ =	shalt  }
0x57: {  	_ =	shalt  }
0x58: {  	_ =	shalt  }
0x59: {  	_ =	shalt  }
0x5a: {  	_ =	shalt  }
0x5b: {  	_ =	shalt  }
0x5c: {  	_ =	shalt  }
0x5d: {  	_ =	shalt  }
0x5e: {  	_ =	shalt  }
0x5f: {  	_ =	shalt  }
0x60: {  	_ =	shalt  }
0x61: {  	_ =	shalt  }
0x62: {  	_ =	shalt  }
0x63: {  	_ =	shalt  }
0x64: {  	_ =	shalt  }
0x65: {  	_ =	shalt  }
0x66: {  	_ =	shalt  }
0x67: {  	_ =	shalt  }
0x68: {  	_ =	shalt  }
0x69: {  	_ =	shalt  }
0x6a: {  	_ =	shalt  }
0x6b: {  	_ =	shalt  }
0x6c: {  	_ =	shalt  }
0x6d: {  	_ =	shalt  }
0x6e: {  	_ =	shalt  }
0x6f: {  	_ =	shalt  }
0x70: {  	_ =	shalt  }
0x71: {  	_ =	shalt  }
0x72: {  	_ =	shalt  }
0x73: {  	_ =	shalt  }
0x74: {  	_ =	shalt  }
0x75: {  	_ =	shalt  }
0x76: {  	_ =	shalt  }
0x77: {  	_ =	shalt  }
0x78: {  	_ =	shalt  }
0x79: {  	_ =	shalt  }
0x7a: {  	_ =	shalt  }
0x7b: {  	_ =	shalt  }
0x7c: {  	_ =	shalt  }
0x7d: {  	_ =	shalt  }
0x7e: {  	_ =	shalt  }
0x7f: {  	_ =	shalt  }
0x80: {  	_ =	shalt  }
0x81: {  	_ =	shalt  }
0x82: {  	_ =	shalt  }
0x83: {  	_ =	shalt  }
0x84: {  	_ =	shalt  }
0x85: {  	_ =	shalt  }
0x86: {  	_ =	shalt  }
0x87: {  	_ =	shalt  }
.Lfunc_end0:
.L_simem_size_0:
called_computation.1_lowered:
.L_overlay_start_0:
0x88: {  	s2 =	sld [smem:$0x3FD9]  }
0x89: {  	s3 =	sld [smem:$0x3FFE];
	_ =	sdelay $0x1  }
0x8a: {  	s1 =	srdreg.scid  }
0x8b: {  	s0 =	sand.u32 $0x1, s1  }
0x8c: {  	s16 =	sshll.u32 s0, $0xA;
	s2 =	sadd.s32 s3, s2  }
0x8d: {  	s2 =	sadd.s32 s2, s16  }
0x8e: {  	[smem:$0x3FB4] =	sst s2  }
0x8f: {  	_ = 	snop  }
0x90: {  	(tm) =	ssettm $0x1  }
0x91: {  	s17 =	sld [smem:$0x3FFB];
	_ =	sdelay $0x3  }
0x92: {  	_ =	strace s17  }
0x93: {  	s2 =	sld [smem:$0x3FFC];
	_ =	sdelay $0x3  }
0x94: {  	_ =	strace s2  }
0x95: {  	s2 =	sld [smem:$0x3FFD];
	_ =	sdelay $0x3  }
0x96: {  	_ =	strace s2  }
0x97: {  	_ =	strace $0x8FFFFFFF  }
0x98: {  	s18 =	sld [smem:$0x3FDB];
	_ =	sdelay $0x1  }
0x99: {  	s19 =	simm.s32 $_scs_section_size  }
0x9a: {  	s4 =	simm.s32 $_size__tile_overlayer_lowered;
	s5 =	simm.s32 $_tile_overlayer_lowered  }
0x9b: {  	s22 =	simm.s32 $0x1BFF;
	s21 =	sshll.u32 s5, $0x1;
	s2 =	sadd.s32 s19, s18  }
0x9c: {  	s6 =	simm.s32 $0x0;
	s20 =	sshll.u32 s4, $0x1;
	s4 =	sadd.s32 s21, s2  }
0x9d: {  	[timem:s6], [sflag:s22] =	dma.local [hbm:s4], s20  }
0x9e: {  	_ =	swait.ge [sflag:s22], s20  }
0x9f: {  	s3 =	ssub.s32 $0x0, s20;
	[sflag:s22] =	ssyncset.done $0x0  }
0xa0: {  	[sflag:s22] =	ssyncadd.s32 s3;
	_ =	sdelay $0x1  }
0xa1: {  	s23 =	simm.s32 $0x1B8B  }
0xa2: {  	_ =	swait.ge [sflag:s23], $0x1  }
0xa3: {  	[sflag:s23] =	ssyncset.done $0x0  }
0xa4: {  	s25 =	simm.s32 $0x1B8E;
	s24 =	sld [smem:$0x3FFE];
	[sflag:s23] =	ssyncadd.s32 $0xFFFFFFFF  }
0xa5: {  	s26 =	simm.s32 $execute0_lowered;
	[smem:$0x3FD2] =	sst s25  }
0xa6: {  	s4 =	sshll.u32 s26, $0x1;
	_ =	strace $0x80000049;
	[dreg:$0x1] =	wrdreg $0xFFFFFFFF  }
0xa7: {  	s28 =	simm.s32 $_size_execute0_lowered;
	s2 =	sadd.s32 s2, s4;
	[dreg:$0x0] =	wrdreg $0x0  }
0xa8: {  	s4 =	sshll.u32 s28, $0x1;
	[dreg:$0x2] =	wrdreg s2  }
0xa9: {  	[dreg:$0x3] =	wrdreg s4  }
0xaa: {  	[dreg:$0x4] =	wrdreg $0xC0  }
0xab: {  	_ =	task [dreg:s6], $0x5FFFF  }
0xac: {  	[dreg:$0x1] =	wrdreg $0xFFFFFFFF  }
0xad: {  	[dreg:$0x0] =	wrdreg $0x60  }
0xae: {  	[dreg:$0x2] =	wrdreg s24  }
0xaf: {  	[dreg:$0x3] =	wrdreg $0x9  }
0xb0: {  	_ =	task.clear_ibuf [dreg:s6], $0x4FFFF;
	_ =	strace $0x90000049  }
0xb1: {  	s29 =	simm.s32 $0x9;
	_ =	strace $0x8000004B  }
0xb2: {  	_ =	swait.ge [sflag:s29], $0x1  }
0xb3: {  	[sflag:s29] =	ssyncadd.s32 $0xFFFFFFFF  }
0xb4: {  	_ =	strace $0x9000004B  }
0xb5: {  	_ =	sfence  }
0xb6: {  	s30 =	sld [smem:$0x0];
	_ =	sdelay $0x2  }
0xb7: {  	s31 =	sshll.u32 s1, $0xD;
	s1 =	sshrl.u32 s1, $0x2  }
0xb8: {  	s3 =	sand.u32 $0x4000, s31;
	s1 =	sadd.s32 s1, s30  }
0xb9: {  	s0 =	sor.u32 s3, s0;
	s1 =	sshll.u32 s1, $0x11  }
0xba: {  	s0 =	sor.u32 s1, s0  }
0xbb: {  	s0 =	sadd.s32 $0x8F2B, s0  }
0xbc: {  	[sflag:s0] =	ssyncadd.remote.s32 $0x1  }
0xbd: {  	_ =	sfence.sel $0xFFFF  }
0xbe: {  	[dreg:$0x0] =	wrdreg $0xFFFFFFFF;
	(pc) =	sbr.abs _section_cstart, $3  }
0xbf: {  	[dreg:$0x1] =	wrdreg $0xFFFFFFFF  }
0xc0: {  	_ =	task.clear_ibuf [dreg:s6], $0x2FFFF;
	_ =	strace $0x9FFFFFFF  }
0xc1: {  	(tm) =	ssettm $0x7FFFFFFF  }
tec
execute0_lowered:
.L_overlay_start_1:
0x0: {  	(tag) =	ssettag $0x1  }
0x1: {  	s0 =	stileid.u32;
	s1 =	srdreg.scid  }
0x2: {  	s5 =	rddreg [dreg:$0x0];
	s2 =	simm.s32 $0x0;
	s14 =	simm.s32 $0x5  }
0x3: {  	s15 =	simm.s32 $0x7600;
	s16 =	simm.s32 $0xB500;
	s17 =	simm.s32 $0x9580  }
0x4: {  	s18 =	simm.s32 $0xD480;
	s19 =	simm.s32 $0x1;
	s20 =	simm.s32 $0x3  }
0x5: {  	s21 =	simm.s32 $0x2780;
	s22 =	simm.s32 $0x2;
	s23 =	simm.s32 $0x4  }
0x6: {  	s24 =	simm.s32 $0x6;
	s25 =	simm.s32 $0x0;
	s3 =	smul.u32 $0x4E2, s0  }
0x7: {  	s1 =	sand.u32 $0x1, s1;
	[smem:$0x7FF] =	sst s2;
	s6 =	smul.u32 $0x4E20, s0  }
0x8: {  	s4 =	smul.u32 $0x4E200, s1;
	_ =	strace $0x8000004A;
	s8 =	ssub.s32 $0x2, s1  }
0x9: {  	s1 =	smul.u32 $0x27100, s1;
	s7 =	sadd.s32 s3, s5;
	s30 =	sshrl.u32 s8, $0x1  }
0xa: {  	s3 =	sadd.s32 $0x17000, s5;
	s4 =	sadd.s32 s6, s4;
	s13 =	ssub.s32 s8, s30  }
.Ltmp0:
0xb: {  	s31 =	sshrl.u32 s1, $0x3;
	s10 =	sadd.s32 $0x3E80, s1;
	(pc) =	sbr.rel .LBB2_1-.Ltmp0, $4  }
0xc: {  	s11 =	sadd.s32 $0x5DC0, s1;
	s6 =	sshrl.u32 s4, $0x3;
	s4 =	sadd.s32 $0xD200, s5  }
0xd: {  	s9 =	sadd.s32 $0x3E8, s31;
	s13 =	smax.u32 s13, $0x1;
	s12 =	sadd.s32 s6, s5  }
0xe: {  	s5 =	sadd.s32 $0x3400, s7;
	s6 =	sadd.s32 s3, s31;
	s7 =	sadd.s32 s4, s31  }
0xf: {  	v0 =	vimm.f32 $0.0e+00;
	s8 =	sadd.s32 s3, s9;
	s9 =	sadd.s32 s4, s9;
	s12 =	sadd.s32 $0x20E00, s12  }
.LBB2_16:
0x10: {  	s25 =	sadd.s32 $0x1, s25  }
0x11: {  	p0 =	sne.s32 s25, s13  }
.Ltmp1:
0x12: {  	_ = 	snop;
	(pc) =	sbr.rel @!p0 .LBB2_17-.Ltmp1, $4  }
0x13: {  	[hbm4b:s12+s2] =	stream.linear.scatter [tilespmem:s21], [sflag:$0x6], $0x4E20, $0x38;
	[tilespmem:$0xF400] =	vst v63  }
0x14: {  	_ =	swait.ge [sflag:s24], $0x4E20  }
0x15: {  	[sflag:s24] =	ssyncset.done $0x0  }
0x16: {  	[sflag:s24] =	ssyncadd.s32 $0xFFFFB1E0  }
.LBB2_1:
0x17: {  	[tilespmem:s2], [sflag:$0x5] =	stream.linear.gather [hbm4b:s5+s2], $0x2710, $0x38;
	[tilespmem:$0xF400] =	vst v63  }
0x18: {  	s1 =	simm.s32 $0x27A0  }
0x19: {  	[tilespmem:s1+$0xFFFFFFE0] =	vst v0  }
0x1a: {  	[tilespmem:s1+$0x10] =	vst v0  }
0x1b: {  	s26 =	simm.s32 $0x0;
	[tilespmem:s1+$0x0] =	vst v0  }
.LBB2_2:
0x1c: {  	s26 =	sadd.s32 $0x4, s26  }
0x1d: {  	[tilespmem:s1+$0xFFFFFFF0] =	vst v0;
	s1 =	sadd.s32 $0x40, s1;
	p0 =	slt.u32 s26, $0x4DC  }
.Ltmp2:
0x1e: {  	[tilespmem:s1+$0xFFFFFFE0] =	vst v0;
	(pc) =	sbr.rel @p0 .LBB2_2-.Ltmp2, $3  }
0x1f: {  	_ =	sdelay $0x1  }
0x20: {  	[tilespmem:s1+$0x10] =	vst v0  }
0x21: {  	[tilespmem:s1+$0x0] =	vst v0  }
0x22: {  	[tilespmem:s1+$0xFFFFFFF0] =	vst v0;
	s1 =	simm.s32 $0x0  }
.LBB2_4:
0x23: {  	p0 =	sne.s32 s1, $0x40  }
.Ltmp3:
0x24: {  	_ = 	snop;
	(pc) =	sbr.rel @p0 .LBB2_4-.Ltmp3, $3  }
0x25: {  	_ =	sdelay $0x1  }
0x26: {  	s26 =	sshra.s32 s1, $0x2  }
0x27: {  	s1 =	sadd.s32 $0x40, s1;
	[tilespmem:s26+$0x7580] =	vst v0  }
0x28: {  	_ =	swait.ge [sflag:s14], $0x2710  }
0x29: {  	[sflag:s14] =	ssyncset.done $0x0  }
0x2a: {  	s26 =	simm.s32 $0x0;
	[sflag:s14] =	ssyncadd.s32 $0xFFFFD8F0  }
0x2b: {  	[tilespmem:s15], [sflag:$0x1] =	stream.linear.gather [hbm4b:s6+s26], $0x1F40, $0x38;
	[tilespmem:$0xF400] =	vst v63  }
0x2c: {  	_ = 	snop  }
0x2d: {  	[tilespmem:s16], [sflag:$0x3] =	stream.linear.gather [hbm4b:s7+s26], $0x1F40, $0x38;
	[tilespmem:$0xF400] =	vst v63  }
0x2e: {  	_ = 	snop  }
0x2f: {  	[tilespmem:s17], [sflag:$0x2] =	stream.linear.gather [hbm4b:s8+s26], $0x1F40, $0x38;
	[tilespmem:$0xF400] =	vst v63  }
0x30: {  	s28 =	simm.s32 $0x0  }
0x31: {  	[tilespmem:s18], [sflag:$0x4] =	stream.linear.gather [hbm4b:s9+s26], $0x1F40, $0x38;
	[tilespmem:$0xF400] =	vst v63  }
.LBB2_6:
0x32: {  	_ =	swait.ge [sflag:s19], $0x1F40  }
0x33: {  	[sflag:s19] =	ssyncset.done $0x0  }
0x34: {  	[sflag:s19] =	ssyncadd.s32 $0xFFFFE0C0  }
0x35: {  	_ =	swait.ge [sflag:s20], $0x1F40  }
0x36: {  	[sflag:s20] =	ssyncset.done $0x0  }
0x37: {  	s1 =	simm.s32 $0x7640;
	[sflag:s20] =	ssyncadd.s32 $0xFFFFE0C0  }
0x38: {  	v1 =	vld [tilespmem:s1+$0x30]  }
0x39: {  	v2 =	vld [tilespmem:s1+$0xFFFFFFD0]  }
0x3a: {  	v3 =	vld [tilespmem:s1+$0xFFFFFFE0]  }
0x3b: {  	v4 =	vld [tilespmem:s1+$0xFFFFFFF0]  }
0x3c: {  	v5 =	vld [tilespmem:s1+$0x0]  }
0x3d: {  	v7 =	vld [tilespmem:s1+$0x10];
	v6 =	vand.u32 $0xFFFF, v1  }
0x3e: {  	v9 =	vld [tilespmem:s1+$0xFFFFFFC0]  }
0x3f: {  	s29 =	simm.s32 $0xB540;
	v10 =	vld [tilespmem:s1+$0x20]  }
0x40: {  	v16 =	vld [tilespmem:s29+$0x30]  }
0x41: {  	v54 =	vld [tilespmem:s29+$0xFFFFFFE0]  }
0x42: {  	v8 =	vand.u32 $0xFFFF, v2;
	v6 =	vld.idx.msk [tilespmem:v6+s26+$0x0], $0xffff  }
0x43: {  	v56 =	vld [tilespmem:s29+$0xFFFFFFF0];
	v11 =	vand.u32 $0xFFFF, v3  }
0x44: {  	v21 =	vld [tilespmem:s29+$0x0];
	v15 =	vand.u32 $0xFFFF, v9  }
0x45: {  	v23 =	vld [tilespmem:s29+$0x10];
	v1 =	vshrl.u32 v1, $0x10  }
0x46: {  	v57 =	vld [tilespmem:s29+$0x20]  }
0x47: {  	v18 =	vadd.s32 $0x2710, v1;
	v8 =	vld.idx.msk [tilespmem:v8+s26+$0x0], $0xffff;
	v19 =	vshll.u32 v6, $0x10  }
0x48: {  	v11 =	vld.idx.msk [tilespmem:v11+s26+$0x0], $0xffff;
	v19 =	vmul.f32 v19, v16  }
0x49: {  	v12 =	vand.u32 $0xFFFF, v4;
	v15 =	vld.idx.msk [tilespmem:v15+s26+$0x0], $0xffff;
	v6 =	vand.u32 $0xFFFF0000, v6  }
0x4a: {  	v13 =	vand.u32 $0xFFFF, v5;
	v6 =	vmul.f32 v6, v16;
	[tilespmem:v1+s21+$0x0] =	vst.idx.add.f32.msk $0xffff, v19  }
0x4b: {  	v14 =	vand.u32 $0xFFFF, v7;
	v1 =	vld [tilespmem:s29+$0xFFFFFFC0]  }
0x4c: {  	v17 =	vand.u32 $0xFFFF, v10;
	[tilespmem:v18+s21+$0x0] =	vst.idx.add.f32.msk $0xffff, v6  }
0x4d: {  	v9 =	vshrl.u32 v9, $0x10;
	v6 =	vld [tilespmem:s29+$0xFFFFFFD0]  }
0x4e: {  	v55 =	vadd.s32 $0x2710, v9;
	v12 =	vld.idx.msk [tilespmem:v12+s26+$0x0], $0xffff  }
0x4f: {  	v2 =	vshrl.u32 v2, $0x10;
	v13 =	vld.idx.msk [tilespmem:v13+s26+$0x0], $0xffff;
	v20 =	vshll.u32 v15, $0x10  }
0x50: {  	v22 =	vadd.s32 $0x2710, v2;
	v14 =	vld.idx.msk [tilespmem:v14+s26+$0x0], $0xffff;
	v15 =	vand.u32 $0xFFFF0000, v15;
	v20 =	vmul.f32 v20, v1  }
0x51: {  	v3 =	vshrl.u32 v3, $0x10;
	v17 =	vld.idx.msk [tilespmem:v17+s26+$0x0], $0xffff;
	v24 =	vshll.u32 v8, $0x10;
	v1 =	vmul.f32 v15, v1  }
0x52: {  	v25 =	vadd.s32 $0x2710, v3;
	v8 =	vand.u32 $0xFFFF0000, v8;
	v24 =	vmul.f32 v24, v6;
	[tilespmem:v9+s21+$0x0] =	vst.idx.add.f32.msk $0xffff, v20  }
0x53: {  	v4 =	vshrl.u32 v4, $0x10;
	v58 =	vshll.u32 v11, $0x10;
	v6 =	vmul.f32 v8, v6;
	[tilespmem:v55+s21+$0x0] =	vst.idx.add.f32.msk $0xffff, v1  }
0x54: {  	v59 =	vand.u32 $0xFFFF0000, v11;
	v9 =	vmul.f32 v58, v54;
	v1 =	vadd.s32 $0x2710, v4;
	[tilespmem:v2+s21+$0x0] =	vst.idx.add.f32.msk $0xffff, v24  }
0x55: {  	v8 =	vmul.f32 v59, v54;
	v2 =	vshrl.u32 v5, $0x10;
	v5 =	vshll.u32 v12, $0x10;
	[tilespmem:v22+s21+$0x0] =	vst.idx.add.f32.msk $0xffff, v6  }
0x56: {  	v60 =	vand.u32 $0xFFFF0000, v12;
	v6 =	vadd.s32 $0x2710, v2;
	v5 =	vmul.f32 v5, v56;
	[tilespmem:v3+s21+$0x0] =	vst.idx.add.f32.msk $0xffff, v9  }
0x57: {  	v61 =	vmul.f32 v60, v56;
	v3 =	vshrl.u32 v7, $0x10;
	v7 =	vshll.u32 v13, $0x10;
	[tilespmem:v25+s21+$0x0] =	vst.idx.add.f32.msk $0xffff, v8  }
0x58: {  	v63 =	vand.u32 $0xFFFF0000, v13;
	v62 =	vadd.s32 $0x2710, v3;
	v7 =	vmul.f32 v7, v21;
	[tilespmem:v4+s21+$0x0] =	vst.idx.add.f32.msk $0xffff, v5  }
0x59: {  	v4 =	vshll.u32 v14, $0x10;
	v5 =	vmul.f32 v63, v21;
	[tilespmem:v1+s21+$0x0] =	vst.idx.add.f32.msk $0xffff, v61  }
0x5a: {  	v4 =	vmul.f32 v4, v23;
	v1 =	vand.u32 $0xFFFF0000, v14;
	[tilespmem:v2+s21+$0x0] =	vst.idx.add.f32.msk $0xffff, v7  }
0x5b: {  	v7 =	vmul.f32 v1, v23;
	[tilespmem:v6+s21+$0x0] =	vst.idx.add.f32.msk $0xffff, v5  }
0x5c: {  	v1 =	vshrl.u32 v10, $0x10;
	v5 =	vshll.u32 v17, $0x10;
	v6 =	vand.u32 $0xFFFF0000, v17;
	[tilespmem:v3+s21+$0x0] =	vst.idx.add.f32.msk $0xffff, v4  }
0x5d: {  	s30 =	simm.s32 $0x0;
	s31 =	simm.s32 $0x76C0;
	v2 =	vadd.s32 $0x2710, v1;
	v4 =	vmul.f32 v5, v57;
	v3 =	vmul.f32 v6, v57;
	[tilespmem:v62+s21+$0x0] =	vst.idx.add.f32.msk $0xffff, v7  }
.LBB2_7:
0x5e: {  	v5 =	vld [tilespmem:s31+$0x30]  }
0x5f: {  	s30 =	sadd.s32 $0x8, s30;
	v6 =	vld [tilespmem:s31+$0xFFFFFFD0]  }
0x60: {  	p0 =	slt.u32 s30, $0x1E8;
	v7 =	vld [tilespmem:s31+$0xFFFFFFE0]  }
0x61: {  	v8 =	vld [tilespmem:s31+$0xFFFFFFF0]  }
0x62: {  	v9 =	vld [tilespmem:s31+$0x0]  }
0x63: {  	v10 =	vld [tilespmem:s31+$0x10];
	v11 =	vand.u32 $0xFFFF, v5  }
0x64: {  	v12 =	vshrl.u32 v6, $0x10;
	v6 =	vand.u32 $0xFFFF, v6;
	v13 =	vld [tilespmem:s31+$0x20]  }
0x65: {  	v14 =	vld [tilespmem:s31+$0xFFFFFFC0];
	v15 =	vadd.s32 $0x2710, v12;
	v16 =	vshrl.u32 v7, $0x10;
	v7 =	vand.u32 $0xFFFF, v7  }
0x66: {  	v17 =	vadd.s32 $0x2710, v16;
	v18 =	vshrl.u32 v8, $0x10;
	v8 =	vand.u32 $0xFFFF, v8;
	[tilespmem:v1+s21+$0x0] =	vst.idx.add.f32.msk $0xffff, v4  }
0x67: {  	s1 =	simm.s32 $0x0;
	v19 =	vadd.s32 $0x2710, v18;
	v20 =	vshrl.u32 v9, $0x10;
	v4 =	vand.u32 $0xFFFF, v9;
	[tilespmem:v2+s21+$0x0] =	vst.idx.add.f32.msk $0xffff, v3  }
0x68: {  	v9 =	vadd.s32 $0x2710, v20;
	v21 =	vshrl.u32 v10, $0x10;
	v3 =	vand.u32 $0xFFFF, v10;
	v10 =	vld.idx.msk [tilespmem:v11+s1+$0x0], $0xffff  }
0x69: {  	s29 =	sadd.s32 $0x80, s29;
	v6 =	vld.idx.msk [tilespmem:v6+s1+$0x0], $0xffff;
	v11 =	vadd.s32 $0x2710, v21;
	v1 =	vshrl.u32 v13, $0x10;
	v13 =	vand.u32 $0xFFFF, v13  }
0x6a: {  	v22 =	vshrl.u32 v14, $0x10;
	v14 =	vand.u32 $0xFFFF, v14;
	v2 =	vadd.s32 $0x2710, v1;
	v23 =	vld [tilespmem:s29+$0x30]  }
0x6b: {  	v24 =	vadd.s32 $0x2710, v22;
	v7 =	vld.idx.msk [tilespmem:v7+s1+$0x0], $0xffff  }
0x6c: {  	v5 =	vshrl.u32 v5, $0x10;
	v8 =	vld.idx.msk [tilespmem:v8+s1+$0x0], $0xffff  }
0x6d: {  	v25 =	vadd.s32 $0x2710, v5;
	v4 =	vld.idx.msk [tilespmem:v4+s1+$0x0], $0xffff  }
0x6e: {  	v26 =	vshll.u32 v10, $0x10;
	v3 =	vld.idx.msk [tilespmem:v3+s1+$0x0], $0xffff  }
0x6f: {  	v10 =	vand.u32 $0xFFFF0000, v10;
	v27 =	vshll.u32 v6, $0x10;
	v14 =	vld.idx.msk [tilespmem:v14+s1+$0x0], $0xffff;
	v26 =	vmul.f32 v26, v23  }
0x70: {  	v6 =	vand.u32 $0xFFFF0000, v6;
	v10 =	vmul.f32 v10, v23;
	v13 =	vld.idx.msk [tilespmem:v13+s1+$0x0], $0xffff  }
0x71: {  	v23 =	vshll.u32 v7, $0x10;
	v7 =	vand.u32 $0xFFFF0000, v7;
	[tilespmem:v5+s21+$0x0] =	vst.idx.add.f32.msk $0xffff, v26  }
0x72: {  	v5 =	vshll.u32 v8, $0x10;
	v8 =	vand.u32 $0xFFFF0000, v8;
	[tilespmem:v25+s21+$0x0] =	vst.idx.add.f32.msk $0xffff, v10  }
0x73: {  	v25 =	vshll.u32 v4, $0x10;
	v4 =	vand.u32 $0xFFFF0000, v4;
	v10 =	vld [tilespmem:s29+$0xFFFFFFC0]  }
0x74: {  	v28 =	vshll.u32 v3, $0x10;
	v3 =	vand.u32 $0xFFFF0000, v3;
	v26 =	vld [tilespmem:s29+$0xFFFFFFD0]  }
0x75: {  	v29 =	vshll.u32 v14, $0x10;
	v14 =	vand.u32 $0xFFFF0000, v14;
	v30 =	vld [tilespmem:s29+$0xFFFFFFE0]  }
0x76: {  	v32 =	vshll.u32 v13, $0x10;
	v13 =	vand.u32 $0xFFFF0000, v13;
	v31 =	vld [tilespmem:s29+$0xFFFFFFF0]  }
0x77: {  	v33 =	vld [tilespmem:s29+$0x0]  }
0x78: {  	v29 =	vmul.f32 v29, v10;
	v10 =	vmul.f32 v14, v10;
	v14 =	vld [tilespmem:s29+$0x10]  }
0x79: {  	v27 =	vmul.f32 v27, v26;
	v6 =	vmul.f32 v6, v26;
	v26 =	vld [tilespmem:s29+$0x20]  }
0x7a: {  	[tilespmem:v22+s21+$0x0] =	vst.idx.add.f32.msk $0xffff, v29;
	v22 =	vmul.f32 v23, v30;
	v7 =	vmul.f32 v7, v30  }
0x7b: {  	[tilespmem:v24+s21+$0x0] =	vst.idx.add.f32.msk $0xffff, v10;
	v5 =	vmul.f32 v5, v31;
	v8 =	vmul.f32 v8, v31  }
0x7c: {  	[tilespmem:v12+s21+$0x0] =	vst.idx.add.f32.msk $0xffff, v27;
	v10 =	vmul.f32 v25, v33;
	v12 =	vmul.f32 v4, v33  }
0x7d: {  	[tilespmem:v15+s21+$0x0] =	vst.idx.add.f32.msk $0xffff, v6;
	v6 =	vmul.f32 v28, v14;
	v14 =	vmul.f32 v3, v14  }
0x7e: {  	[tilespmem:v16+s21+$0x0] =	vst.idx.add.f32.msk $0xffff, v22;
	v4 =	vmul.f32 v32, v26;
	v3 =	vmul.f32 v13, v26  }
0x7f: {  	[tilespmem:v17+s21+$0x0] =	vst.idx.add.f32.msk $0xffff, v7  }
0x80: {  	[tilespmem:v18+s21+$0x0] =	vst.idx.add.f32.msk $0xffff, v5  }
.Ltmp4:
0x81: {  	[tilespmem:v19+s21+$0x0] =	vst.idx.add.f32.msk $0xffff, v8;
	(pc) =	sbr.rel @p0 .LBB2_7-.Ltmp4, $4  }
0x82: {  	[tilespmem:v20+s21+$0x0] =	vst.idx.add.f32.msk $0xffff, v10  }
0x83: {  	[tilespmem:v9+s21+$0x0] =	vst.idx.add.f32.msk $0xffff, v12  }
0x84: {  	[tilespmem:v21+s21+$0x0] =	vst.idx.add.f32.msk $0xffff, v6  }
0x85: {  	s31 =	sadd.s32 $0x80, s31;
	[tilespmem:v11+s21+$0x0] =	vst.idx.add.f32.msk $0xffff, v14  }
0x86: {  	_ =	sdelay $0x3  }
0x87: {  	[tilespmem:v1+s21+$0x0] =	vst.idx.add.f32.msk $0xffff, v4  }
0x88: {  	[tilespmem:v2+s21+$0x0] =	vst.idx.add.f32.msk $0xffff, v3  }
.LBB2_9:
0x89: {  	s29 =	sshra.s32 s1, $0x2  }
0x8a: {  	v1 =	vld [tilespmem:s29+$0x9500];
	_ =	sdelay $0x4  }
0x8b: {  	v2 =	vand.u32 $0xFFFF, v1;
	_ =	sdelay $0x4  }
0x8c: {  	v2 =	vld.idx.msk [tilespmem:v2+s2+$0x0], $0xffff  }
0x8d: {  	v3 =	vld [tilespmem:s29+$0xD400];
	_ =	sdelay $0x1  }
0x8e: {  	v1 =	vshrl.u32 v1, $0x10  }
0x8f: {  	p0 =	sne.s32 s1, $0xC0;
	v4 =	vadd.s32 $0x2710, v1  }
.Ltmp5:
0x90: {  	v5 =	vshll.u32 v2, $0x10;
	(pc) =	sbr.rel @p0 .LBB2_9-.Ltmp5, $4  }
0x91: {  	v2 =	vand.u32 $0xFFFF0000, v2;
	v5 =	vmul.f32 v5, v3  }
0x92: {  	v2 =	vmul.f32 v2, v3  }
0x93: {  	[tilespmem:v1+s21+$0x0] =	vst.idx.add.f32.msk $0xffff, v5  }
0x94: {  	s1 =	sadd.s32 $0x40, s1;
	[tilespmem:v4+s21+$0x0] =	vst.idx.add.f32.msk $0xffff, v2  }
0x95: {  	p0 =	seq.s32 s28, $0x9  }
0x96: {  	s1 =	smul.u32 @!p0 $0x3E80, s28;
	_ =	sdelay $0x1  }
0x97: {  	s1 =	sadd.s32 @!p0 s1, s10  }
0x98: {  	s1 =	sshrl.u32 @!p0 s1, $0x3  }
0x99: {  	s30 =	simm.s32 @!p0 $0x0;
	s31 =	simm.s32 @!p0 $0x7600;
	s29 =	sadd.s32 @!p0 s3, s1  }
0x9a: {  	[tilespmem:s31], [sflag:$0x1] =	stream.linear.gather @!p0 [hbm4b:s29+s30], $0x1F40, $0x38;
	[tilespmem:$0xF400] =	vst v63  }
0x9b: {  	s1 =	sadd.s32 @!p0 s4, s1;
	s29 =	simm.s32 @!p0 $0xB500  }
0x9c: {  	[tilespmem:s29], [sflag:$0x3] =	stream.linear.gather @!p0 [hbm4b:s1+s30], $0x1F40, $0x38;
	[tilespmem:$0xF400] =	vst v63  }
0x9d: {  	_ =	swait.ge [sflag:s22], $0x1F40  }
0x9e: {  	[sflag:s22] =	ssyncset.done $0x0  }
0x9f: {  	[sflag:s22] =	ssyncadd.s32 $0xFFFFE0C0  }
0xa0: {  	_ =	swait.ge [sflag:s23], $0x1F40  }
0xa1: {  	[sflag:s23] =	ssyncset.done $0x0  }
0xa2: {  	s1 =	simm.s32 $0x95C0;
	[sflag:s23] =	ssyncadd.s32 $0xFFFFE0C0  }
0xa3: {  	v1 =	vld [tilespmem:s1+$0x30]  }
0xa4: {  	v2 =	vld [tilespmem:s1+$0xFFFFFFD0]  }
0xa5: {  	v3 =	vld [tilespmem:s1+$0xFFFFFFE0]  }
0xa6: {  	v4 =	vld [tilespmem:s1+$0xFFFFFFF0]  }
0xa7: {  	v5 =	vld [tilespmem:s1+$0x0]  }
0xa8: {  	v7 =	vld [tilespmem:s1+$0x10];
	v6 =	vand.u32 $0xFFFF, v1  }
0xa9: {  	v9 =	vld [tilespmem:s1+$0xFFFFFFC0]  }
0xaa: {  	s30 =	simm.s32 $0xD4C0;
	v10 =	vld [tilespmem:s1+$0x20]  }
0xab: {  	v16 =	vld [tilespmem:s30+$0x30]  }
0xac: {  	s29 =	simm.s32 $0x0;
	v54 =	vld [tilespmem:s30+$0xFFFFFFE0]  }
0xad: {  	v8 =	vand.u32 $0xFFFF, v2;
	v6 =	vld.idx.msk [tilespmem:v6+s29+$0x0], $0xffff  }
0xae: {  	v56 =	vld [tilespmem:s30+$0xFFFFFFF0];
	v11 =	vand.u32 $0xFFFF, v3  }
0xaf: {  	v21 =	vld [tilespmem:s30+$0x0];
	v15 =	vand.u32 $0xFFFF, v9  }
0xb0: {  	v23 =	vld [tilespmem:s30+$0x10];
	v1 =	vshrl.u32 v1, $0x10  }
0xb1: {  	v57 =	vld [tilespmem:s30+$0x20]  }
0xb2: {  	v18 =	vadd.s32 $0x2710, v1;
	v8 =	vld.idx.msk [tilespmem:v8+s29+$0x0], $0xffff;
	v19 =	vshll.u32 v6, $0x10  }
0xb3: {  	v11 =	vld.idx.msk [tilespmem:v11+s29+$0x0], $0xffff;
	v19 =	vmul.f32 v19, v16  }
0xb4: {  	v12 =	vand.u32 $0xFFFF, v4;
	v15 =	vld.idx.msk [tilespmem:v15+s29+$0x0], $0xffff;
	v6 =	vand.u32 $0xFFFF0000, v6  }
0xb5: {  	v13 =	vand.u32 $0xFFFF, v5;
	v6 =	vmul.f32 v6, v16;
	[tilespmem:v1+s21+$0x0] =	vst.idx.add.f32.msk $0xffff, v19  }
0xb6: {  	v14 =	vand.u32 $0xFFFF, v7;
	v1 =	vld [tilespmem:s30+$0xFFFFFFC0]  }
0xb7: {  	v17 =	vand.u32 $0xFFFF, v10;
	[tilespmem:v18+s21+$0x0] =	vst.idx.add.f32.msk $0xffff, v6  }
0xb8: {  	v9 =	vshrl.u32 v9, $0x10;
	v6 =	vld [tilespmem:s30+$0xFFFFFFD0]  }
0xb9: {  	v55 =	vadd.s32 $0x2710, v9;
	v12 =	vld.idx.msk [tilespmem:v12+s29+$0x0], $0xffff  }
0xba: {  	v2 =	vshrl.u32 v2, $0x10;
	v13 =	vld.idx.msk [tilespmem:v13+s29+$0x0], $0xffff;
	v20 =	vshll.u32 v15, $0x10  }
0xbb: {  	v22 =	vadd.s32 $0x2710, v2;
	v14 =	vld.idx.msk [tilespmem:v14+s29+$0x0], $0xffff;
	v15 =	vand.u32 $0xFFFF0000, v15;
	v20 =	vmul.f32 v20, v1  }
0xbc: {  	v3 =	vshrl.u32 v3, $0x10;
	v17 =	vld.idx.msk [tilespmem:v17+s29+$0x0], $0xffff;
	v24 =	vshll.u32 v8, $0x10;
	v1 =	vmul.f32 v15, v1  }
0xbd: {  	v25 =	vadd.s32 $0x2710, v3;
	v8 =	vand.u32 $0xFFFF0000, v8;
	v24 =	vmul.f32 v24, v6;
	[tilespmem:v9+s21+$0x0] =	vst.idx.add.f32.msk $0xffff, v20  }
0xbe: {  	v4 =	vshrl.u32 v4, $0x10;
	v58 =	vshll.u32 v11, $0x10;
	v6 =	vmul.f32 v8, v6;
	[tilespmem:v55+s21+$0x0] =	vst.idx.add.f32.msk $0xffff, v1  }
0xbf: {  	v59 =	vand.u32 $0xFFFF0000, v11;
	v9 =	vmul.f32 v58, v54;
	v1 =	vadd.s32 $0x2710, v4;
	[tilespmem:v2+s21+$0x0] =	vst.idx.add.f32.msk $0xffff, v24  }
0xc0: {  	v8 =	vmul.f32 v59, v54;
	v2 =	vshrl.u32 v5, $0x10;
	v5 =	vshll.u32 v12, $0x10;
	[tilespmem:v22+s21+$0x0] =	vst.idx.add.f32.msk $0xffff, v6  }
0xc1: {  	v60 =	vand.u32 $0xFFFF0000, v12;
	v6 =	vadd.s32 $0x2710, v2;
	v5 =	vmul.f32 v5, v56;
	[tilespmem:v3+s21+$0x0] =	vst.idx.add.f32.msk $0xffff, v9  }
0xc2: {  	v61 =	vmul.f32 v60, v56;
	v3 =	vshrl.u32 v7, $0x10;
	v7 =	vshll.u32 v13, $0x10;
	[tilespmem:v25+s21+$0x0] =	vst.idx.add.f32.msk $0xffff, v8  }
0xc3: {  	v63 =	vand.u32 $0xFFFF0000, v13;
	v62 =	vadd.s32 $0x2710, v3;
	v7 =	vmul.f32 v7, v21;
	[tilespmem:v4+s21+$0x0] =	vst.idx.add.f32.msk $0xffff, v5  }
0xc4: {  	v4 =	vshll.u32 v14, $0x10;
	v5 =	vmul.f32 v63, v21;
	[tilespmem:v1+s21+$0x0] =	vst.idx.add.f32.msk $0xffff, v61  }
0xc5: {  	v4 =	vmul.f32 v4, v23;
	v1 =	vand.u32 $0xFFFF0000, v14;
	[tilespmem:v2+s21+$0x0] =	vst.idx.add.f32.msk $0xffff, v7  }
0xc6: {  	v7 =	vmul.f32 v1, v23;
	[tilespmem:v6+s21+$0x0] =	vst.idx.add.f32.msk $0xffff, v5  }
0xc7: {  	v1 =	vshrl.u32 v10, $0x10;
	v5 =	vshll.u32 v17, $0x10;
	v6 =	vand.u32 $0xFFFF0000, v17;
	[tilespmem:v3+s21+$0x0] =	vst.idx.add.f32.msk $0xffff, v4  }
0xc8: {  	s31 =	simm.s32 $0x0;
	s1 =	simm.s32 $0x9640;
	v2 =	vadd.s32 $0x2710, v1;
	v4 =	vmul.f32 v5, v57;
	v3 =	vmul.f32 v6, v57;
	[tilespmem:v62+s21+$0x0] =	vst.idx.add.f32.msk $0xffff, v7  }
.LBB2_11:
0xc9: {  	v5 =	vld [tilespmem:s1+$0x30]  }
0xca: {  	s31 =	sadd.s32 $0x8, s31;
	v6 =	vld [tilespmem:s1+$0xFFFFFFD0]  }
0xcb: {  	p1 =	slt.u32 s31, $0x1E8;
	v7 =	vld [tilespmem:s1+$0xFFFFFFE0]  }
0xcc: {  	v8 =	vld [tilespmem:s1+$0xFFFFFFF0]  }
0xcd: {  	v9 =	vld [tilespmem:s1+$0x0]  }
0xce: {  	v10 =	vld [tilespmem:s1+$0x10];
	v11 =	vand.u32 $0xFFFF, v5  }
0xcf: {  	v12 =	vshrl.u32 v6, $0x10;
	v6 =	vand.u32 $0xFFFF, v6;
	v13 =	vld [tilespmem:s1+$0x20]  }
0xd0: {  	v14 =	vld [tilespmem:s1+$0xFFFFFFC0];
	v15 =	vadd.s32 $0x2710, v12;
	v16 =	vshrl.u32 v7, $0x10;
	v7 =	vand.u32 $0xFFFF, v7  }
0xd1: {  	v17 =	vadd.s32 $0x2710, v16;
	v18 =	vshrl.u32 v8, $0x10;
	v8 =	vand.u32 $0xFFFF, v8;
	[tilespmem:v1+s21+$0x0] =	vst.idx.add.f32.msk $0xffff, v4  }
0xd2: {  	v19 =	vadd.s32 $0x2710, v18;
	v20 =	vshrl.u32 v9, $0x10;
	v4 =	vand.u32 $0xFFFF, v9;
	[tilespmem:v2+s21+$0x0] =	vst.idx.add.f32.msk $0xffff, v3  }
0xd3: {  	v9 =	vadd.s32 $0x2710, v20;
	v21 =	vshrl.u32 v10, $0x10;
	v3 =	vand.u32 $0xFFFF, v10;
	v10 =	vld.idx.msk [tilespmem:v11+s29+$0x0], $0xffff  }
0xd4: {  	s30 =	sadd.s32 $0x80, s30;
	v6 =	vld.idx.msk [tilespmem:v6+s29+$0x0], $0xffff;
	v11 =	vadd.s32 $0x2710, v21;
	v1 =	vshrl.u32 v13, $0x10;
	v13 =	vand.u32 $0xFFFF, v13  }
0xd5: {  	v22 =	vshrl.u32 v14, $0x10;
	v14 =	vand.u32 $0xFFFF, v14;
	v2 =	vadd.s32 $0x2710, v1;
	v23 =	vld [tilespmem:s30+$0x30]  }
0xd6: {  	v24 =	vadd.s32 $0x2710, v22;
	v7 =	vld.idx.msk [tilespmem:v7+s29+$0x0], $0xffff  }
0xd7: {  	v5 =	vshrl.u32 v5, $0x10;
	v8 =	vld.idx.msk [tilespmem:v8+s29+$0x0], $0xffff  }
0xd8: {  	v25 =	vadd.s32 $0x2710, v5;
	v4 =	vld.idx.msk [tilespmem:v4+s29+$0x0], $0xffff  }
0xd9: {  	v26 =	vshll.u32 v10, $0x10;
	v3 =	vld.idx.msk [tilespmem:v3+s29+$0x0], $0xffff  }
0xda: {  	v10 =	vand.u32 $0xFFFF0000, v10;
	v27 =	vshll.u32 v6, $0x10;
	v14 =	vld.idx.msk [tilespmem:v14+s29+$0x0], $0xffff;
	v26 =	vmul.f32 v26, v23  }
0xdb: {  	v6 =	vand.u32 $0xFFFF0000, v6;
	v10 =	vmul.f32 v10, v23;
	v13 =	vld.idx.msk [tilespmem:v13+s29+$0x0], $0xffff  }
0xdc: {  	v23 =	vshll.u32 v7, $0x10;
	v7 =	vand.u32 $0xFFFF0000, v7;
	[tilespmem:v5+s21+$0x0] =	vst.idx.add.f32.msk $0xffff, v26  }
0xdd: {  	v5 =	vshll.u32 v8, $0x10;
	v8 =	vand.u32 $0xFFFF0000, v8;
	[tilespmem:v25+s21+$0x0] =	vst.idx.add.f32.msk $0xffff, v10  }
0xde: {  	v25 =	vshll.u32 v4, $0x10;
	v4 =	vand.u32 $0xFFFF0000, v4;
	v10 =	vld [tilespmem:s30+$0xFFFFFFC0]  }
0xdf: {  	v28 =	vshll.u32 v3, $0x10;
	v3 =	vand.u32 $0xFFFF0000, v3;
	v26 =	vld [tilespmem:s30+$0xFFFFFFD0]  }
0xe0: {  	v29 =	vshll.u32 v14, $0x10;
	v14 =	vand.u32 $0xFFFF0000, v14;
	v30 =	vld [tilespmem:s30+$0xFFFFFFE0]  }
0xe1: {  	v32 =	vshll.u32 v13, $0x10;
	v13 =	vand.u32 $0xFFFF0000, v13;
	v31 =	vld [tilespmem:s30+$0xFFFFFFF0]  }
0xe2: {  	v33 =	vld [tilespmem:s30+$0x0]  }
0xe3: {  	v29 =	vmul.f32 v29, v10;
	v10 =	vmul.f32 v14, v10;
	v14 =	vld [tilespmem:s30+$0x10]  }
0xe4: {  	v27 =	vmul.f32 v27, v26;
	v6 =	vmul.f32 v6, v26;
	v26 =	vld [tilespmem:s30+$0x20]  }
0xe5: {  	[tilespmem:v22+s21+$0x0] =	vst.idx.add.f32.msk $0xffff, v29;
	v22 =	vmul.f32 v23, v30;
	v7 =	vmul.f32 v7, v30  }
0xe6: {  	[tilespmem:v24+s21+$0x0] =	vst.idx.add.f32.msk $0xffff, v10;
	v5 =	vmul.f32 v5, v31;
	v8 =	vmul.f32 v8, v31  }
0xe7: {  	[tilespmem:v12+s21+$0x0] =	vst.idx.add.f32.msk $0xffff, v27;
	v10 =	vmul.f32 v25, v33;
	v12 =	vmul.f32 v4, v33  }
0xe8: {  	[tilespmem:v15+s21+$0x0] =	vst.idx.add.f32.msk $0xffff, v6;
	v6 =	vmul.f32 v28, v14;
	v14 =	vmul.f32 v3, v14  }
0xe9: {  	[tilespmem:v16+s21+$0x0] =	vst.idx.add.f32.msk $0xffff, v22;
	v4 =	vmul.f32 v32, v26;
	v3 =	vmul.f32 v13, v26  }
0xea: {  	[tilespmem:v17+s21+$0x0] =	vst.idx.add.f32.msk $0xffff, v7  }
0xeb: {  	[tilespmem:v18+s21+$0x0] =	vst.idx.add.f32.msk $0xffff, v5  }
.Ltmp6:
0xec: {  	[tilespmem:v19+s21+$0x0] =	vst.idx.add.f32.msk $0xffff, v8;
	(pc) =	sbr.rel @p1 .LBB2_11-.Ltmp6, $4  }
0xed: {  	[tilespmem:v20+s21+$0x0] =	vst.idx.add.f32.msk $0xffff, v10  }
0xee: {  	[tilespmem:v9+s21+$0x0] =	vst.idx.add.f32.msk $0xffff, v12  }
0xef: {  	[tilespmem:v21+s21+$0x0] =	vst.idx.add.f32.msk $0xffff, v6  }
0xf0: {  	s1 =	sadd.s32 $0x80, s1;
	[tilespmem:v11+s21+$0x0] =	vst.idx.add.f32.msk $0xffff, v14  }
0xf1: {  	_ =	sdelay $0x3  }
0xf2: {  	[tilespmem:v1+s21+$0x0] =	vst.idx.add.f32.msk $0xffff, v4  }
0xf3: {  	[tilespmem:v2+s21+$0x0] =	vst.idx.add.f32.msk $0xffff, v3  }
.LBB2_13:
0xf4: {  	s1 =	sshra.s32 s29, $0x2  }
0xf5: {  	v1 =	vld [tilespmem:s1+$0xB480];
	_ =	sdelay $0x4  }
0xf6: {  	v2 =	vand.u32 $0xFFFF, v1;
	_ =	sdelay $0x4  }
0xf7: {  	v2 =	vld.idx.msk [tilespmem:v2+s2+$0x0], $0xffff  }
0xf8: {  	v3 =	vld [tilespmem:s1+$0xF380];
	_ =	sdelay $0x1  }
0xf9: {  	v1 =	vshrl.u32 v1, $0x10  }
0xfa: {  	p1 =	sne.s32 s29, $0xC0;
	v4 =	vadd.s32 $0x2710, v1  }
.Ltmp7:
0xfb: {  	v5 =	vshll.u32 v2, $0x10;
	(pc) =	sbr.rel @p1 .LBB2_13-.Ltmp7, $4  }
0xfc: {  	v2 =	vand.u32 $0xFFFF0000, v2;
	v5 =	vmul.f32 v5, v3  }
0xfd: {  	v2 =	vmul.f32 v2, v3  }
0xfe: {  	[tilespmem:v1+s21+$0x0] =	vst.idx.add.f32.msk $0xffff, v5  }
0xff: {  	s29 =	sadd.s32 $0x40, s29;
	[tilespmem:v4+s21+$0x0] =	vst.idx.add.f32.msk $0xffff, v2  }
.Ltmp8:
0x100: {  	(pc) =	sbr.rel @p0 .LBB2_16-.Ltmp8, $1  }
0x101: {  	_ =	sdelay $0x3  }
0x102: {  	s1 =	smul.u32 $0x3E80, s28;
	_ =	sdelay $0x1  }
0x103: {  	s1 =	sadd.s32 s1, s11  }
.Ltmp9:
0x104: {  	s1 =	sshrl.u32 s1, $0x3;
	(pc) =	sbr.rel .LBB2_6-.Ltmp9, $4  }
0x105: {  	s29 =	sadd.s32 s3, s1  }
0x106: {  	[tilespmem:s17], [sflag:$0x2] =	stream.linear.gather [hbm4b:s29+s2], $0x1F40, $0x38;
	[tilespmem:$0xF400] =	vst v63  }
0x107: {  	s28 =	sadd.s32 $0x1, s28;
	s1 =	sadd.s32 s4, s1  }
0x108: {  	[tilespmem:s18], [sflag:$0x4] =	stream.linear.gather [hbm4b:s1+s2], $0x1F40, $0x38;
	[tilespmem:$0xF400] =	vst v63  }
.LBB2_17:
0x109: {  	_ =	sfence.sel $0x180000  }
0x10a: {  	[bflag:$0x0] =	sbarrier.arrive $0xFFFF  }
0x10b: {  	_ =	strace $0x9000004A  }
0x10c: {  	[bflag:$0x2] =	sbarrier.arrive $0xFFFF  }
0x10d: {  	p0 =	sne.s32 s0, $0x0;
	s0 =	rddreg [dreg:$0x1]  }
0x10e: {  	s0 =	sadd.s32 @!p0 $0x100000, s0  }
0x10f: {  	[sflag:s0] =	ssyncadd.tile.s32 @!p0 $0x1;
	_ =	shalt  }
.Lfunc_end2:
_tile_overlayer_lowered:
.L_overlay_start_2:
0x110: {  	(tag) =	ssettag $0x2  }
0x111: {  	s0 =	rddreg [dreg:$0x0];
	s2 =	stileid.u32  }
0x112: {  	s1 =	rddreg [dreg:$0x1];
	p0 =	sne.s32 s2, $0x0  }
0x113: {  	s3 =	rddreg [dreg:$0x2];
	[bflag:$0x3] =	sbarrier.arrive $0xFFFF;
	s2 =	simm.s32 @!p0 $0x1C06  }
0x114: {  	[timem:s3], [sflag:s2] =	dma.local @!p0 [hbm:s0], s1  }
0x115: {  	s0 =	simm.s32 @!p0 $0x6  }
0x116: {  	_ =	swait.ge @!p0 [sflag:s0], s1  }
0x117: {  	s1 =	ssub.s32 @!p0 $0x0, s1;
	[sflag:s0] =	ssyncset.done @!p0 $0x0  }
0x118: {  	[sflag:s0] =	ssyncadd.s32 @!p0 s1  }
0x119: {  	[bflag:$0x3] =	sbarrier.arrive $0xFFFF  }
0x11a: {  	_ =	shalt  }

// kernel: kernel.17.cloned.1.call-start
scs
__scs_entry_jumppad:
0x0: {  	(pc) =	sbr.rel $0x88, $3  }
0x1: {  	(tag) =	ssettag $0x0;
	lr =	simm.s32 $0x1  }
0x2: {  	[smem:$0x3F8D] =	sst lr;
	_ =	strace $0xD0000000  }
0x3: {  	_ = 	snop  }
0x4: {  	_ = 	snop  }
0x5: {  	_ = 	snop  }
0x6: {  	_ = 	snop  }
0x7: {  	_ = 	snop  }
__scs_overlays_trampoline_lowered:
0x8: {  	[smem:$0x3F9C] =	sst s0  }
0x9: {  	[smem:$0x3F9D] =	sst s1  }
0xa: {  	[smem:$0x3F9E] =	sst s2  }
0xb: {  	[smem:$0x3F9F] =	sst s3  }
0xc: {  	[smem:$0x3FA0] =	sst s4  }
0xd: {  	[smem:$0x3FA1] =	sst s5  }
0xe: {  	[smem:$0x3FA2] =	sst s6  }
0xf: {  	[smem:$0x3FA3] =	sst s7  }
0x10: {  	[smem:$0x3FA4] =	sst s8  }
0x11: {  	[smem:$0x3FA5] =	sst s9;
	s0 =	simm.s32 @!p0 $0x0  }
0x12: {  	s1 =	sld [smem:$0x3F8B];
	s0 =	simm.s32 @p0 $0x1  }
0x13: {  	[smem:$0x3FA6] =	sst s0;
	s0 =	simm.s32 @!p1 $0x0  }
0x14: {  	s2 =	sld [smem:$0x3F8A];
	s0 =	simm.s32 @p1 $0x1  }
0x15: {  	[smem:$0x3FA7] =	sst s0;
	s0 =	simm.s32 @!p2 $0x0  }
0x16: {  	s3 =	sld [smem:$0x3FDB];
	s0 =	simm.s32 @p2 $0x1  }
0x17: {  	s4 =	simm.s32 $0x1BF5;
	[smem:$0x3FA9] =	sst s0  }
0x18: {  	s0 =	sld [smem:$0x3F8C];
	_ =	swait.ge [sflag:s4], $0x0  }
0x19: {  	s7 =	sld [smem:$0x3F8D]  }
0x1a: {  	s8 =	sadd.s32 $0xFFFFE003, lr  }
0x1b: {  	s9 =	sadd.s32 $0xFFFFFEF7, lr;
	s5 =	simm.s32 $0xFFFFFFFF;
	p2 =	slt.u32 s8, $0xFFFFF086  }
0x1c: {  	p1 =	slt.u32 s9, $0xF7A;
	s5 =	simm.s32 @!p2 $0x0  }
0x1d: {  	s5 =	simm.s32 @p1 $0x1;
	p0 =	seq.s32 s7, s2  }
0x1e: {  	s7 =	smul.u32 @!p0 $0xF7A, s2;
	p2 =	seq.s32 @!p0 s5, $0x0  }
0x1f: {  	s9 =	smul.u32 $0xF7A, s1;
	s8 =	simm.s32 @!p0 $0x1BF5;
	p2 =	por !p2, p0  }
0x20: {  	[sflag:s8] =	ssyncset.s32 @!p0 $0xFFFFF086;
	s6 =	sadd.s32 @!p0 s3, s7;
	s7 =	simm.s32 @!p0 $0x108  }
0x21: {  	s3 =	sadd.s32 s3, s9;
	s6 =	sadd.s32 @!p0 $0x88, s6;
	s7 =	simm.s32 @p2 $0x1082  }
0x22: {  	[simem:s7], [sflag:s8] =	dma.local @!p0 [hbm:s6], $0xF7A  }
0x23: {  	s9 =	sor.u32 $0xD0000000, s2;
	s6 =	simm.s32 $0x108;
	_ =	swait.ge @!p0 [sflag:s8], $0x0  }
0x24: {  	s3 =	sadd.s32 $0x88, s3;
	s6 =	simm.s32 @!p1 $0x1082;
	[sflag:s4] =	ssyncset.s32 $0xFFFFF086  }
0x25: {  	[simem:s6], [sflag:s4] =	dma.local [hbm:s3], $0xF7A  }
0x26: {  	[smem:$0x3F8D] =	sst s1;
	(tag) =	ssettag s2;
	_ =	strace s9  }
0x27: {  	s1 =	sld [smem:$0x3F9D]  }
0x28: {  	s2 =	sld [smem:$0x3F9E]  }
0x29: {  	s4 =	sld [smem:$0x3FA0]  }
0x2a: {  	p0 =	seq.s32 s5, $0x0;
	s5 =	sld [smem:$0x3FA1]  }
0x2b: {  	s6 =	sld [smem:$0x3FA2]  }
0x2c: {  	s7 =	sld [smem:$0x3FA3]  }
0x2d: {  	s3 =	simm.s32 $0x108;
	s8 =	sld [smem:$0x3FA4]  }
0x2e: {  	s3 =	simm.s32 @!p0 $0x1082;
	s9 =	sld [smem:$0x3FA5]  }
0x2f: {  	lr =	sadd.s32 s0, s3;
	s0 =	sld [smem:$0x3F9C]  }
0x30: {  	s3 =	sld [smem:$0x3F9F]  }
0x31: {  	[smem:$0x3FA8] =	sst s10  }
0x32: {  	s10 =	sld [smem:$0x3FA6];
	_ =	sdelay $0x3  }
0x33: {  	p0 =	seq.s32 s10, $0x1;
	s10 =	sld [smem:$0x3FA8];
	_ =	sdelay $0x3  }
0x34: {  	[smem:$0x3FA8] =	sst s10  }
0x35: {  	s10 =	sld [smem:$0x3FA7];
	_ =	sdelay $0x3  }
0x36: {  	p1 =	seq.s32 s10, $0x1;
	s10 =	sld [smem:$0x3FA8];
	_ =	sdelay $0x3  }
0x37: {  	[smem:$0x3FA8] =	sst s10  }
0x38: {  	s10 =	sld [smem:$0x3FA9]  }
0x39: {  	_ = 	snop;
	(pc) =	sbr.ind lr, $3  }
0x3a: {  	_ = 	snop  }
0x3b: {  	_ = 	snop  }
0x3c: {  	p2 =	seq.s32 s10, $0x1;
	s10 =	sld [smem:$0x3FA8]  }
0x3d: {  	_ =	shalt  }
0x3e: {  	_ =	shalt  }
0x3f: {  	_ =	shalt  }
0x40: {  	_ =	shalt  }
0x41: {  	_ =	shalt  }
0x42: {  	_ =	shalt  }
0x43: {  	_ =	shalt  }
0x44: {  	_ =	shalt  }
0x45: {  	_ =	shalt  }
0x46: {  	_ =	shalt  }
0x47: {  	_ =	shalt  }
0x48: {  	_ =	shalt  }
0x49: {  	_ =	shalt  }
0x4a: {  	_ =	shalt  }
0x4b: {  	_ =	shalt  }
0x4c: {  	_ =	shalt  }
0x4d: {  	_ =	shalt  }
0x4e: {  	_ =	shalt  }
0x4f: {  	_ =	shalt  }
0x50: {  	_ =	shalt  }
0x51: {  	_ =	shalt  }
0x52: {  	_ =	shalt  }
0x53: {  	_ =	shalt  }
0x54: {  	_ =	shalt  }
0x55: {  	_ =	shalt  }
0x56: {  	_ =	shalt  }
0x57: {  	_ =	shalt  }
0x58: {  	_ =	shalt  }
0x59: {  	_ =	shalt  }
0x5a: {  	_ =	shalt  }
0x5b: {  	_ =	shalt  }
0x5c: {  	_ =	shalt  }
0x5d: {  	_ =	shalt  }
0x5e: {  	_ =	shalt  }
0x5f: {  	_ =	shalt  }
0x60: {  	_ =	shalt  }
0x61: {  	_ =	shalt  }
0x62: {  	_ =	shalt  }
0x63: {  	_ =	shalt  }
0x64: {  	_ =	shalt  }
0x65: {  	_ =	shalt  }
0x66: {  	_ =	shalt  }
0x67: {  	_ =	shalt  }
0x68: {  	_ =	shalt  }
0x69: {  	_ =	shalt  }
0x6a: {  	_ =	shalt  }
0x6b: {  	_ =	shalt  }
0x6c: {  	_ =	shalt  }
0x6d: {  	_ =	shalt  }
0x6e: {  	_ =	shalt  }
0x6f: {  	_ =	shalt  }
0x70: {  	_ =	shalt  }
0x71: {  	_ =	shalt  }
0x72: {  	_ =	shalt  }
0x73: {  	_ =	shalt  }
0x74: {  	_ =	shalt  }
0x75: {  	_ =	shalt  }
0x76: {  	_ =	shalt  }
0x77: {  	_ =	shalt  }
0x78: {  	_ =	shalt  }
0x79: {  	_ =	shalt  }
0x7a: {  	_ =	shalt  }
0x7b: {  	_ =	shalt  }
0x7c: {  	_ =	shalt  }
0x7d: {  	_ =	shalt  }
0x7e: {  	_ =	shalt  }
0x7f: {  	_ =	shalt  }
0x80: {  	_ =	shalt  }
0x81: {  	_ =	shalt  }
0x82: {  	_ =	shalt  }
0x83: {  	_ =	shalt  }
0x84: {  	_ =	shalt  }
0x85: {  	_ =	shalt  }
0x86: {  	_ =	shalt  }
0x87: {  	_ =	shalt  }
.Lfunc_end0:
.L_simem_size_0:
called_computation.2_lowered:
.L_overlay_start_0:
0x88: {  	s2 =	sld [smem:$0x3FD9]  }
0x89: {  	s3 =	sld [smem:$0x3FFE];
	_ =	sdelay $0x1  }
0x8a: {  	s1 =	srdreg.scid  }
0x8b: {  	s0 =	sand.u32 $0x1, s1  }
0x8c: {  	s16 =	sshll.u32 s0, $0xA;
	s2 =	sadd.s32 s3, s2  }
0x8d: {  	s2 =	sadd.s32 s2, s16  }
0x8e: {  	[smem:$0x3FB4] =	sst s2  }
0x8f: {  	_ = 	snop  }
0x90: {  	(tm) =	ssettm $0x1  }
0x91: {  	s17 =	sld [smem:$0x3FFB];
	_ =	sdelay $0x3  }
0x92: {  	_ =	strace s17  }
0x93: {  	s2 =	sld [smem:$0x3FFC];
	_ =	sdelay $0x3  }
0x94: {  	_ =	strace s2  }
0x95: {  	s2 =	sld [smem:$0x3FFD];
	_ =	sdelay $0x3  }
0x96: {  	_ =	strace s2  }
0x97: {  	_ =	strace $0x8FFFFFFF  }
0x98: {  	s18 =	sld [smem:$0x3FDB];
	_ =	sdelay $0x1  }
0x99: {  	s19 =	simm.s32 $_scs_section_size  }
0x9a: {  	s4 =	simm.s32 $_size__tile_overlayer_lowered;
	s5 =	simm.s32 $_tile_overlayer_lowered  }
0x9b: {  	s22 =	simm.s32 $0x1BFF;
	s21 =	sshll.u32 s5, $0x1;
	s2 =	sadd.s32 s19, s18  }
0x9c: {  	s6 =	simm.s32 $0x0;
	s20 =	sshll.u32 s4, $0x1;
	s4 =	sadd.s32 s21, s2  }
0x9d: {  	[timem:s6], [sflag:s22] =	dma.local [hbm:s4], s20  }
0x9e: {  	_ =	swait.ge [sflag:s22], s20  }
0x9f: {  	s3 =	ssub.s32 $0x0, s20;
	[sflag:s22] =	ssyncset.done $0x0  }
0xa0: {  	[sflag:s22] =	ssyncadd.s32 s3;
	_ =	sdelay $0x1  }
0xa1: {  	s23 =	simm.s32 $0x1B8B  }
0xa2: {  	_ =	swait.ge [sflag:s23], $0x1  }
0xa3: {  	[sflag:s23] =	ssyncset.done $0x0  }
0xa4: {  	s25 =	simm.s32 $0x1B8E;
	s24 =	sld [smem:$0x3FFE];
	[sflag:s23] =	ssyncadd.s32 $0xFFFFFFFF  }
0xa5: {  	s26 =	simm.s32 $execute0_lowered;
	[smem:$0x3FD2] =	sst s25  }
0xa6: {  	s4 =	sshll.u32 s26, $0x1;
	_ =	strace $0x8000004C;
	[dreg:$0x1] =	wrdreg $0xFFFFFFFF  }
0xa7: {  	s28 =	simm.s32 $_size_execute0_lowered;
	s2 =	sadd.s32 s2, s4;
	[dreg:$0x0] =	wrdreg $0x0  }
0xa8: {  	s4 =	sshll.u32 s28, $0x1;
	[dreg:$0x2] =	wrdreg s2  }
0xa9: {  	[dreg:$0x3] =	wrdreg s4  }
0xaa: {  	[dreg:$0x4] =	wrdreg $0xC0  }
0xab: {  	_ =	task [dreg:s6], $0x5FFFF  }
0xac: {  	[dreg:$0x1] =	wrdreg $0xFFFFFFFF  }
0xad: {  	[dreg:$0x0] =	wrdreg $0x60  }
0xae: {  	[dreg:$0x2] =	wrdreg s24  }
0xaf: {  	[dreg:$0x3] =	wrdreg $0x9  }
0xb0: {  	_ =	task.clear_ibuf [dreg:s6], $0x4FFFF;
	_ =	strace $0x9000004C  }
0xb1: {  	s29 =	simm.s32 $0x9;
	_ =	strace $0x8000004E  }
0xb2: {  	_ =	swait.ge [sflag:s29], $0x1  }
0xb3: {  	[sflag:s29] =	ssyncadd.s32 $0xFFFFFFFF  }
0xb4: {  	_ =	strace $0x9000004E  }
0xb5: {  	_ =	sfence  }
0xb6: {  	s30 =	sld [smem:$0x0];
	_ =	sdelay $0x2  }
0xb7: {  	s31 =	sshll.u32 s1, $0xD;
	s1 =	sshrl.u32 s1, $0x2  }
0xb8: {  	s3 =	sand.u32 $0x4000, s31;
	s1 =	sadd.s32 s1, s30  }
0xb9: {  	s0 =	sor.u32 s3, s0;
	s1 =	sshll.u32 s1, $0x11  }
0xba: {  	s0 =	sor.u32 s1, s0  }
0xbb: {  	s0 =	sadd.s32 $0x8F2B, s0  }
0xbc: {  	[sflag:s0] =	ssyncadd.remote.s32 $0x1  }
0xbd: {  	_ =	sfence.sel $0xFFFF  }
0xbe: {  	[dreg:$0x0] =	wrdreg $0xFFFFFFFF;
	(pc) =	sbr.abs _section_cstart, $3  }
0xbf: {  	[dreg:$0x1] =	wrdreg $0xFFFFFFFF  }
0xc0: {  	_ =	task.clear_ibuf [dreg:s6], $0x2FFFF;
	_ =	strace $0x9FFFFFFF  }
0xc1: {  	(tm) =	ssettm $0x7FFFFFFF  }
tec
execute0_lowered:
.L_overlay_start_1:
0x0: {  	(tag) =	ssettag $0x1  }
0x1: {  	s0 =	stileid.u32;
	s1 =	srdreg.scid  }
0x2: {  	s5 =	rddreg [dreg:$0x0];
	s2 =	simm.s32 $0x0;
	s14 =	simm.s32 $0x5  }
0x3: {  	s15 =	simm.s32 $0x7600;
	s16 =	simm.s32 $0xB500;
	s17 =	simm.s32 $0x9580  }
0x4: {  	s18 =	simm.s32 $0xD480;
	s19 =	simm.s32 $0x1;
	s20 =	simm.s32 $0x3  }
0x5: {  	s21 =	simm.s32 $0x2780;
	s22 =	simm.s32 $0x2;
	s23 =	simm.s32 $0x4  }
0x6: {  	s24 =	simm.s32 $0x6;
	s25 =	simm.s32 $0x0;
	s3 =	smul.u32 $0x4E2, s0  }
0x7: {  	s1 =	sand.u32 $0x1, s1;
	[smem:$0x7FF] =	sst s2;
	s6 =	smul.u32 $0x4E20, s0  }
0x8: {  	s4 =	smul.u32 $0x4E200, s1;
	_ =	strace $0x8000004D;
	s8 =	ssub.s32 $0x2, s1  }
0x9: {  	s1 =	smul.u32 $0x27100, s1;
	s7 =	sadd.s32 s3, s5;
	s30 =	sshrl.u32 s8, $0x1  }
0xa: {  	s3 =	sadd.s32 $0x17000, s5;
	s4 =	sadd.s32 s6, s4;
	s13 =	ssub.s32 s8, s30  }
.Ltmp0:
0xb: {  	s31 =	sshrl.u32 s1, $0x3;
	s10 =	sadd.s32 $0x3E80, s1;
	(pc) =	sbr.rel .LBB2_1-.Ltmp0, $4  }
0xc: {  	s11 =	sadd.s32 $0x5DC0, s1;
	s6 =	sshrl.u32 s4, $0x3;
	s4 =	sadd.s32 $0xD200, s5  }
0xd: {  	s9 =	sadd.s32 $0x3E8, s31;
	s13 =	smax.u32 s13, $0x1;
	s12 =	sadd.s32 s6, s5  }
0xe: {  	s5 =	sadd.s32 $0x3400, s7;
	s6 =	sadd.s32 s3, s31;
	s7 =	sadd.s32 s4, s31  }
0xf: {  	v0 =	vimm.f32 $0.0e+00;
	s8 =	sadd.s32 s3, s9;
	s9 =	sadd.s32 s4, s9;
	s12 =	sadd.s32 $0x20E00, s12  }
.LBB2_16:
0x10: {  	s25 =	sadd.s32 $0x1, s25  }
0x11: {  	p0 =	sne.s32 s25, s13  }
.Ltmp1:
0x12: {  	_ = 	snop;
	(pc) =	sbr.rel @!p0 .LBB2_17-.Ltmp1, $4  }
0x13: {  	[hbm4b:s12+s2] =	stream.linear.scatter [tilespmem:s21], [sflag:$0x6], $0x4E20, $0x38;
	[tilespmem:$0xF400] =	vst v63  }
0x14: {  	_ =	swait.ge [sflag:s24], $0x4E20  }
0x15: {  	[sflag:s24] =	ssyncset.done $0x0  }
0x16: {  	[sflag:s24] =	ssyncadd.s32 $0xFFFFB1E0  }
.LBB2_1:
0x17: {  	[tilespmem:s2], [sflag:$0x5] =	stream.linear.gather [hbm4b:s5+s2], $0x2710, $0x38;
	[tilespmem:$0xF400] =	vst v63  }
0x18: {  	s1 =	simm.s32 $0x27A0  }
0x19: {  	[tilespmem:s1+$0xFFFFFFE0] =	vst v0  }
0x1a: {  	[tilespmem:s1+$0x10] =	vst v0  }
0x1b: {  	s26 =	simm.s32 $0x0;
	[tilespmem:s1+$0x0] =	vst v0  }
.LBB2_2:
0x1c: {  	s26 =	sadd.s32 $0x4, s26  }
0x1d: {  	[tilespmem:s1+$0xFFFFFFF0] =	vst v0;
	s1 =	sadd.s32 $0x40, s1;
	p0 =	slt.u32 s26, $0x4DC  }
.Ltmp2:
0x1e: {  	[tilespmem:s1+$0xFFFFFFE0] =	vst v0;
	(pc) =	sbr.rel @p0 .LBB2_2-.Ltmp2, $3  }
0x1f: {  	_ =	sdelay $0x1  }
0x20: {  	[tilespmem:s1+$0x10] =	vst v0  }
0x21: {  	[tilespmem:s1+$0x0] =	vst v0  }
0x22: {  	[tilespmem:s1+$0xFFFFFFF0] =	vst v0;
	s1 =	simm.s32 $0x0  }
.LBB2_4:
0x23: {  	p0 =	sne.s32 s1, $0x40  }
.Ltmp3:
0x24: {  	_ = 	snop;
	(pc) =	sbr.rel @p0 .LBB2_4-.Ltmp3, $3  }
0x25: {  	_ =	sdelay $0x1  }
0x26: {  	s26 =	sshra.s32 s1, $0x2  }
0x27: {  	s1 =	sadd.s32 $0x40, s1;
	[tilespmem:s26+$0x7580] =	vst v0  }
0x28: {  	_ =	swait.ge [sflag:s14], $0x2710  }
0x29: {  	[sflag:s14] =	ssyncset.done $0x0  }
0x2a: {  	s26 =	simm.s32 $0x0;
	[sflag:s14] =	ssyncadd.s32 $0xFFFFD8F0  }
0x2b: {  	[tilespmem:s15], [sflag:$0x1] =	stream.linear.gather [hbm4b:s6+s26], $0x1F40, $0x38;
	[tilespmem:$0xF400] =	vst v63  }
0x2c: {  	_ = 	snop  }
0x2d: {  	[tilespmem:s16], [sflag:$0x3] =	stream.linear.gather [hbm4b:s7+s26], $0x1F40, $0x38;
	[tilespmem:$0xF400] =	vst v63  }
0x2e: {  	_ = 	snop  }
0x2f: {  	[tilespmem:s17], [sflag:$0x2] =	stream.linear.gather [hbm4b:s8+s26], $0x1F40, $0x38;
	[tilespmem:$0xF400] =	vst v63  }
0x30: {  	s28 =	simm.s32 $0x0  }
0x31: {  	[tilespmem:s18], [sflag:$0x4] =	stream.linear.gather [hbm4b:s9+s26], $0x1F40, $0x38;
	[tilespmem:$0xF400] =	vst v63  }
.LBB2_6:
0x32: {  	_ =	swait.ge [sflag:s19], $0x1F40  }
0x33: {  	[sflag:s19] =	ssyncset.done $0x0  }
0x34: {  	[sflag:s19] =	ssyncadd.s32 $0xFFFFE0C0  }
0x35: {  	_ =	swait.ge [sflag:s20], $0x1F40  }
0x36: {  	[sflag:s20] =	ssyncset.done $0x0  }
0x37: {  	s1 =	simm.s32 $0x7640;
	[sflag:s20] =	ssyncadd.s32 $0xFFFFE0C0  }
0x38: {  	v1 =	vld [tilespmem:s1+$0x30]  }
0x39: {  	v2 =	vld [tilespmem:s1+$0xFFFFFFD0]  }
0x3a: {  	v3 =	vld [tilespmem:s1+$0xFFFFFFE0]  }
0x3b: {  	v4 =	vld [tilespmem:s1+$0xFFFFFFF0]  }
0x3c: {  	v5 =	vld [tilespmem:s1+$0x0]  }
0x3d: {  	v7 =	vld [tilespmem:s1+$0x10];
	v6 =	vand.u32 $0xFFFF, v1  }
0x3e: {  	v9 =	vld [tilespmem:s1+$0xFFFFFFC0]  }
0x3f: {  	s29 =	simm.s32 $0xB540;
	v10 =	vld [tilespmem:s1+$0x20]  }
0x40: {  	v16 =	vld [tilespmem:s29+$0x30]  }
0x41: {  	v54 =	vld [tilespmem:s29+$0xFFFFFFE0]  }
0x42: {  	v8 =	vand.u32 $0xFFFF, v2;
	v6 =	vld.idx.msk [tilespmem:v6+s26+$0x0], $0xffff  }
0x43: {  	v56 =	vld [tilespmem:s29+$0xFFFFFFF0];
	v11 =	vand.u32 $0xFFFF, v3  }
0x44: {  	v21 =	vld [tilespmem:s29+$0x0];
	v15 =	vand.u32 $0xFFFF, v9  }
0x45: {  	v23 =	vld [tilespmem:s29+$0x10];
	v1 =	vshrl.u32 v1, $0x10  }
0x46: {  	v57 =	vld [tilespmem:s29+$0x20]  }
0x47: {  	v18 =	vadd.s32 $0x2710, v1;
	v8 =	vld.idx.msk [tilespmem:v8+s26+$0x0], $0xffff;
	v19 =	vshll.u32 v6, $0x10  }
0x48: {  	v11 =	vld.idx.msk [tilespmem:v11+s26+$0x0], $0xffff;
	v19 =	vmul.f32 v19, v16  }
0x49: {  	v12 =	vand.u32 $0xFFFF, v4;
	v15 =	vld.idx.msk [tilespmem:v15+s26+$0x0], $0xffff;
	v6 =	vand.u32 $0xFFFF0000, v6  }
0x4a: {  	v13 =	vand.u32 $0xFFFF, v5;
	v6 =	vmul.f32 v6, v16;
	[tilespmem:v1+s21+$0x0] =	vst.idx.add.f32.msk $0xffff, v19  }
0x4b: {  	v14 =	vand.u32 $0xFFFF, v7;
	v1 =	vld [tilespmem:s29+$0xFFFFFFC0]  }
0x4c: {  	v17 =	vand.u32 $0xFFFF, v10;
	[tilespmem:v18+s21+$0x0] =	vst.idx.add.f32.msk $0xffff, v6  }
0x4d: {  	v9 =	vshrl.u32 v9, $0x10;
	v6 =	vld [tilespmem:s29+$0xFFFFFFD0]  }
0x4e: {  	v55 =	vadd.s32 $0x2710, v9;
	v12 =	vld.idx.msk [tilespmem:v12+s26+$0x0], $0xffff  }
0x4f: {  	v2 =	vshrl.u32 v2, $0x10;
	v13 =	vld.idx.msk [tilespmem:v13+s26+$0x0], $0xffff;
	v20 =	vshll.u32 v15, $0x10  }
0x50: {  	v22 =	vadd.s32 $0x2710, v2;
	v14 =	vld.idx.msk [tilespmem:v14+s26+$0x0], $0xffff;
	v15 =	vand.u32 $0xFFFF0000, v15;
	v20 =	vmul.f32 v20, v1  }
0x51: {  	v3 =	vshrl.u32 v3, $0x10;
	v17 =	vld.idx.msk [tilespmem:v17+s26+$0x0], $0xffff;
	v24 =	vshll.u32 v8, $0x10;
	v1 =	vmul.f32 v15, v1  }
0x52: {  	v25 =	vadd.s32 $0x2710, v3;
	v8 =	vand.u32 $0xFFFF0000, v8;
	v24 =	vmul.f32 v24, v6;
	[tilespmem:v9+s21+$0x0] =	vst.idx.add.f32.msk $0xffff, v20  }
0x53: {  	v4 =	vshrl.u32 v4, $0x10;
	v58 =	vshll.u32 v11, $0x10;
	v6 =	vmul.f32 v8, v6;
	[tilespmem:v55+s21+$0x0] =	vst.idx.add.f32.msk $0xffff, v1  }
0x54: {  	v59 =	vand.u32 $0xFFFF0000, v11;
	v9 =	vmul.f32 v58, v54;
	v1 =	vadd.s32 $0x2710, v4;
	[tilespmem:v2+s21+$0x0] =	vst.idx.add.f32.msk $0xffff, v24  }
0x55: {  	v8 =	vmul.f32 v59, v54;
	v2 =	vshrl.u32 v5, $0x10;
	v5 =	vshll.u32 v12, $0x10;
	[tilespmem:v22+s21+$0x0] =	vst.idx.add.f32.msk $0xffff, v6  }
0x56: {  	v60 =	vand.u32 $0xFFFF0000, v12;
	v6 =	vadd.s32 $0x2710, v2;
	v5 =	vmul.f32 v5, v56;
	[tilespmem:v3+s21+$0x0] =	vst.idx.add.f32.msk $0xffff, v9  }
0x57: {  	v61 =	vmul.f32 v60, v56;
	v3 =	vshrl.u32 v7, $0x10;
	v7 =	vshll.u32 v13, $0x10;
	[tilespmem:v25+s21+$0x0] =	vst.idx.add.f32.msk $0xffff, v8  }
0x58: {  	v63 =	vand.u32 $0xFFFF0000, v13;
	v62 =	vadd.s32 $0x2710, v3;
	v7 =	vmul.f32 v7, v21;
	[tilespmem:v4+s21+$0x0] =	vst.idx.add.f32.msk $0xffff, v5  }
0x59: {  	v4 =	vshll.u32 v14, $0x10;
	v5 =	vmul.f32 v63, v21;
	[tilespmem:v1+s21+$0x0] =	vst.idx.add.f32.msk $0xffff, v61  }
0x5a: {  	v4 =	vmul.f32 v4, v23;
	v1 =	vand.u32 $0xFFFF0000, v14;
	[tilespmem:v2+s21+$0x0] =	vst.idx.add.f32.msk $0xffff, v7  }
0x5b: {  	v7 =	vmul.f32 v1, v23;
	[tilespmem:v6+s21+$0x0] =	vst.idx.add.f32.msk $0xffff, v5  }
0x5c: {  	v1 =	vshrl.u32 v10, $0x10;
	v5 =	vshll.u32 v17, $0x10;
	v6 =	vand.u32 $0xFFFF0000, v17;
	[tilespmem:v3+s21+$0x0] =	vst.idx.add.f32.msk $0xffff, v4  }
0x5d: {  	s30 =	simm.s32 $0x0;
	s31 =	simm.s32 $0x76C0;
	v2 =	vadd.s32 $0x2710, v1;
	v4 =	vmul.f32 v5, v57;
	v3 =	vmul.f32 v6, v57;
	[tilespmem:v62+s21+$0x0] =	vst.idx.add.f32.msk $0xffff, v7  }
.LBB2_7:
0x5e: {  	v5 =	vld [tilespmem:s31+$0x30]  }
0x5f: {  	s30 =	sadd.s32 $0x8, s30;
	v6 =	vld [tilespmem:s31+$0xFFFFFFD0]  }
0x60: {  	p0 =	slt.u32 s30, $0x1E8;
	v7 =	vld [tilespmem:s31+$0xFFFFFFE0]  }
0x61: {  	v8 =	vld [tilespmem:s31+$0xFFFFFFF0]  }
0x62: {  	v9 =	vld [tilespmem:s31+$0x0]  }
0x63: {  	v10 =	vld [tilespmem:s31+$0x10];
	v11 =	vand.u32 $0xFFFF, v5  }
0x64: {  	v12 =	vshrl.u32 v6, $0x10;
	v6 =	vand.u32 $0xFFFF, v6;
	v13 =	vld [tilespmem:s31+$0x20]  }
0x65: {  	v14 =	vld [tilespmem:s31+$0xFFFFFFC0];
	v15 =	vadd.s32 $0x2710, v12;
	v16 =	vshrl.u32 v7, $0x10;
	v7 =	vand.u32 $0xFFFF, v7  }
0x66: {  	v17 =	vadd.s32 $0x2710, v16;
	v18 =	vshrl.u32 v8, $0x10;
	v8 =	vand.u32 $0xFFFF, v8;
	[tilespmem:v1+s21+$0x0] =	vst.idx.add.f32.msk $0xffff, v4  }
0x67: {  	s1 =	simm.s32 $0x0;
	v19 =	vadd.s32 $0x2710, v18;
	v20 =	vshrl.u32 v9, $0x10;
	v4 =	vand.u32 $0xFFFF, v9;
	[tilespmem:v2+s21+$0x0] =	vst.idx.add.f32.msk $0xffff, v3  }
0x68: {  	v9 =	vadd.s32 $0x2710, v20;
	v21 =	vshrl.u32 v10, $0x10;
	v3 =	vand.u32 $0xFFFF, v10;
	v10 =	vld.idx.msk [tilespmem:v11+s1+$0x0], $0xffff  }
0x69: {  	s29 =	sadd.s32 $0x80, s29;
	v6 =	vld.idx.msk [tilespmem:v6+s1+$0x0], $0xffff;
	v11 =	vadd.s32 $0x2710, v21;
	v1 =	vshrl.u32 v13, $0x10;
	v13 =	vand.u32 $0xFFFF, v13  }
0x6a: {  	v22 =	vshrl.u32 v14, $0x10;
	v14 =	vand.u32 $0xFFFF, v14;
	v2 =	vadd.s32 $0x2710, v1;
	v23 =	vld [tilespmem:s29+$0x30]  }
0x6b: {  	v24 =	vadd.s32 $0x2710, v22;
	v7 =	vld.idx.msk [tilespmem:v7+s1+$0x0], $0xffff  }
0x6c: {  	v5 =	vshrl.u32 v5, $0x10;
	v8 =	vld.idx.msk [tilespmem:v8+s1+$0x0], $0xffff  }
0x6d: {  	v25 =	vadd.s32 $0x2710, v5;
	v4 =	vld.idx.msk [tilespmem:v4+s1+$0x0], $0xffff  }
0x6e: {  	v26 =	vshll.u32 v10, $0x10;
	v3 =	vld.idx.msk [tilespmem:v3+s1+$0x0], $0xffff  }
0x6f: {  	v10 =	vand.u32 $0xFFFF0000, v10;
	v27 =	vshll.u32 v6, $0x10;
	v14 =	vld.idx.msk [tilespmem:v14+s1+$0x0], $0xffff;
	v26 =	vmul.f32 v26, v23  }
0x70: {  	v6 =	vand.u32 $0xFFFF0000, v6;
	v10 =	vmul.f32 v10, v23;
	v13 =	vld.idx.msk [tilespmem:v13+s1+$0x0], $0xffff  }
0x71: {  	v23 =	vshll.u32 v7, $0x10;
	v7 =	vand.u32 $0xFFFF0000, v7;
	[tilespmem:v5+s21+$0x0] =	vst.idx.add.f32.msk $0xffff, v26  }
0x72: {  	v5 =	vshll.u32 v8, $0x10;
	v8 =	vand.u32 $0xFFFF0000, v8;
	[tilespmem:v25+s21+$0x0] =	vst.idx.add.f32.msk $0xffff, v10  }
0x73: {  	v25 =	vshll.u32 v4, $0x10;
	v4 =	vand.u32 $0xFFFF0000, v4;
	v10 =	vld [tilespmem:s29+$0xFFFFFFC0]  }
0x74: {  	v28 =	vshll.u32 v3, $0x10;
	v3 =	vand.u32 $0xFFFF0000, v3;
	v26 =	vld [tilespmem:s29+$0xFFFFFFD0]  }
0x75: {  	v29 =	vshll.u32 v14, $0x10;
	v14 =	vand.u32 $0xFFFF0000, v14;
	v30 =	vld [tilespmem:s29+$0xFFFFFFE0]  }
0x76: {  	v32 =	vshll.u32 v13, $0x10;
	v13 =	vand.u32 $0xFFFF0000, v13;
	v31 =	vld [tilespmem:s29+$0xFFFFFFF0]  }
0x77: {  	v33 =	vld [tilespmem:s29+$0x0]  }
0x78: {  	v29 =	vmul.f32 v29, v10;
	v10 =	vmul.f32 v14, v10;
	v14 =	vld [tilespmem:s29+$0x10]  }
0x79: {  	v27 =	vmul.f32 v27, v26;
	v6 =	vmul.f32 v6, v26;
	v26 =	vld [tilespmem:s29+$0x20]  }
0x7a: {  	[tilespmem:v22+s21+$0x0] =	vst.idx.add.f32.msk $0xffff, v29;
	v22 =	vmul.f32 v23, v30;
	v7 =	vmul.f32 v7, v30  }
0x7b: {  	[tilespmem:v24+s21+$0x0] =	vst.idx.add.f32.msk $0xffff, v10;
	v5 =	vmul.f32 v5, v31;
	v8 =	vmul.f32 v8, v31  }
0x7c: {  	[tilespmem:v12+s21+$0x0] =	vst.idx.add.f32.msk $0xffff, v27;
	v10 =	vmul.f32 v25, v33;
	v12 =	vmul.f32 v4, v33  }
0x7d: {  	[tilespmem:v15+s21+$0x0] =	vst.idx.add.f32.msk $0xffff, v6;
	v6 =	vmul.f32 v28, v14;
	v14 =	vmul.f32 v3, v14  }
0x7e: {  	[tilespmem:v16+s21+$0x0] =	vst.idx.add.f32.msk $0xffff, v22;
	v4 =	vmul.f32 v32, v26;
	v3 =	vmul.f32 v13, v26  }
0x7f: {  	[tilespmem:v17+s21+$0x0] =	vst.idx.add.f32.msk $0xffff, v7  }
0x80: {  	[tilespmem:v18+s21+$0x0] =	vst.idx.add.f32.msk $0xffff, v5  }
.Ltmp4:
0x81: {  	[tilespmem:v19+s21+$0x0] =	vst.idx.add.f32.msk $0xffff, v8;
	(pc) =	sbr.rel @p0 .LBB2_7-.Ltmp4, $4  }
0x82: {  	[tilespmem:v20+s21+$0x0] =	vst.idx.add.f32.msk $0xffff, v10  }
0x83: {  	[tilespmem:v9+s21+$0x0] =	vst.idx.add.f32.msk $0xffff, v12  }
0x84: {  	[tilespmem:v21+s21+$0x0] =	vst.idx.add.f32.msk $0xffff, v6  }
0x85: {  	s31 =	sadd.s32 $0x80, s31;
	[tilespmem:v11+s21+$0x0] =	vst.idx.add.f32.msk $0xffff, v14  }
0x86: {  	_ =	sdelay $0x3  }
0x87: {  	[tilespmem:v1+s21+$0x0] =	vst.idx.add.f32.msk $0xffff, v4  }
0x88: {  	[tilespmem:v2+s21+$0x0] =	vst.idx.add.f32.msk $0xffff, v3  }
.LBB2_9:
0x89: {  	s29 =	sshra.s32 s1, $0x2  }
0x8a: {  	v1 =	vld [tilespmem:s29+$0x9500];
	_ =	sdelay $0x4  }
0x8b: {  	v2 =	vand.u32 $0xFFFF, v1;
	_ =	sdelay $0x4  }
0x8c: {  	v2 =	vld.idx.msk [tilespmem:v2+s2+$0x0], $0xffff  }
0x8d: {  	v3 =	vld [tilespmem:s29+$0xD400];
	_ =	sdelay $0x1  }
0x8e: {  	v1 =	vshrl.u32 v1, $0x10  }
0x8f: {  	p0 =	sne.s32 s1, $0xC0;
	v4 =	vadd.s32 $0x2710, v1  }
.Ltmp5:
0x90: {  	v5 =	vshll.u32 v2, $0x10;
	(pc) =	sbr.rel @p0 .LBB2_9-.Ltmp5, $4  }
0x91: {  	v2 =	vand.u32 $0xFFFF0000, v2;
	v5 =	vmul.f32 v5, v3  }
0x92: {  	v2 =	vmul.f32 v2, v3  }
0x93: {  	[tilespmem:v1+s21+$0x0] =	vst.idx.add.f32.msk $0xffff, v5  }
0x94: {  	s1 =	sadd.s32 $0x40, s1;
	[tilespmem:v4+s21+$0x0] =	vst.idx.add.f32.msk $0xffff, v2  }
0x95: {  	p0 =	seq.s32 s28, $0x9  }
0x96: {  	s1 =	smul.u32 @!p0 $0x3E80, s28;
	_ =	sdelay $0x1  }
0x97: {  	s1 =	sadd.s32 @!p0 s1, s10  }
0x98: {  	s1 =	sshrl.u32 @!p0 s1, $0x3  }
0x99: {  	s30 =	simm.s32 @!p0 $0x0;
	s31 =	simm.s32 @!p0 $0x7600;
	s29 =	sadd.s32 @!p0 s3, s1  }
0x9a: {  	[tilespmem:s31], [sflag:$0x1] =	stream.linear.gather @!p0 [hbm4b:s29+s30], $0x1F40, $0x38;
	[tilespmem:$0xF400] =	vst v63  }
0x9b: {  	s1 =	sadd.s32 @!p0 s4, s1;
	s29 =	simm.s32 @!p0 $0xB500  }
0x9c: {  	[tilespmem:s29], [sflag:$0x3] =	stream.linear.gather @!p0 [hbm4b:s1+s30], $0x1F40, $0x38;
	[tilespmem:$0xF400] =	vst v63  }
0x9d: {  	_ =	swait.ge [sflag:s22], $0x1F40  }
0x9e: {  	[sflag:s22] =	ssyncset.done $0x0  }
0x9f: {  	[sflag:s22] =	ssyncadd.s32 $0xFFFFE0C0  }
0xa0: {  	_ =	swait.ge [sflag:s23], $0x1F40  }
0xa1: {  	[sflag:s23] =	ssyncset.done $0x0  }
0xa2: {  	s1 =	simm.s32 $0x95C0;
	[sflag:s23] =	ssyncadd.s32 $0xFFFFE0C0  }
0xa3: {  	v1 =	vld [tilespmem:s1+$0x30]  }
0xa4: {  	v2 =	vld [tilespmem:s1+$0xFFFFFFD0]  }
0xa5: {  	v3 =	vld [tilespmem:s1+$0xFFFFFFE0]  }
0xa6: {  	v4 =	vld [tilespmem:s1+$0xFFFFFFF0]  }
0xa7: {  	v5 =	vld [tilespmem:s1+$0x0]  }
0xa8: {  	v7 =	vld [tilespmem:s1+$0x10];
	v6 =	vand.u32 $0xFFFF, v1  }
0xa9: {  	v9 =	vld [tilespmem:s1+$0xFFFFFFC0]  }
0xaa: {  	s30 =	simm.s32 $0xD4C0;
	v10 =	vld [tilespmem:s1+$0x20]  }
0xab: {  	v16 =	vld [tilespmem:s30+$0x30]  }
0xac: {  	s29 =	simm.s32 $0x0;
	v54 =	vld [tilespmem:s30+$0xFFFFFFE0]  }
0xad: {  	v8 =	vand.u32 $0xFFFF, v2;
	v6 =	vld.idx.msk [tilespmem:v6+s29+$0x0], $0xffff  }
0xae: {  	v56 =	vld [tilespmem:s30+$0xFFFFFFF0];
	v11 =	vand.u32 $0xFFFF, v3  }
0xaf: {  	v21 =	vld [tilespmem:s30+$0x0];
	v15 =	vand.u32 $0xFFFF, v9  }
0xb0: {  	v23 =	vld [tilespmem:s30+$0x10];
	v1 =	vshrl.u32 v1, $0x10  }
0xb1: {  	v57 =	vld [tilespmem:s30+$0x20]  }
0xb2: {  	v18 =	vadd.s32 $0x2710, v1;
	v8 =	vld.idx.msk [tilespmem:v8+s29+$0x0], $0xffff;
	v19 =	vshll.u32 v6, $0x10  }
0xb3: {  	v11 =	vld.idx.msk [tilespmem:v11+s29+$0x0], $0xffff;
	v19 =	vmul.f32 v19, v16  }
0xb4: {  	v12 =	vand.u32 $0xFFFF, v4;
	v15 =	vld.idx.msk [tilespmem:v15+s29+$0x0], $0xffff;
	v6 =	vand.u32 $0xFFFF0000, v6  }
0xb5: {  	v13 =	vand.u32 $0xFFFF, v5;
	v6 =	vmul.f32 v6, v16;
	[tilespmem:v1+s21+$0x0] =	vst.idx.add.f32.msk $0xffff, v19  }
0xb6: {  	v14 =	vand.u32 $0xFFFF, v7;
	v1 =	vld [tilespmem:s30+$0xFFFFFFC0]  }
0xb7: {  	v17 =	vand.u32 $0xFFFF, v10;
	[tilespmem:v18+s21+$0x0] =	vst.idx.add.f32.msk $0xffff, v6  }
0xb8: {  	v9 =	vshrl.u32 v9, $0x10;
	v6 =	vld [tilespmem:s30+$0xFFFFFFD0]  }
0xb9: {  	v55 =	vadd.s32 $0x2710, v9;
	v12 =	vld.idx.msk [tilespmem:v12+s29+$0x0], $0xffff  }
0xba: {  	v2 =	vshrl.u32 v2, $0x10;
	v13 =	vld.idx.msk [tilespmem:v13+s29+$0x0], $0xffff;
	v20 =	vshll.u32 v15, $0x10  }
0xbb: {  	v22 =	vadd.s32 $0x2710, v2;
	v14 =	vld.idx.msk [tilespmem:v14+s29+$0x0], $0xffff;
	v15 =	vand.u32 $0xFFFF0000, v15;
	v20 =	vmul.f32 v20, v1  }
0xbc: {  	v3 =	vshrl.u32 v3, $0x10;
	v17 =	vld.idx.msk [tilespmem:v17+s29+$0x0], $0xffff;
	v24 =	vshll.u32 v8, $0x10;
	v1 =	vmul.f32 v15, v1  }
0xbd: {  	v25 =	vadd.s32 $0x2710, v3;
	v8 =	vand.u32 $0xFFFF0000, v8;
	v24 =	vmul.f32 v24, v6;
	[tilespmem:v9+s21+$0x0] =	vst.idx.add.f32.msk $0xffff, v20  }
0xbe: {  	v4 =	vshrl.u32 v4, $0x10;
	v58 =	vshll.u32 v11, $0x10;
	v6 =	vmul.f32 v8, v6;
	[tilespmem:v55+s21+$0x0] =	vst.idx.add.f32.msk $0xffff, v1  }
0xbf: {  	v59 =	vand.u32 $0xFFFF0000, v11;
	v9 =	vmul.f32 v58, v54;
	v1 =	vadd.s32 $0x2710, v4;
	[tilespmem:v2+s21+$0x0] =	vst.idx.add.f32.msk $0xffff, v24  }
0xc0: {  	v8 =	vmul.f32 v59, v54;
	v2 =	vshrl.u32 v5, $0x10;
	v5 =	vshll.u32 v12, $0x10;
	[tilespmem:v22+s21+$0x0] =	vst.idx.add.f32.msk $0xffff, v6  }
0xc1: {  	v60 =	vand.u32 $0xFFFF0000, v12;
	v6 =	vadd.s32 $0x2710, v2;
	v5 =	vmul.f32 v5, v56;
	[tilespmem:v3+s21+$0x0] =	vst.idx.add.f32.msk $0xffff, v9  }
0xc2: {  	v61 =	vmul.f32 v60, v56;
	v3 =	vshrl.u32 v7, $0x10;
	v7 =	vshll.u32 v13, $0x10;
	[tilespmem:v25+s21+$0x0] =	vst.idx.add.f32.msk $0xffff, v8  }
0xc3: {  	v63 =	vand.u32 $0xFFFF0000, v13;
	v62 =	vadd.s32 $0x2710, v3;
	v7 =	vmul.f32 v7, v21;
	[tilespmem:v4+s21+$0x0] =	vst.idx.add.f32.msk $0xffff, v5  }
0xc4: {  	v4 =	vshll.u32 v14, $0x10;
	v5 =	vmul.f32 v63, v21;
	[tilespmem:v1+s21+$0x0] =	vst.idx.add.f32.msk $0xffff, v61  }
0xc5: {  	v4 =	vmul.f32 v4, v23;
	v1 =	vand.u32 $0xFFFF0000, v14;
	[tilespmem:v2+s21+$0x0] =	vst.idx.add.f32.msk $0xffff, v7  }
0xc6: {  	v7 =	vmul.f32 v1, v23;
	[tilespmem:v6+s21+$0x0] =	vst.idx.add.f32.msk $0xffff, v5  }
0xc7: {  	v1 =	vshrl.u32 v10, $0x10;
	v5 =	vshll.u32 v17, $0x10;
	v6 =	vand.u32 $0xFFFF0000, v17;
	[tilespmem:v3+s21+$0x0] =	vst.idx.add.f32.msk $0xffff, v4  }
0xc8: {  	s31 =	simm.s32 $0x0;
	s1 =	simm.s32 $0x9640;
	v2 =	vadd.s32 $0x2710, v1;
	v4 =	vmul.f32 v5, v57;
	v3 =	vmul.f32 v6, v57;
	[tilespmem:v62+s21+$0x0] =	vst.idx.add.f32.msk $0xffff, v7  }
.LBB2_11:
0xc9: {  	v5 =	vld [tilespmem:s1+$0x30]  }
0xca: {  	s31 =	sadd.s32 $0x8, s31;
	v6 =	vld [tilespmem:s1+$0xFFFFFFD0]  }
0xcb: {  	p1 =	slt.u32 s31, $0x1E8;
	v7 =	vld [tilespmem:s1+$0xFFFFFFE0]  }
0xcc: {  	v8 =	vld [tilespmem:s1+$0xFFFFFFF0]  }
0xcd: {  	v9 =	vld [tilespmem:s1+$0x0]  }
0xce: {  	v10 =	vld [tilespmem:s1+$0x10];
	v11 =	vand.u32 $0xFFFF, v5  }
0xcf: {  	v12 =	vshrl.u32 v6, $0x10;
	v6 =	vand.u32 $0xFFFF, v6;
	v13 =	vld [tilespmem:s1+$0x20]  }
0xd0: {  	v14 =	vld [tilespmem:s1+$0xFFFFFFC0];
	v15 =	vadd.s32 $0x2710, v12;
	v16 =	vshrl.u32 v7, $0x10;
	v7 =	vand.u32 $0xFFFF, v7  }
0xd1: {  	v17 =	vadd.s32 $0x2710, v16;
	v18 =	vshrl.u32 v8, $0x10;
	v8 =	vand.u32 $0xFFFF, v8;
	[tilespmem:v1+s21+$0x0] =	vst.idx.add.f32.msk $0xffff, v4  }
0xd2: {  	v19 =	vadd.s32 $0x2710, v18;
	v20 =	vshrl.u32 v9, $0x10;
	v4 =	vand.u32 $0xFFFF, v9;
	[tilespmem:v2+s21+$0x0] =	vst.idx.add.f32.msk $0xffff, v3  }
0xd3: {  	v9 =	vadd.s32 $0x2710, v20;
	v21 =	vshrl.u32 v10, $0x10;
	v3 =	vand.u32 $0xFFFF, v10;
	v10 =	vld.idx.msk [tilespmem:v11+s29+$0x0], $0xffff  }
0xd4: {  	s30 =	sadd.s32 $0x80, s30;
	v6 =	vld.idx.msk [tilespmem:v6+s29+$0x0], $0xffff;
	v11 =	vadd.s32 $0x2710, v21;
	v1 =	vshrl.u32 v13, $0x10;
	v13 =	vand.u32 $0xFFFF, v13  }
0xd5: {  	v22 =	vshrl.u32 v14, $0x10;
	v14 =	vand.u32 $0xFFFF, v14;
	v2 =	vadd.s32 $0x2710, v1;
	v23 =	vld [tilespmem:s30+$0x30]  }
0xd6: {  	v24 =	vadd.s32 $0x2710, v22;
	v7 =	vld.idx.msk [tilespmem:v7+s29+$0x0], $0xffff  }
0xd7: {  	v5 =	vshrl.u32 v5, $0x10;
	v8 =	vld.idx.msk [tilespmem:v8+s29+$0x0], $0xffff  }
0xd8: {  	v25 =	vadd.s32 $0x2710, v5;
	v4 =	vld.idx.msk [tilespmem:v4+s29+$0x0], $0xffff  }
0xd9: {  	v26 =	vshll.u32 v10, $0x10;
	v3 =	vld.idx.msk [tilespmem:v3+s29+$0x0], $0xffff  }
0xda: {  	v10 =	vand.u32 $0xFFFF0000, v10;
	v27 =	vshll.u32 v6, $0x10;
	v14 =	vld.idx.msk [tilespmem:v14+s29+$0x0], $0xffff;
	v26 =	vmul.f32 v26, v23  }
0xdb: {  	v6 =	vand.u32 $0xFFFF0000, v6;
	v10 =	vmul.f32 v10, v23;
	v13 =	vld.idx.msk [tilespmem:v13+s29+$0x0], $0xffff  }
0xdc: {  	v23 =	vshll.u32 v7, $0x10;
	v7 =	vand.u32 $0xFFFF0000, v7;
	[tilespmem:v5+s21+$0x0] =	vst.idx.add.f32.msk $0xffff, v26  }
0xdd: {  	v5 =	vshll.u32 v8, $0x10;
	v8 =	vand.u32 $0xFFFF0000, v8;
	[tilespmem:v25+s21+$0x0] =	vst.idx.add.f32.msk $0xffff, v10  }
0xde: {  	v25 =	vshll.u32 v4, $0x10;
	v4 =	vand.u32 $0xFFFF0000, v4;
	v10 =	vld [tilespmem:s30+$0xFFFFFFC0]  }
0xdf: {  	v28 =	vshll.u32 v3, $0x10;
	v3 =	vand.u32 $0xFFFF0000, v3;
	v26 =	vld [tilespmem:s30+$0xFFFFFFD0]  }
0xe0: {  	v29 =	vshll.u32 v14, $0x10;
	v14 =	vand.u32 $0xFFFF0000, v14;
	v30 =	vld [tilespmem:s30+$0xFFFFFFE0]  }
0xe1: {  	v32 =	vshll.u32 v13, $0x10;
	v13 =	vand.u32 $0xFFFF0000, v13;
	v31 =	vld [tilespmem:s30+$0xFFFFFFF0]  }
0xe2: {  	v33 =	vld [tilespmem:s30+$0x0]  }
0xe3: {  	v29 =	vmul.f32 v29, v10;
	v10 =	vmul.f32 v14, v10;
	v14 =	vld [tilespmem:s30+$0x10]  }
0xe4: {  	v27 =	vmul.f32 v27, v26;
	v6 =	vmul.f32 v6, v26;
	v26 =	vld [tilespmem:s30+$0x20]  }
0xe5: {  	[tilespmem:v22+s21+$0x0] =	vst.idx.add.f32.msk $0xffff, v29;
	v22 =	vmul.f32 v23, v30;
	v7 =	vmul.f32 v7, v30  }
0xe6: {  	[tilespmem:v24+s21+$0x0] =	vst.idx.add.f32.msk $0xffff, v10;
	v5 =	vmul.f32 v5, v31;
	v8 =	vmul.f32 v8, v31  }
0xe7: {  	[tilespmem:v12+s21+$0x0] =	vst.idx.add.f32.msk $0xffff, v27;
	v10 =	vmul.f32 v25, v33;
	v12 =	vmul.f32 v4, v33  }
0xe8: {  	[tilespmem:v15+s21+$0x0] =	vst.idx.add.f32.msk $0xffff, v6;
	v6 =	vmul.f32 v28, v14;
	v14 =	vmul.f32 v3, v14  }
0xe9: {  	[tilespmem:v16+s21+$0x0] =	vst.idx.add.f32.msk $0xffff, v22;
	v4 =	vmul.f32 v32, v26;
	v3 =	vmul.f32 v13, v26  }
0xea: {  	[tilespmem:v17+s21+$0x0] =	vst.idx.add.f32.msk $0xffff, v7  }
0xeb: {  	[tilespmem:v18+s21+$0x0] =	vst.idx.add.f32.msk $0xffff, v5  }
.Ltmp6:
0xec: {  	[tilespmem:v19+s21+$0x0] =	vst.idx.add.f32.msk $0xffff, v8;
	(pc) =	sbr.rel @p1 .LBB2_11-.Ltmp6, $4  }
0xed: {  	[tilespmem:v20+s21+$0x0] =	vst.idx.add.f32.msk $0xffff, v10  }
0xee: {  	[tilespmem:v9+s21+$0x0] =	vst.idx.add.f32.msk $0xffff, v12  }
0xef: {  	[tilespmem:v21+s21+$0x0] =	vst.idx.add.f32.msk $0xffff, v6  }
0xf0: {  	s1 =	sadd.s32 $0x80, s1;
	[tilespmem:v11+s21+$0x0] =	vst.idx.add.f32.msk $0xffff, v14  }
0xf1: {  	_ =	sdelay $0x3  }
0xf2: {  	[tilespmem:v1+s21+$0x0] =	vst.idx.add.f32.msk $0xffff, v4  }
0xf3: {  	[tilespmem:v2+s21+$0x0] =	vst.idx.add.f32.msk $0xffff, v3  }
.LBB2_13:
0xf4: {  	s1 =	sshra.s32 s29, $0x2  }
0xf5: {  	v1 =	vld [tilespmem:s1+$0xB480];
	_ =	sdelay $0x4  }
0xf6: {  	v2 =	vand.u32 $0xFFFF, v1;
	_ =	sdelay $0x4  }
0xf7: {  	v2 =	vld.idx.msk [tilespmem:v2+s2+$0x0], $0xffff  }
0xf8: {  	v3 =	vld [tilespmem:s1+$0xF380];
	_ =	sdelay $0x1  }
0xf9: {  	v1 =	vshrl.u32 v1, $0x10  }
0xfa: {  	p1 =	sne.s32 s29, $0xC0;
	v4 =	vadd.s32 $0x2710, v1  }
.Ltmp7:
0xfb: {  	v5 =	vshll.u32 v2, $0x10;
	(pc) =	sbr.rel @p1 .LBB2_13-.Ltmp7, $4  }
0xfc: {  	v2 =	vand.u32 $0xFFFF0000, v2;
	v5 =	vmul.f32 v5, v3  }
0xfd: {  	v2 =	vmul.f32 v2, v3  }
0xfe: {  	[tilespmem:v1+s21+$0x0] =	vst.idx.add.f32.msk $0xffff, v5  }
0xff: {  	s29 =	sadd.s32 $0x40, s29;
	[tilespmem:v4+s21+$0x0] =	vst.idx.add.f32.msk $0xffff, v2  }
.Ltmp8:
0x100: {  	(pc) =	sbr.rel @p0 .LBB2_16-.Ltmp8, $1  }
0x101: {  	_ =	sdelay $0x3  }
0x102: {  	s1 =	smul.u32 $0x3E80, s28;
	_ =	sdelay $0x1  }
0x103: {  	s1 =	sadd.s32 s1, s11  }
.Ltmp9:
0x104: {  	s1 =	sshrl.u32 s1, $0x3;
	(pc) =	sbr.rel .LBB2_6-.Ltmp9, $4  }
0x105: {  	s29 =	sadd.s32 s3, s1  }
0x106: {  	[tilespmem:s17], [sflag:$0x2] =	stream.linear.gather [hbm4b:s29+s2], $0x1F40, $0x38;
	[tilespmem:$0xF400] =	vst v63  }
0x107: {  	s28 =	sadd.s32 $0x1, s28;
	s1 =	sadd.s32 s4, s1  }
0x108: {  	[tilespmem:s18], [sflag:$0x4] =	stream.linear.gather [hbm4b:s1+s2], $0x1F40, $0x38;
	[tilespmem:$0xF400] =	vst v63  }
.LBB2_17:
0x109: {  	_ =	sfence.sel $0x180000  }
0x10a: {  	[bflag:$0x0] =	sbarrier.arrive $0xFFFF  }
0x10b: {  	_ =	strace $0x9000004D  }
0x10c: {  	[bflag:$0x2] =	sbarrier.arrive $0xFFFF  }
0x10d: {  	p0 =	sne.s32 s0, $0x0;
	s0 =	rddreg [dreg:$0x1]  }
0x10e: {  	s0 =	sadd.s32 @!p0 $0x100000, s0  }
0x10f: {  	[sflag:s0] =	ssyncadd.tile.s32 @!p0 $0x1;
	_ =	shalt  }
.Lfunc_end2:
_tile_overlayer_lowered:
.L_overlay_start_2:
0x110: {  	(tag) =	ssettag $0x2  }
0x111: {  	s0 =	rddreg [dreg:$0x0];
	s2 =	stileid.u32  }
0x112: {  	s1 =	rddreg [dreg:$0x1];
	p0 =	sne.s32 s2, $0x0  }
0x113: {  	s3 =	rddreg [dreg:$0x2];
	[bflag:$0x3] =	sbarrier.arrive $0xFFFF;
	s2 =	simm.s32 @!p0 $0x1C06  }
0x114: {  	[timem:s3], [sflag:s2] =	dma.local @!p0 [hbm:s0], s1  }
0x115: {  	s0 =	simm.s32 @!p0 $0x6  }
0x116: {  	_ =	swait.ge @!p0 [sflag:s0], s1  }
0x117: {  	s1 =	ssub.s32 @!p0 $0x0, s1;
	[sflag:s0] =	ssyncset.done @!p0 $0x0  }
0x118: {  	[sflag:s0] =	ssyncadd.s32 @!p0 s1  }
0x119: {  	[bflag:$0x3] =	sbarrier.arrive $0xFFFF  }
0x11a: {  	_ =	shalt  }

// kernel: kernel.20.cloned.1.call-start
scs
__scs_entry_jumppad:
0x0: {  	(pc) =	sbr.rel $0x88, $3  }
0x1: {  	(tag) =	ssettag $0x0;
	lr =	simm.s32 $0x1  }
0x2: {  	[smem:$0x3F8D] =	sst lr;
	_ =	strace $0xD0000000  }
0x3: {  	_ = 	snop  }
0x4: {  	_ = 	snop  }
0x5: {  	_ = 	snop  }
0x6: {  	_ = 	snop  }
0x7: {  	_ = 	snop  }
__scs_overlays_trampoline_lowered:
0x8: {  	[smem:$0x3F9C] =	sst s0  }
0x9: {  	[smem:$0x3F9D] =	sst s1  }
0xa: {  	[smem:$0x3F9E] =	sst s2  }
0xb: {  	[smem:$0x3F9F] =	sst s3  }
0xc: {  	[smem:$0x3FA0] =	sst s4  }
0xd: {  	[smem:$0x3FA1] =	sst s5  }
0xe: {  	[smem:$0x3FA2] =	sst s6  }
0xf: {  	[smem:$0x3FA3] =	sst s7  }
0x10: {  	[smem:$0x3FA4] =	sst s8  }
0x11: {  	[smem:$0x3FA5] =	sst s9;
	s0 =	simm.s32 @!p0 $0x0  }
0x12: {  	s1 =	sld [smem:$0x3F8B];
	s0 =	simm.s32 @p0 $0x1  }
0x13: {  	[smem:$0x3FA6] =	sst s0;
	s0 =	simm.s32 @!p1 $0x0  }
0x14: {  	s2 =	sld [smem:$0x3F8A];
	s0 =	simm.s32 @p1 $0x1  }
0x15: {  	[smem:$0x3FA7] =	sst s0;
	s0 =	simm.s32 @!p2 $0x0  }
0x16: {  	s3 =	sld [smem:$0x3FDB];
	s0 =	simm.s32 @p2 $0x1  }
0x17: {  	s4 =	simm.s32 $0x1BF5;
	[smem:$0x3FA9] =	sst s0  }
0x18: {  	s0 =	sld [smem:$0x3F8C];
	_ =	swait.ge [sflag:s4], $0x0  }
0x19: {  	s7 =	sld [smem:$0x3F8D]  }
0x1a: {  	s8 =	sadd.s32 $0xFFFFE003, lr  }
0x1b: {  	s9 =	sadd.s32 $0xFFFFFEF7, lr;
	s5 =	simm.s32 $0xFFFFFFFF;
	p2 =	slt.u32 s8, $0xFFFFF086  }
0x1c: {  	p1 =	slt.u32 s9, $0xF7A;
	s5 =	simm.s32 @!p2 $0x0  }
0x1d: {  	s5 =	simm.s32 @p1 $0x1;
	p0 =	seq.s32 s7, s2  }
0x1e: {  	s7 =	smul.u32 @!p0 $0xF7A, s2;
	p2 =	seq.s32 @!p0 s5, $0x0  }
0x1f: {  	s9 =	smul.u32 $0xF7A, s1;
	s8 =	simm.s32 @!p0 $0x1BF5;
	p2 =	por !p2, p0  }
0x20: {  	[sflag:s8] =	ssyncset.s32 @!p0 $0xFFFFF086;
	s6 =	sadd.s32 @!p0 s3, s7;
	s7 =	simm.s32 @!p0 $0x108  }
0x21: {  	s3 =	sadd.s32 s3, s9;
	s6 =	sadd.s32 @!p0 $0x88, s6;
	s7 =	simm.s32 @p2 $0x1082  }
0x22: {  	[simem:s7], [sflag:s8] =	dma.local @!p0 [hbm:s6], $0xF7A  }
0x23: {  	s9 =	sor.u32 $0xD0000000, s2;
	s6 =	simm.s32 $0x108;
	_ =	swait.ge @!p0 [sflag:s8], $0x0  }
0x24: {  	s3 =	sadd.s32 $0x88, s3;
	s6 =	simm.s32 @!p1 $0x1082;
	[sflag:s4] =	ssyncset.s32 $0xFFFFF086  }
0x25: {  	[simem:s6], [sflag:s4] =	dma.local [hbm:s3], $0xF7A  }
0x26: {  	[smem:$0x3F8D] =	sst s1;
	(tag) =	ssettag s2;
	_ =	strace s9  }
0x27: {  	s1 =	sld [smem:$0x3F9D]  }
0x28: {  	s2 =	sld [smem:$0x3F9E]  }
0x29: {  	s4 =	sld [smem:$0x3FA0]  }
0x2a: {  	p0 =	seq.s32 s5, $0x0;
	s5 =	sld [smem:$0x3FA1]  }
0x2b: {  	s6 =	sld [smem:$0x3FA2]  }
0x2c: {  	s7 =	sld [smem:$0x3FA3]  }
0x2d: {  	s3 =	simm.s32 $0x108;
	s8 =	sld [smem:$0x3FA4]  }
0x2e: {  	s3 =	simm.s32 @!p0 $0x1082;
	s9 =	sld [smem:$0x3FA5]  }
0x2f: {  	lr =	sadd.s32 s0, s3;
	s0 =	sld [smem:$0x3F9C]  }
0x30: {  	s3 =	sld [smem:$0x3F9F]  }
0x31: {  	[smem:$0x3FA8] =	sst s10  }
0x32: {  	s10 =	sld [smem:$0x3FA6];
	_ =	sdelay $0x3  }
0x33: {  	p0 =	seq.s32 s10, $0x1;
	s10 =	sld [smem:$0x3FA8];
	_ =	sdelay $0x3  }
0x34: {  	[smem:$0x3FA8] =	sst s10  }
0x35: {  	s10 =	sld [smem:$0x3FA7];
	_ =	sdelay $0x3  }
0x36: {  	p1 =	seq.s32 s10, $0x1;
	s10 =	sld [smem:$0x3FA8];
	_ =	sdelay $0x3  }
0x37: {  	[smem:$0x3FA8] =	sst s10  }
0x38: {  	s10 =	sld [smem:$0x3FA9]  }
0x39: {  	_ = 	snop;
	(pc) =	sbr.ind lr, $3  }
0x3a: {  	_ = 	snop  }
0x3b: {  	_ = 	snop  }
0x3c: {  	p2 =	seq.s32 s10, $0x1;
	s10 =	sld [smem:$0x3FA8]  }
0x3d: {  	_ =	shalt  }
0x3e: {  	_ =	shalt  }
0x3f: {  	_ =	shalt  }
0x40: {  	_ =	shalt  }
0x41: {  	_ =	shalt  }
0x42: {  	_ =	shalt  }
0x43: {  	_ =	shalt  }
0x44: {  	_ =	shalt  }
0x45: {  	_ =	shalt  }
0x46: {  	_ =	shalt  }
0x47: {  	_ =	shalt  }
0x48: {  	_ =	shalt  }
0x49: {  	_ =	shalt  }
0x4a: {  	_ =	shalt  }
0x4b: {  	_ =	shalt  }
0x4c: {  	_ =	shalt  }
0x4d: {  	_ =	shalt  }
0x4e: {  	_ =	shalt  }
0x4f: {  	_ =	shalt  }
0x50: {  	_ =	shalt  }
0x51: {  	_ =	shalt  }
0x52: {  	_ =	shalt  }
0x53: {  	_ =	shalt  }
0x54: {  	_ =	shalt  }
0x55: {  	_ =	shalt  }
0x56: {  	_ =	shalt  }
0x57: {  	_ =	shalt  }
0x58: {  	_ =	shalt  }
0x59: {  	_ =	shalt  }
0x5a: {  	_ =	shalt  }
0x5b: {  	_ =	shalt  }
0x5c: {  	_ =	shalt  }
0x5d: {  	_ =	shalt  }
0x5e: {  	_ =	shalt  }
0x5f: {  	_ =	shalt  }
0x60: {  	_ =	shalt  }
0x61: {  	_ =	shalt  }
0x62: {  	_ =	shalt  }
0x63: {  	_ =	shalt  }
0x64: {  	_ =	shalt  }
0x65: {  	_ =	shalt  }
0x66: {  	_ =	shalt  }
0x67: {  	_ =	shalt  }
0x68: {  	_ =	shalt  }
0x69: {  	_ =	shalt  }
0x6a: {  	_ =	shalt  }
0x6b: {  	_ =	shalt  }
0x6c: {  	_ =	shalt  }
0x6d: {  	_ =	shalt  }
0x6e: {  	_ =	shalt  }
0x6f: {  	_ =	shalt  }
0x70: {  	_ =	shalt  }
0x71: {  	_ =	shalt  }
0x72: {  	_ =	shalt  }
0x73: {  	_ =	shalt  }
0x74: {  	_ =	shalt  }
0x75: {  	_ =	shalt  }
0x76: {  	_ =	shalt  }
0x77: {  	_ =	shalt  }
0x78: {  	_ =	shalt  }
0x79: {  	_ =	shalt  }
0x7a: {  	_ =	shalt  }
0x7b: {  	_ =	shalt  }
0x7c: {  	_ =	shalt  }
0x7d: {  	_ =	shalt  }
0x7e: {  	_ =	shalt  }
0x7f: {  	_ =	shalt  }
0x80: {  	_ =	shalt  }
0x81: {  	_ =	shalt  }
0x82: {  	_ =	shalt  }
0x83: {  	_ =	shalt  }
0x84: {  	_ =	shalt  }
0x85: {  	_ =	shalt  }
0x86: {  	_ =	shalt  }
0x87: {  	_ =	shalt  }
.Lfunc_end0:
.L_simem_size_0:
called_computation.3_lowered:
.L_overlay_start_0:
0x88: {  	s2 =	sld [smem:$0x3FD9]  }
0x89: {  	s3 =	sld [smem:$0x3FFE];
	_ =	sdelay $0x1  }
0x8a: {  	s1 =	srdreg.scid  }
0x8b: {  	s0 =	sand.u32 $0x1, s1  }
0x8c: {  	s16 =	sshll.u32 s0, $0xA;
	s2 =	sadd.s32 s3, s2  }
0x8d: {  	s2 =	sadd.s32 s2, s16  }
0x8e: {  	[smem:$0x3FB4] =	sst s2  }
0x8f: {  	_ = 	snop  }
0x90: {  	(tm) =	ssettm $0x1  }
0x91: {  	s17 =	sld [smem:$0x3FFB];
	_ =	sdelay $0x3  }
0x92: {  	_ =	strace s17  }
0x93: {  	s2 =	sld [smem:$0x3FFC];
	_ =	sdelay $0x3  }
0x94: {  	_ =	strace s2  }
0x95: {  	s2 =	sld [smem:$0x3FFD];
	_ =	sdelay $0x3  }
0x96: {  	_ =	strace s2  }
0x97: {  	_ =	strace $0x8FFFFFFF  }
0x98: {  	s18 =	sld [smem:$0x3FDB];
	_ =	sdelay $0x1  }
0x99: {  	s19 =	simm.s32 $_scs_section_size  }
0x9a: {  	s4 =	simm.s32 $_size__tile_overlayer_lowered;
	s5 =	simm.s32 $_tile_overlayer_lowered  }
0x9b: {  	s22 =	simm.s32 $0x1BFF;
	s21 =	sshll.u32 s5, $0x1;
	s2 =	sadd.s32 s19, s18  }
0x9c: {  	s6 =	simm.s32 $0x0;
	s20 =	sshll.u32 s4, $0x1;
	s4 =	sadd.s32 s21, s2  }
0x9d: {  	[timem:s6], [sflag:s22] =	dma.local [hbm:s4], s20  }
0x9e: {  	_ =	swait.ge [sflag:s22], s20  }
0x9f: {  	s3 =	ssub.s32 $0x0, s20;
	[sflag:s22] =	ssyncset.done $0x0  }
0xa0: {  	[sflag:s22] =	ssyncadd.s32 s3;
	_ =	sdelay $0x1  }
0xa1: {  	s23 =	simm.s32 $0x1B8B  }
0xa2: {  	_ =	swait.ge [sflag:s23], $0x1  }
0xa3: {  	[sflag:s23] =	ssyncset.done $0x0  }
0xa4: {  	s25 =	simm.s32 $0x1B8E;
	s24 =	sld [smem:$0x3FFE];
	[sflag:s23] =	ssyncadd.s32 $0xFFFFFFFF  }
0xa5: {  	s26 =	simm.s32 $execute0_lowered;
	[smem:$0x3FD2] =	sst s25  }
0xa6: {  	s4 =	sshll.u32 s26, $0x1;
	_ =	strace $0x8000004F;
	[dreg:$0x1] =	wrdreg $0xFFFFFFFF  }
0xa7: {  	s28 =	simm.s32 $_size_execute0_lowered;
	s2 =	sadd.s32 s2, s4;
	[dreg:$0x0] =	wrdreg $0x0  }
0xa8: {  	s4 =	sshll.u32 s28, $0x1;
	[dreg:$0x2] =	wrdreg s2  }
0xa9: {  	[dreg:$0x3] =	wrdreg s4  }
0xaa: {  	[dreg:$0x4] =	wrdreg $0xC0  }
0xab: {  	_ =	task [dreg:s6], $0x5FFFF  }
0xac: {  	[dreg:$0x1] =	wrdreg $0xFFFFFFFF  }
0xad: {  	[dreg:$0x0] =	wrdreg $0x60  }
0xae: {  	[dreg:$0x2] =	wrdreg s24  }
0xaf: {  	[dreg:$0x3] =	wrdreg $0x9  }
0xb0: {  	_ =	task.clear_ibuf [dreg:s6], $0x4FFFF;
	_ =	strace $0x9000004F  }
0xb1: {  	s29 =	simm.s32 $0x9;
	_ =	strace $0x80000051  }
0xb2: {  	_ =	swait.ge [sflag:s29], $0x1  }
0xb3: {  	[sflag:s29] =	ssyncadd.s32 $0xFFFFFFFF  }
0xb4: {  	_ =	strace $0x90000051  }
0xb5: {  	_ =	sfence  }
0xb6: {  	s30 =	sld [smem:$0x0];
	_ =	sdelay $0x2  }
0xb7: {  	s31 =	sshll.u32 s1, $0xD;
	s1 =	sshrl.u32 s1, $0x2  }
0xb8: {  	s3 =	sand.u32 $0x4000, s31;
	s1 =	sadd.s32 s1, s30  }
0xb9: {  	s0 =	sor.u32 s3, s0;
	s1 =	sshll.u32 s1, $0x11  }
0xba: {  	s0 =	sor.u32 s1, s0  }
0xbb: {  	s0 =	sadd.s32 $0x8F2B, s0  }
0xbc: {  	[sflag:s0] =	ssyncadd.remote.s32 $0x1  }
0xbd: {  	_ =	sfence.sel $0xFFFF  }
0xbe: {  	[dreg:$0x0] =	wrdreg $0xFFFFFFFF;
	(pc) =	sbr.abs _section_cstart, $3  }
0xbf: {  	[dreg:$0x1] =	wrdreg $0xFFFFFFFF  }
0xc0: {  	_ =	task.clear_ibuf [dreg:s6], $0x2FFFF;
	_ =	strace $0x9FFFFFFF  }
0xc1: {  	(tm) =	ssettm $0x7FFFFFFF  }
tec
execute0_lowered:
.L_overlay_start_1:
0x0: {  	(tag) =	ssettag $0x1  }
0x1: {  	s0 =	stileid.u32;
	s1 =	srdreg.scid  }
0x2: {  	s5 =	rddreg [dreg:$0x0];
	s2 =	simm.s32 $0x0;
	s14 =	simm.s32 $0x5  }
0x3: {  	s15 =	simm.s32 $0x7600;
	s16 =	simm.s32 $0xB500;
	s17 =	simm.s32 $0x9580  }
0x4: {  	s18 =	simm.s32 $0xD480;
	s19 =	simm.s32 $0x1;
	s20 =	simm.s32 $0x3  }
0x5: {  	s21 =	simm.s32 $0x2780;
	s22 =	simm.s32 $0x2;
	s23 =	simm.s32 $0x4  }
0x6: {  	s24 =	simm.s32 $0x6;
	s25 =	simm.s32 $0x0;
	s3 =	smul.u32 $0x4E2, s0  }
0x7: {  	s1 =	sand.u32 $0x1, s1;
	[smem:$0x7FF] =	sst s2;
	s6 =	smul.u32 $0x4E20, s0  }
0x8: {  	s4 =	smul.u32 $0x4E200, s1;
	_ =	strace $0x80000050;
	s8 =	ssub.s32 $0x2, s1  }
0x9: {  	s1 =	smul.u32 $0x27100, s1;
	s7 =	sadd.s32 s3, s5;
	s30 =	sshrl.u32 s8, $0x1  }
0xa: {  	s3 =	sadd.s32 $0x17000, s5;
	s4 =	sadd.s32 s6, s4;
	s13 =	ssub.s32 s8, s30  }
.Ltmp0:
0xb: {  	s31 =	sshrl.u32 s1, $0x3;
	s10 =	sadd.s32 $0x3E80, s1;
	(pc) =	sbr.rel .LBB2_1-.Ltmp0, $4  }
0xc: {  	s11 =	sadd.s32 $0x5DC0, s1;
	s6 =	sshrl.u32 s4, $0x3;
	s4 =	sadd.s32 $0xD200, s5  }
0xd: {  	s9 =	sadd.s32 $0x3E8, s31;
	s13 =	smax.u32 s13, $0x1;
	s12 =	sadd.s32 s6, s5  }
0xe: {  	s5 =	sadd.s32 $0x3400, s7;
	s6 =	sadd.s32 s3, s31;
	s7 =	sadd.s32 s4, s31  }
0xf: {  	v0 =	vimm.f32 $0.0e+00;
	s8 =	sadd.s32 s3, s9;
	s9 =	sadd.s32 s4, s9;
	s12 =	sadd.s32 $0x20E00, s12  }
.LBB2_16:
0x10: {  	s25 =	sadd.s32 $0x1, s25  }
0x11: {  	p0 =	sne.s32 s25, s13  }
.Ltmp1:
0x12: {  	_ = 	snop;
	(pc) =	sbr.rel @!p0 .LBB2_17-.Ltmp1, $4  }
0x13: {  	[hbm4b:s12+s2] =	stream.linear.scatter [tilespmem:s21], [sflag:$0x6], $0x4E20, $0x38;
	[tilespmem:$0xF400] =	vst v63  }
0x14: {  	_ =	swait.ge [sflag:s24], $0x4E20  }
0x15: {  	[sflag:s24] =	ssyncset.done $0x0  }
0x16: {  	[sflag:s24] =	ssyncadd.s32 $0xFFFFB1E0  }
.LBB2_1:
0x17: {  	[tilespmem:s2], [sflag:$0x5] =	stream.linear.gather [hbm4b:s5+s2], $0x2710, $0x38;
	[tilespmem:$0xF400] =	vst v63  }
0x18: {  	s1 =	simm.s32 $0x27A0  }
0x19: {  	[tilespmem:s1+$0xFFFFFFE0] =	vst v0  }
0x1a: {  	[tilespmem:s1+$0x10] =	vst v0  }
0x1b: {  	s26 =	simm.s32 $0x0;
	[tilespmem:s1+$0x0] =	vst v0  }
.LBB2_2:
0x1c: {  	s26 =	sadd.s32 $0x4, s26  }
0x1d: {  	[tilespmem:s1+$0xFFFFFFF0] =	vst v0;
	s1 =	sadd.s32 $0x40, s1;
	p0 =	slt.u32 s26, $0x4DC  }
.Ltmp2:
0x1e: {  	[tilespmem:s1+$0xFFFFFFE0] =	vst v0;
	(pc) =	sbr.rel @p0 .LBB2_2-.Ltmp2, $3  }
0x1f: {  	_ =	sdelay $0x1  }
0x20: {  	[tilespmem:s1+$0x10] =	vst v0  }
0x21: {  	[tilespmem:s1+$0x0] =	vst v0  }
0x22: {  	[tilespmem:s1+$0xFFFFFFF0] =	vst v0;
	s1 =	simm.s32 $0x0  }
.LBB2_4:
0x23: {  	p0 =	sne.s32 s1, $0x40  }
.Ltmp3:
0x24: {  	_ = 	snop;
	(pc) =	sbr.rel @p0 .LBB2_4-.Ltmp3, $3  }
0x25: {  	_ =	sdelay $0x1  }
0x26: {  	s26 =	sshra.s32 s1, $0x2  }
0x27: {  	s1 =	sadd.s32 $0x40, s1;
	[tilespmem:s26+$0x7580] =	vst v0  }
0x28: {  	_ =	swait.ge [sflag:s14], $0x2710  }
0x29: {  	[sflag:s14] =	ssyncset.done $0x0  }
0x2a: {  	s26 =	simm.s32 $0x0;
	[sflag:s14] =	ssyncadd.s32 $0xFFFFD8F0  }
0x2b: {  	[tilespmem:s15], [sflag:$0x1] =	stream.linear.gather [hbm4b:s6+s26], $0x1F40, $0x38;
	[tilespmem:$0xF400] =	vst v63  }
0x2c: {  	_ = 	snop  }
0x2d: {  	[tilespmem:s16], [sflag:$0x3] =	stream.linear.gather [hbm4b:s7+s26], $0x1F40, $0x38;
	[tilespmem:$0xF400] =	vst v63  }
0x2e: {  	_ = 	snop  }
0x2f: {  	[tilespmem:s17], [sflag:$0x2] =	stream.linear.gather [hbm4b:s8+s26], $0x1F40, $0x38;
	[tilespmem:$0xF400] =	vst v63  }
0x30: {  	s28 =	simm.s32 $0x0  }
0x31: {  	[tilespmem:s18], [sflag:$0x4] =	stream.linear.gather [hbm4b:s9+s26], $0x1F40, $0x38;
	[tilespmem:$0xF400] =	vst v63  }
.LBB2_6:
0x32: {  	_ =	swait.ge [sflag:s19], $0x1F40  }
0x33: {  	[sflag:s19] =	ssyncset.done $0x0  }
0x34: {  	[sflag:s19] =	ssyncadd.s32 $0xFFFFE0C0  }
0x35: {  	_ =	swait.ge [sflag:s20], $0x1F40  }
0x36: {  	[sflag:s20] =	ssyncset.done $0x0  }
0x37: {  	s1 =	simm.s32 $0x7640;
	[sflag:s20] =	ssyncadd.s32 $0xFFFFE0C0  }
0x38: {  	v1 =	vld [tilespmem:s1+$0x30]  }
0x39: {  	v2 =	vld [tilespmem:s1+$0xFFFFFFD0]  }
0x3a: {  	v3 =	vld [tilespmem:s1+$0xFFFFFFE0]  }
0x3b: {  	v4 =	vld [tilespmem:s1+$0xFFFFFFF0]  }
0x3c: {  	v5 =	vld [tilespmem:s1+$0x0]  }
0x3d: {  	v7 =	vld [tilespmem:s1+$0x10];
	v6 =	vand.u32 $0xFFFF, v1  }
0x3e: {  	v9 =	vld [tilespmem:s1+$0xFFFFFFC0]  }
0x3f: {  	s29 =	simm.s32 $0xB540;
	v10 =	vld [tilespmem:s1+$0x20]  }
0x40: {  	v16 =	vld [tilespmem:s29+$0x30]  }
0x41: {  	v54 =	vld [tilespmem:s29+$0xFFFFFFE0]  }
0x42: {  	v8 =	vand.u32 $0xFFFF, v2;
	v6 =	vld.idx.msk [tilespmem:v6+s26+$0x0], $0xffff  }
0x43: {  	v56 =	vld [tilespmem:s29+$0xFFFFFFF0];
	v11 =	vand.u32 $0xFFFF, v3  }
0x44: {  	v21 =	vld [tilespmem:s29+$0x0];
	v15 =	vand.u32 $0xFFFF, v9  }
0x45: {  	v23 =	vld [tilespmem:s29+$0x10];
	v1 =	vshrl.u32 v1, $0x10  }
0x46: {  	v57 =	vld [tilespmem:s29+$0x20]  }
0x47: {  	v18 =	vadd.s32 $0x2710, v1;
	v8 =	vld.idx.msk [tilespmem:v8+s26+$0x0], $0xffff;
	v19 =	vshll.u32 v6, $0x10  }
0x48: {  	v11 =	vld.idx.msk [tilespmem:v11+s26+$0x0], $0xffff;
	v19 =	vmul.f32 v19, v16  }
0x49: {  	v12 =	vand.u32 $0xFFFF, v4;
	v15 =	vld.idx.msk [tilespmem:v15+s26+$0x0], $0xffff;
	v6 =	vand.u32 $0xFFFF0000, v6  }
0x4a: {  	v13 =	vand.u32 $0xFFFF, v5;
	v6 =	vmul.f32 v6, v16;
	[tilespmem:v1+s21+$0x0] =	vst.idx.add.f32.msk $0xffff, v19  }
0x4b: {  	v14 =	vand.u32 $0xFFFF, v7;
	v1 =	vld [tilespmem:s29+$0xFFFFFFC0]  }
0x4c: {  	v17 =	vand.u32 $0xFFFF, v10;
	[tilespmem:v18+s21+$0x0] =	vst.idx.add.f32.msk $0xffff, v6  }
0x4d: {  	v9 =	vshrl.u32 v9, $0x10;
	v6 =	vld [tilespmem:s29+$0xFFFFFFD0]  }
0x4e: {  	v55 =	vadd.s32 $0x2710, v9;
	v12 =	vld.idx.msk [tilespmem:v12+s26+$0x0], $0xffff  }
0x4f: {  	v2 =	vshrl.u32 v2, $0x10;
	v13 =	vld.idx.msk [tilespmem:v13+s26+$0x0], $0xffff;
	v20 =	vshll.u32 v15, $0x10  }
0x50: {  	v22 =	vadd.s32 $0x2710, v2;
	v14 =	vld.idx.msk [tilespmem:v14+s26+$0x0], $0xffff;
	v15 =	vand.u32 $0xFFFF0000, v15;
	v20 =	vmul.f32 v20, v1  }
0x51: {  	v3 =	vshrl.u32 v3, $0x10;
	v17 =	vld.idx.msk [tilespmem:v17+s26+$0x0], $0xffff;
	v24 =	vshll.u32 v8, $0x10;
	v1 =	vmul.f32 v15, v1  }
0x52: {  	v25 =	vadd.s32 $0x2710, v3;
	v8 =	vand.u32 $0xFFFF0000, v8;
	v24 =	vmul.f32 v24, v6;
	[tilespmem:v9+s21+$0x0] =	vst.idx.add.f32.msk $0xffff, v20  }
0x53: {  	v4 =	vshrl.u32 v4, $0x10;
	v58 =	vshll.u32 v11, $0x10;
	v6 =	vmul.f32 v8, v6;
	[tilespmem:v55+s21+$0x0] =	vst.idx.add.f32.msk $0xffff, v1  }
0x54: {  	v59 =	vand.u32 $0xFFFF0000, v11;
	v9 =	vmul.f32 v58, v54;
	v1 =	vadd.s32 $0x2710, v4;
	[tilespmem:v2+s21+$0x0] =	vst.idx.add.f32.msk $0xffff, v24  }
0x55: {  	v8 =	vmul.f32 v59, v54;
	v2 =	vshrl.u32 v5, $0x10;
	v5 =	vshll.u32 v12, $0x10;
	[tilespmem:v22+s21+$0x0] =	vst.idx.add.f32.msk $0xffff, v6  }
0x56: {  	v60 =	vand.u32 $0xFFFF0000, v12;
	v6 =	vadd.s32 $0x2710, v2;
	v5 =	vmul.f32 v5, v56;
	[tilespmem:v3+s21+$0x0] =	vst.idx.add.f32.msk $0xffff, v9  }
0x57: {  	v61 =	vmul.f32 v60, v56;
	v3 =	vshrl.u32 v7, $0x10;
	v7 =	vshll.u32 v13, $0x10;
	[tilespmem:v25+s21+$0x0] =	vst.idx.add.f32.msk $0xffff, v8  }
0x58: {  	v63 =	vand.u32 $0xFFFF0000, v13;
	v62 =	vadd.s32 $0x2710, v3;
	v7 =	vmul.f32 v7, v21;
	[tilespmem:v4+s21+$0x0] =	vst.idx.add.f32.msk $0xffff, v5  }
0x59: {  	v4 =	vshll.u32 v14, $0x10;
	v5 =	vmul.f32 v63, v21;
	[tilespmem:v1+s21+$0x0] =	vst.idx.add.f32.msk $0xffff, v61  }
0x5a: {  	v4 =	vmul.f32 v4, v23;
	v1 =	vand.u32 $0xFFFF0000, v14;
	[tilespmem:v2+s21+$0x0] =	vst.idx.add.f32.msk $0xffff, v7  }
0x5b: {  	v7 =	vmul.f32 v1, v23;
	[tilespmem:v6+s21+$0x0] =	vst.idx.add.f32.msk $0xffff, v5  }
0x5c: {  	v1 =	vshrl.u32 v10, $0x10;
	v5 =	vshll.u32 v17, $0x10;
	v6 =	vand.u32 $0xFFFF0000, v17;
	[tilespmem:v3+s21+$0x0] =	vst.idx.add.f32.msk $0xffff, v4  }
0x5d: {  	s30 =	simm.s32 $0x0;
	s31 =	simm.s32 $0x76C0;
	v2 =	vadd.s32 $0x2710, v1;
	v4 =	vmul.f32 v5, v57;
	v3 =	vmul.f32 v6, v57;
	[tilespmem:v62+s21+$0x0] =	vst.idx.add.f32.msk $0xffff, v7  }
.LBB2_7:
0x5e: {  	v5 =	vld [tilespmem:s31+$0x30]  }
0x5f: {  	s30 =	sadd.s32 $0x8, s30;
	v6 =	vld [tilespmem:s31+$0xFFFFFFD0]  }
0x60: {  	p0 =	slt.u32 s30, $0x1E8;
	v7 =	vld [tilespmem:s31+$0xFFFFFFE0]  }
0x61: {  	v8 =	vld [tilespmem:s31+$0xFFFFFFF0]  }
0x62: {  	v9 =	vld [tilespmem:s31+$0x0]  }
0x63: {  	v10 =	vld [tilespmem:s31+$0x10];
	v11 =	vand.u32 $0xFFFF, v5  }
0x64: {  	v12 =	vshrl.u32 v6, $0x10;
	v6 =	vand.u32 $0xFFFF, v6;
	v13 =	vld [tilespmem:s31+$0x20]  }
0x65: {  	v14 =	vld [tilespmem:s31+$0xFFFFFFC0];
	v15 =	vadd.s32 $0x2710, v12;
	v16 =	vshrl.u32 v7, $0x10;
	v7 =	vand.u32 $0xFFFF, v7  }
0x66: {  	v17 =	vadd.s32 $0x2710, v16;
	v18 =	vshrl.u32 v8, $0x10;
	v8 =	vand.u32 $0xFFFF, v8;
	[tilespmem:v1+s21+$0x0] =	vst.idx.add.f32.msk $0xffff, v4  }
0x67: {  	s1 =	simm.s32 $0x0;
	v19 =	vadd.s32 $0x2710, v18;
	v20 =	vshrl.u32 v9, $0x10;
	v4 =	vand.u32 $0xFFFF, v9;
	[tilespmem:v2+s21+$0x0] =	vst.idx.add.f32.msk $0xffff, v3  }
0x68: {  	v9 =	vadd.s32 $0x2710, v20;
	v21 =	vshrl.u32 v10, $0x10;
	v3 =	vand.u32 $0xFFFF, v10;
	v10 =	vld.idx.msk [tilespmem:v11+s1+$0x0], $0xffff  }
0x69: {  	s29 =	sadd.s32 $0x80, s29;
	v6 =	vld.idx.msk [tilespmem:v6+s1+$0x0], $0xffff;
	v11 =	vadd.s32 $0x2710, v21;
	v1 =	vshrl.u32 v13, $0x10;
	v13 =	vand.u32 $0xFFFF, v13  }
0x6a: {  	v22 =	vshrl.u32 v14, $0x10;
	v14 =	vand.u32 $0xFFFF, v14;
	v2 =	vadd.s32 $0x2710, v1;
	v23 =	vld [tilespmem:s29+$0x30]  }
0x6b: {  	v24 =	vadd.s32 $0x2710, v22;
	v7 =	vld.idx.msk [tilespmem:v7+s1+$0x0], $0xffff  }
0x6c: {  	v5 =	vshrl.u32 v5, $0x10;
	v8 =	vld.idx.msk [tilespmem:v8+s1+$0x0], $0xffff  }
0x6d: {  	v25 =	vadd.s32 $0x2710, v5;
	v4 =	vld.idx.msk [tilespmem:v4+s1+$0x0], $0xffff  }
0x6e: {  	v26 =	vshll.u32 v10, $0x10;
	v3 =	vld.idx.msk [tilespmem:v3+s1+$0x0], $0xffff  }
0x6f: {  	v10 =	vand.u32 $0xFFFF0000, v10;
	v27 =	vshll.u32 v6, $0x10;
	v14 =	vld.idx.msk [tilespmem:v14+s1+$0x0], $0xffff;
	v26 =	vmul.f32 v26, v23  }
0x70: {  	v6 =	vand.u32 $0xFFFF0000, v6;
	v10 =	vmul.f32 v10, v23;
	v13 =	vld.idx.msk [tilespmem:v13+s1+$0x0], $0xffff  }
0x71: {  	v23 =	vshll.u32 v7, $0x10;
	v7 =	vand.u32 $0xFFFF0000, v7;
	[tilespmem:v5+s21+$0x0] =	vst.idx.add.f32.msk $0xffff, v26  }
0x72: {  	v5 =	vshll.u32 v8, $0x10;
	v8 =	vand.u32 $0xFFFF0000, v8;
	[tilespmem:v25+s21+$0x0] =	vst.idx.add.f32.msk $0xffff, v10  }
0x73: {  	v25 =	vshll.u32 v4, $0x10;
	v4 =	vand.u32 $0xFFFF0000, v4;
	v10 =	vld [tilespmem:s29+$0xFFFFFFC0]  }
0x74: {  	v28 =	vshll.u32 v3, $0x10;
	v3 =	vand.u32 $0xFFFF0000, v3;
	v26 =	vld [tilespmem:s29+$0xFFFFFFD0]  }
0x75: {  	v29 =	vshll.u32 v14, $0x10;
	v14 =	vand.u32 $0xFFFF0000, v14;
	v30 =	vld [tilespmem:s29+$0xFFFFFFE0]  }
0x76: {  	v32 =	vshll.u32 v13, $0x10;
	v13 =	vand.u32 $0xFFFF0000, v13;
	v31 =	vld [tilespmem:s29+$0xFFFFFFF0]  }
0x77: {  	v33 =	vld [tilespmem:s29+$0x0]  }
0x78: {  	v29 =	vmul.f32 v29, v10;
	v10 =	vmul.f32 v14, v10;
	v14 =	vld [tilespmem:s29+$0x10]  }
0x79: {  	v27 =	vmul.f32 v27, v26;
	v6 =	vmul.f32 v6, v26;
	v26 =	vld [tilespmem:s29+$0x20]  }
0x7a: {  	[tilespmem:v22+s21+$0x0] =	vst.idx.add.f32.msk $0xffff, v29;
	v22 =	vmul.f32 v23, v30;
	v7 =	vmul.f32 v7, v30  }
0x7b: {  	[tilespmem:v24+s21+$0x0] =	vst.idx.add.f32.msk $0xffff, v10;
	v5 =	vmul.f32 v5, v31;
	v8 =	vmul.f32 v8, v31  }
0x7c: {  	[tilespmem:v12+s21+$0x0] =	vst.idx.add.f32.msk $0xffff, v27;
	v10 =	vmul.f32 v25, v33;
	v12 =	vmul.f32 v4, v33  }
0x7d: {  	[tilespmem:v15+s21+$0x0] =	vst.idx.add.f32.msk $0xffff, v6;
	v6 =	vmul.f32 v28, v14;
	v14 =	vmul.f32 v3, v14  }
0x7e: {  	[tilespmem:v16+s21+$0x0] =	vst.idx.add.f32.msk $0xffff, v22;
	v4 =	vmul.f32 v32, v26;
	v3 =	vmul.f32 v13, v26  }
0x7f: {  	[tilespmem:v17+s21+$0x0] =	vst.idx.add.f32.msk $0xffff, v7  }
0x80: {  	[tilespmem:v18+s21+$0x0] =	vst.idx.add.f32.msk $0xffff, v5  }
.Ltmp4:
0x81: {  	[tilespmem:v19+s21+$0x0] =	vst.idx.add.f32.msk $0xffff, v8;
	(pc) =	sbr.rel @p0 .LBB2_7-.Ltmp4, $4  }
0x82: {  	[tilespmem:v20+s21+$0x0] =	vst.idx.add.f32.msk $0xffff, v10  }
0x83: {  	[tilespmem:v9+s21+$0x0] =	vst.idx.add.f32.msk $0xffff, v12  }
0x84: {  	[tilespmem:v21+s21+$0x0] =	vst.idx.add.f32.msk $0xffff, v6  }
0x85: {  	s31 =	sadd.s32 $0x80, s31;
	[tilespmem:v11+s21+$0x0] =	vst.idx.add.f32.msk $0xffff, v14  }
0x86: {  	_ =	sdelay $0x3  }
0x87: {  	[tilespmem:v1+s21+$0x0] =	vst.idx.add.f32.msk $0xffff, v4  }
0x88: {  	[tilespmem:v2+s21+$0x0] =	vst.idx.add.f32.msk $0xffff, v3  }
.LBB2_9:
0x89: {  	s29 =	sshra.s32 s1, $0x2  }
0x8a: {  	v1 =	vld [tilespmem:s29+$0x9500];
	_ =	sdelay $0x4  }
0x8b: {  	v2 =	vand.u32 $0xFFFF, v1;
	_ =	sdelay $0x4  }
0x8c: {  	v2 =	vld.idx.msk [tilespmem:v2+s2+$0x0], $0xffff  }
0x8d: {  	v3 =	vld [tilespmem:s29+$0xD400];
	_ =	sdelay $0x1  }
0x8e: {  	v1 =	vshrl.u32 v1, $0x10  }
0x8f: {  	p0 =	sne.s32 s1, $0xC0;
	v4 =	vadd.s32 $0x2710, v1  }
.Ltmp5:
0x90: {  	v5 =	vshll.u32 v2, $0x10;
	(pc) =	sbr.rel @p0 .LBB2_9-.Ltmp5, $4  }
0x91: {  	v2 =	vand.u32 $0xFFFF0000, v2;
	v5 =	vmul.f32 v5, v3  }
0x92: {  	v2 =	vmul.f32 v2, v3  }
0x93: {  	[tilespmem:v1+s21+$0x0] =	vst.idx.add.f32.msk $0xffff, v5  }
0x94: {  	s1 =	sadd.s32 $0x40, s1;
	[tilespmem:v4+s21+$0x0] =	vst.idx.add.f32.msk $0xffff, v2  }
0x95: {  	p0 =	seq.s32 s28, $0x9  }
0x96: {  	s1 =	smul.u32 @!p0 $0x3E80, s28;
	_ =	sdelay $0x1  }
0x97: {  	s1 =	sadd.s32 @!p0 s1, s10  }
0x98: {  	s1 =	sshrl.u32 @!p0 s1, $0x3  }
0x99: {  	s30 =	simm.s32 @!p0 $0x0;
	s31 =	simm.s32 @!p0 $0x7600;
	s29 =	sadd.s32 @!p0 s3, s1  }
0x9a: {  	[tilespmem:s31], [sflag:$0x1] =	stream.linear.gather @!p0 [hbm4b:s29+s30], $0x1F40, $0x38;
	[tilespmem:$0xF400] =	vst v63  }
0x9b: {  	s1 =	sadd.s32 @!p0 s4, s1;
	s29 =	simm.s32 @!p0 $0xB500  }
0x9c: {  	[tilespmem:s29], [sflag:$0x3] =	stream.linear.gather @!p0 [hbm4b:s1+s30], $0x1F40, $0x38;
	[tilespmem:$0xF400] =	vst v63  }
0x9d: {  	_ =	swait.ge [sflag:s22], $0x1F40  }
0x9e: {  	[sflag:s22] =	ssyncset.done $0x0  }
0x9f: {  	[sflag:s22] =	ssyncadd.s32 $0xFFFFE0C0  }
0xa0: {  	_ =	swait.ge [sflag:s23], $0x1F40  }
0xa1: {  	[sflag:s23] =	ssyncset.done $0x0  }
0xa2: {  	s1 =	simm.s32 $0x95C0;
	[sflag:s23] =	ssyncadd.s32 $0xFFFFE0C0  }
0xa3: {  	v1 =	vld [tilespmem:s1+$0x30]  }
0xa4: {  	v2 =	vld [tilespmem:s1+$0xFFFFFFD0]  }
0xa5: {  	v3 =	vld [tilespmem:s1+$0xFFFFFFE0]  }
0xa6: {  	v4 =	vld [tilespmem:s1+$0xFFFFFFF0]  }
0xa7: {  	v5 =	vld [tilespmem:s1+$0x0]  }
0xa8: {  	v7 =	vld [tilespmem:s1+$0x10];
	v6 =	vand.u32 $0xFFFF, v1  }
0xa9: {  	v9 =	vld [tilespmem:s1+$0xFFFFFFC0]  }
0xaa: {  	s30 =	simm.s32 $0xD4C0;
	v10 =	vld [tilespmem:s1+$0x20]  }
0xab: {  	v16 =	vld [tilespmem:s30+$0x30]  }
0xac: {  	s29 =	simm.s32 $0x0;
	v54 =	vld [tilespmem:s30+$0xFFFFFFE0]  }
0xad: {  	v8 =	vand.u32 $0xFFFF, v2;
	v6 =	vld.idx.msk [tilespmem:v6+s29+$0x0], $0xffff  }
0xae: {  	v56 =	vld [tilespmem:s30+$0xFFFFFFF0];
	v11 =	vand.u32 $0xFFFF, v3  }
0xaf: {  	v21 =	vld [tilespmem:s30+$0x0];
	v15 =	vand.u32 $0xFFFF, v9  }
0xb0: {  	v23 =	vld [tilespmem:s30+$0x10];
	v1 =	vshrl.u32 v1, $0x10  }
0xb1: {  	v57 =	vld [tilespmem:s30+$0x20]  }
0xb2: {  	v18 =	vadd.s32 $0x2710, v1;
	v8 =	vld.idx.msk [tilespmem:v8+s29+$0x0], $0xffff;
	v19 =	vshll.u32 v6, $0x10  }
0xb3: {  	v11 =	vld.idx.msk [tilespmem:v11+s29+$0x0], $0xffff;
	v19 =	vmul.f32 v19, v16  }
0xb4: {  	v12 =	vand.u32 $0xFFFF, v4;
	v15 =	vld.idx.msk [tilespmem:v15+s29+$0x0], $0xffff;
	v6 =	vand.u32 $0xFFFF0000, v6  }
0xb5: {  	v13 =	vand.u32 $0xFFFF, v5;
	v6 =	vmul.f32 v6, v16;
	[tilespmem:v1+s21+$0x0] =	vst.idx.add.f32.msk $0xffff, v19  }
0xb6: {  	v14 =	vand.u32 $0xFFFF, v7;
	v1 =	vld [tilespmem:s30+$0xFFFFFFC0]  }
0xb7: {  	v17 =	vand.u32 $0xFFFF, v10;
	[tilespmem:v18+s21+$0x0] =	vst.idx.add.f32.msk $0xffff, v6  }
0xb8: {  	v9 =	vshrl.u32 v9, $0x10;
	v6 =	vld [tilespmem:s30+$0xFFFFFFD0]  }
0xb9: {  	v55 =	vadd.s32 $0x2710, v9;
	v12 =	vld.idx.msk [tilespmem:v12+s29+$0x0], $0xffff  }
0xba: {  	v2 =	vshrl.u32 v2, $0x10;
	v13 =	vld.idx.msk [tilespmem:v13+s29+$0x0], $0xffff;
	v20 =	vshll.u32 v15, $0x10  }
0xbb: {  	v22 =	vadd.s32 $0x2710, v2;
	v14 =	vld.idx.msk [tilespmem:v14+s29+$0x0], $0xffff;
	v15 =	vand.u32 $0xFFFF0000, v15;
	v20 =	vmul.f32 v20, v1  }
0xbc: {  	v3 =	vshrl.u32 v3, $0x10;
	v17 =	vld.idx.msk [tilespmem:v17+s29+$0x0], $0xffff;
	v24 =	vshll.u32 v8, $0x10;
	v1 =	vmul.f32 v15, v1  }
0xbd: {  	v25 =	vadd.s32 $0x2710, v3;
	v8 =	vand.u32 $0xFFFF0000, v8;
	v24 =	vmul.f32 v24, v6;
	[tilespmem:v9+s21+$0x0] =	vst.idx.add.f32.msk $0xffff, v20  }
0xbe: {  	v4 =	vshrl.u32 v4, $0x10;
	v58 =	vshll.u32 v11, $0x10;
	v6 =	vmul.f32 v8, v6;
	[tilespmem:v55+s21+$0x0] =	vst.idx.add.f32.msk $0xffff, v1  }
0xbf: {  	v59 =	vand.u32 $0xFFFF0000, v11;
	v9 =	vmul.f32 v58, v54;
	v1 =	vadd.s32 $0x2710, v4;
	[tilespmem:v2+s21+$0x0] =	vst.idx.add.f32.msk $0xffff, v24  }
0xc0: {  	v8 =	vmul.f32 v59, v54;
	v2 =	vshrl.u32 v5, $0x10;
	v5 =	vshll.u32 v12, $0x10;
	[tilespmem:v22+s21+$0x0] =	vst.idx.add.f32.msk $0xffff, v6  }
0xc1: {  	v60 =	vand.u32 $0xFFFF0000, v12;
	v6 =	vadd.s32 $0x2710, v2;
	v5 =	vmul.f32 v5, v56;
	[tilespmem:v3+s21+$0x0] =	vst.idx.add.f32.msk $0xffff, v9  }
0xc2: {  	v61 =	vmul.f32 v60, v56;
	v3 =	vshrl.u32 v7, $0x10;
	v7 =	vshll.u32 v13, $0x10;
	[tilespmem:v25+s21+$0x0] =	vst.idx.add.f32.msk $0xffff, v8  }
0xc3: {  	v63 =	vand.u32 $0xFFFF0000, v13;
	v62 =	vadd.s32 $0x2710, v3;
	v7 =	vmul.f32 v7, v21;
	[tilespmem:v4+s21+$0x0] =	vst.idx.add.f32.msk $0xffff, v5  }
0xc4: {  	v4 =	vshll.u32 v14, $0x10;
	v5 =	vmul.f32 v63, v21;
	[tilespmem:v1+s21+$0x0] =	vst.idx.add.f32.msk $0xffff, v61  }
0xc5: {  	v4 =	vmul.f32 v4, v23;
	v1 =	vand.u32 $0xFFFF0000, v14;
	[tilespmem:v2+s21+$0x0] =	vst.idx.add.f32.msk $0xffff, v7  }
0xc6: {  	v7 =	vmul.f32 v1, v23;
	[tilespmem:v6+s21+$0x0] =	vst.idx.add.f32.msk $0xffff, v5  }
0xc7: {  	v1 =	vshrl.u32 v10, $0x10;
	v5 =	vshll.u32 v17, $0x10;
	v6 =	vand.u32 $0xFFFF0000, v17;
	[tilespmem:v3+s21+$0x0] =	vst.idx.add.f32.msk $0xffff, v4  }
0xc8: {  	s31 =	simm.s32 $0x0;
	s1 =	simm.s32 $0x9640;
	v2 =	vadd.s32 $0x2710, v1;
	v4 =	vmul.f32 v5, v57;
	v3 =	vmul.f32 v6, v57;
	[tilespmem:v62+s21+$0x0] =	vst.idx.add.f32.msk $0xffff, v7  }
.LBB2_11:
0xc9: {  	v5 =	vld [tilespmem:s1+$0x30]  }
0xca: {  	s31 =	sadd.s32 $0x8, s31;
	v6 =	vld [tilespmem:s1+$0xFFFFFFD0]  }
0xcb: {  	p1 =	slt.u32 s31, $0x1E8;
	v7 =	vld [tilespmem:s1+$0xFFFFFFE0]  }
0xcc: {  	v8 =	vld [tilespmem:s1+$0xFFFFFFF0]  }
0xcd: {  	v9 =	vld [tilespmem:s1+$0x0]  }
0xce: {  	v10 =	vld [tilespmem:s1+$0x10];
	v11 =	vand.u32 $0xFFFF, v5  }
0xcf: {  	v12 =	vshrl.u32 v6, $0x10;
	v6 =	vand.u32 $0xFFFF, v6;
	v13 =	vld [tilespmem:s1+$0x20]  }
0xd0: {  	v14 =	vld [tilespmem:s1+$0xFFFFFFC0];
	v15 =	vadd.s32 $0x2710, v12;
	v16 =	vshrl.u32 v7, $0x10;
	v7 =	vand.u32 $0xFFFF, v7  }
0xd1: {  	v17 =	vadd.s32 $0x2710, v16;
	v18 =	vshrl.u32 v8, $0x10;
	v8 =	vand.u32 $0xFFFF, v8;
	[tilespmem:v1+s21+$0x0] =	vst.idx.add.f32.msk $0xffff, v4  }
0xd2: {  	v19 =	vadd.s32 $0x2710, v18;
	v20 =	vshrl.u32 v9, $0x10;
	v4 =	vand.u32 $0xFFFF, v9;
	[tilespmem:v2+s21+$0x0] =	vst.idx.add.f32.msk $0xffff, v3  }
0xd3: {  	v9 =	vadd.s32 $0x2710, v20;
	v21 =	vshrl.u32 v10, $0x10;
	v3 =	vand.u32 $0xFFFF, v10;
	v10 =	vld.idx.msk [tilespmem:v11+s29+$0x0], $0xffff  }
0xd4: {  	s30 =	sadd.s32 $0x80, s30;
	v6 =	vld.idx.msk [tilespmem:v6+s29+$0x0], $0xffff;
	v11 =	vadd.s32 $0x2710, v21;
	v1 =	vshrl.u32 v13, $0x10;
	v13 =	vand.u32 $0xFFFF, v13  }
0xd5: {  	v22 =	vshrl.u32 v14, $0x10;
	v14 =	vand.u32 $0xFFFF, v14;
	v2 =	vadd.s32 $0x2710, v1;
	v23 =	vld [tilespmem:s30+$0x30]  }
0xd6: {  	v24 =	vadd.s32 $0x2710, v22;
	v7 =	vld.idx.msk [tilespmem:v7+s29+$0x0], $0xffff  }
0xd7: {  	v5 =	vshrl.u32 v5, $0x10;
	v8 =	vld.idx.msk [tilespmem:v8+s29+$0x0], $0xffff  }
0xd8: {  	v25 =	vadd.s32 $0x2710, v5;
	v4 =	vld.idx.msk [tilespmem:v4+s29+$0x0], $0xffff  }
0xd9: {  	v26 =	vshll.u32 v10, $0x10;
	v3 =	vld.idx.msk [tilespmem:v3+s29+$0x0], $0xffff  }
0xda: {  	v10 =	vand.u32 $0xFFFF0000, v10;
	v27 =	vshll.u32 v6, $0x10;
	v14 =	vld.idx.msk [tilespmem:v14+s29+$0x0], $0xffff;
	v26 =	vmul.f32 v26, v23  }
0xdb: {  	v6 =	vand.u32 $0xFFFF0000, v6;
	v10 =	vmul.f32 v10, v23;
	v13 =	vld.idx.msk [tilespmem:v13+s29+$0x0], $0xffff  }
0xdc: {  	v23 =	vshll.u32 v7, $0x10;
	v7 =	vand.u32 $0xFFFF0000, v7;
	[tilespmem:v5+s21+$0x0] =	vst.idx.add.f32.msk $0xffff, v26  }
0xdd: {  	v5 =	vshll.u32 v8, $0x10;
	v8 =	vand.u32 $0xFFFF0000, v8;
	[tilespmem:v25+s21+$0x0] =	vst.idx.add.f32.msk $0xffff, v10  }
0xde: {  	v25 =	vshll.u32 v4, $0x10;
	v4 =	vand.u32 $0xFFFF0000, v4;
	v10 =	vld [tilespmem:s30+$0xFFFFFFC0]  }
0xdf: {  	v28 =	vshll.u32 v3, $0x10;
	v3 =	vand.u32 $0xFFFF0000, v3;
	v26 =	vld [tilespmem:s30+$0xFFFFFFD0]  }
0xe0: {  	v29 =	vshll.u32 v14, $0x10;
	v14 =	vand.u32 $0xFFFF0000, v14;
	v30 =	vld [tilespmem:s30+$0xFFFFFFE0]  }
0xe1: {  	v32 =	vshll.u32 v13, $0x10;
	v13 =	vand.u32 $0xFFFF0000, v13;
	v31 =	vld [tilespmem:s30+$0xFFFFFFF0]  }
0xe2: {  	v33 =	vld [tilespmem:s30+$0x0]  }
0xe3: {  	v29 =	vmul.f32 v29, v10;
	v10 =	vmul.f32 v14, v10;
	v14 =	vld [tilespmem:s30+$0x10]  }
0xe4: {  	v27 =	vmul.f32 v27, v26;
	v6 =	vmul.f32 v6, v26;
	v26 =	vld [tilespmem:s30+$0x20]  }
0xe5: {  	[tilespmem:v22+s21+$0x0] =	vst.idx.add.f32.msk $0xffff, v29;
	v22 =	vmul.f32 v23, v30;
	v7 =	vmul.f32 v7, v30  }
0xe6: {  	[tilespmem:v24+s21+$0x0] =	vst.idx.add.f32.msk $0xffff, v10;
	v5 =	vmul.f32 v5, v31;
	v8 =	vmul.f32 v8, v31  }
0xe7: {  	[tilespmem:v12+s21+$0x0] =	vst.idx.add.f32.msk $0xffff, v27;
	v10 =	vmul.f32 v25, v33;
	v12 =	vmul.f32 v4, v33  }
0xe8: {  	[tilespmem:v15+s21+$0x0] =	vst.idx.add.f32.msk $0xffff, v6;
	v6 =	vmul.f32 v28, v14;
	v14 =	vmul.f32 v3, v14  }
0xe9: {  	[tilespmem:v16+s21+$0x0] =	vst.idx.add.f32.msk $0xffff, v22;
	v4 =	vmul.f32 v32, v26;
	v3 =	vmul.f32 v13, v26  }
0xea: {  	[tilespmem:v17+s21+$0x0] =	vst.idx.add.f32.msk $0xffff, v7  }
0xeb: {  	[tilespmem:v18+s21+$0x0] =	vst.idx.add.f32.msk $0xffff, v5  }
.Ltmp6:
0xec: {  	[tilespmem:v19+s21+$0x0] =	vst.idx.add.f32.msk $0xffff, v8;
	(pc) =	sbr.rel @p1 .LBB2_11-.Ltmp6, $4  }
0xed: {  	[tilespmem:v20+s21+$0x0] =	vst.idx.add.f32.msk $0xffff, v10  }
0xee: {  	[tilespmem:v9+s21+$0x0] =	vst.idx.add.f32.msk $0xffff, v12  }
0xef: {  	[tilespmem:v21+s21+$0x0] =	vst.idx.add.f32.msk $0xffff, v6  }
0xf0: {  	s1 =	sadd.s32 $0x80, s1;
	[tilespmem:v11+s21+$0x0] =	vst.idx.add.f32.msk $0xffff, v14  }
0xf1: {  	_ =	sdelay $0x3  }
0xf2: {  	[tilespmem:v1+s21+$0x0] =	vst.idx.add.f32.msk $0xffff, v4  }
0xf3: {  	[tilespmem:v2+s21+$0x0] =	vst.idx.add.f32.msk $0xffff, v3  }
.LBB2_13:
0xf4: {  	s1 =	sshra.s32 s29, $0x2  }
0xf5: {  	v1 =	vld [tilespmem:s1+$0xB480];
	_ =	sdelay $0x4  }
0xf6: {  	v2 =	vand.u32 $0xFFFF, v1;
	_ =	sdelay $0x4  }
0xf7: {  	v2 =	vld.idx.msk [tilespmem:v2+s2+$0x0], $0xffff  }
0xf8: {  	v3 =	vld [tilespmem:s1+$0xF380];
	_ =	sdelay $0x1  }
0xf9: {  	v1 =	vshrl.u32 v1, $0x10  }
0xfa: {  	p1 =	sne.s32 s29, $0xC0;
	v4 =	vadd.s32 $0x2710, v1  }
.Ltmp7:
0xfb: {  	v5 =	vshll.u32 v2, $0x10;
	(pc) =	sbr.rel @p1 .LBB2_13-.Ltmp7, $4  }
0xfc: {  	v2 =	vand.u32 $0xFFFF0000, v2;
	v5 =	vmul.f32 v5, v3  }
0xfd: {  	v2 =	vmul.f32 v2, v3  }
0xfe: {  	[tilespmem:v1+s21+$0x0] =	vst.idx.add.f32.msk $0xffff, v5  }
0xff: {  	s29 =	sadd.s32 $0x40, s29;
	[tilespmem:v4+s21+$0x0] =	vst.idx.add.f32.msk $0xffff, v2  }
.Ltmp8:
0x100: {  	(pc) =	sbr.rel @p0 .LBB2_16-.Ltmp8, $1  }
0x101: {  	_ =	sdelay $0x3  }
0x102: {  	s1 =	smul.u32 $0x3E80, s28;
	_ =	sdelay $0x1  }
0x103: {  	s1 =	sadd.s32 s1, s11  }
.Ltmp9:
0x104: {  	s1 =	sshrl.u32 s1, $0x3;
	(pc) =	sbr.rel .LBB2_6-.Ltmp9, $4  }
0x105: {  	s29 =	sadd.s32 s3, s1  }
0x106: {  	[tilespmem:s17], [sflag:$0x2] =	stream.linear.gather [hbm4b:s29+s2], $0x1F40, $0x38;
	[tilespmem:$0xF400] =	vst v63  }
0x107: {  	s28 =	sadd.s32 $0x1, s28;
	s1 =	sadd.s32 s4, s1  }
0x108: {  	[tilespmem:s18], [sflag:$0x4] =	stream.linear.gather [hbm4b:s1+s2], $0x1F40, $0x38;
	[tilespmem:$0xF400] =	vst v63  }
.LBB2_17:
0x109: {  	_ =	sfence.sel $0x180000  }
0x10a: {  	[bflag:$0x0] =	sbarrier.arrive $0xFFFF  }
0x10b: {  	_ =	strace $0x90000050  }
0x10c: {  	[bflag:$0x2] =	sbarrier.arrive $0xFFFF  }
0x10d: {  	p0 =	sne.s32 s0, $0x0;
	s0 =	rddreg [dreg:$0x1]  }
0x10e: {  	s0 =	sadd.s32 @!p0 $0x100000, s0  }
0x10f: {  	[sflag:s0] =	ssyncadd.tile.s32 @!p0 $0x1;
	_ =	shalt  }
.Lfunc_end2:
_tile_overlayer_lowered:
.L_overlay_start_2:
0x110: {  	(tag) =	ssettag $0x2  }
0x111: {  	s0 =	rddreg [dreg:$0x0];
	s2 =	stileid.u32  }
0x112: {  	s1 =	rddreg [dreg:$0x1];
	p0 =	sne.s32 s2, $0x0  }
0x113: {  	s3 =	rddreg [dreg:$0x2];
	[bflag:$0x3] =	sbarrier.arrive $0xFFFF;
	s2 =	simm.s32 @!p0 $0x1C06  }
0x114: {  	[timem:s3], [sflag:s2] =	dma.local @!p0 [hbm:s0], s1  }
0x115: {  	s0 =	simm.s32 @!p0 $0x6  }
0x116: {  	_ =	swait.ge @!p0 [sflag:s0], s1  }
0x117: {  	s1 =	ssub.s32 @!p0 $0x0, s1;
	[sflag:s0] =	ssyncset.done @!p0 $0x0  }
0x118: {  	[sflag:s0] =	ssyncadd.s32 @!p0 s1  }
0x119: {  	[bflag:$0x3] =	sbarrier.arrive $0xFFFF  }
0x11a: {  	_ =	shalt  }

</sc_bundles>
